<compile_context>
chip_gen: v7x
topology: tpu7x:2x2x1
jax: 0.10.2.dev20260603
libtpu: 0.0.44.dev20260713+nightly
codegen_flags: <defaults>
</compile_context>

<pallas_src>
import functools

import jax
import jax.numpy as jnp
from jax import lax
from jax.experimental import pallas as pl
from jax.experimental.pallas import tpu as pltpu
from jax.experimental.pallas import tpu_sc as plsc

_E = 768
_P = 166
_PP = 168
_B = 16
_S = 1126
_W = 5
_CH = 64
_NCH = 18
_NW = 32
_PERW = (_B * _NCH) // _NW


def _comb_kernel(snip_ref, w_ref, out_ref):
    snip = snip_ref[...]
    wt = w_ref[...]
    shifted = (
        jnp.concatenate([snip[:1], snip[:1], snip[:-2]], axis=0),
        jnp.concatenate([snip[:1], snip[:-1]], axis=0),
        snip,
        jnp.concatenate([snip[1:], snip[-1:]], axis=0),
        jnp.concatenate([snip[2:], snip[-1:], snip[-1:]], axis=0),
    )
    acc = shifted[0] * wt[0:1]
    for k in range(1, _W):
        acc = acc + shifted[k] * wt[k:k + 1]
    out_ref[...] = jnp.concatenate([acc, acc[-2:]], axis=0)


def _build_comb(snips_t, w3):
    return pl.pallas_call(
        _comb_kernel,
        grid=(2,),
        in_specs=[
            pl.BlockSpec((_P, _B // 2, _E), lambda g: (0, g, 0)),
            pl.BlockSpec((_W, 1, _E), lambda g: (0, 0, 0)),
        ],
        out_specs=pl.BlockSpec((_PP, _B // 2, _E), lambda g: (0, g, 0)),
        out_shape=jax.ShapeDtypeStruct((_PP, _B, _E), jnp.float32),
    )(snips_t, w3)


def _sc_gather_body(comb_hbm, inpc_hbm, out_hbm, idx_v, gidx_v,
                    oidx0, oidx1, rows0, rows1, gsem, wsem0, wsem1):
    cid = lax.axis_index("c")
    sid = lax.axis_index("s")
    wid = cid * 16 + sid
    b = wid // 2
    c0 = (wid % 2) * _PERW
    bufs = (rows0, rows1)
    oidxs = (oidx0, oidx1)
    wsems = (wsem0, wsem1)
    write_cps = []
    pltpu.sync_copy(inpc_hbm.at[pl.ds(b * _NCH + c0, _PERW)], idx_v)
    for i in range(_PERW):
        c = c0 + i
        s0 = jnp.minimum(c * _CH, _S - _CH)
        buf = bufs[i % 2]
        oix = oidxs[i % 2]
        if i >= 2:
            write_cps[i - 2].wait()
        for j in range(_CH // 16):
            v = idx_v[i, 0, pl.ds(j * 16, 16)]
            gidx_v[pl.ds(j * 16, 16)] = jnp.clip(v, 0, _P - 1) * _B + b
            sv = s0 + j * 16 + lax.iota(jnp.int32, 16)
            oix[pl.ds(j * 16, 16)] = sv * _B + b
        pltpu.async_copy(comb_hbm.at[gidx_v], buf, gsem).wait()
        cp = pltpu.make_async_copy(buf, out_hbm.at[oix], wsems[i % 2])
        cp.start()
        write_cps.append(cp)
    write_cps[-2].wait()
    write_cps[-1].wait()


_sc_gather_cache = []


def _sc_gather():
    if not _sc_gather_cache:
        _sc_gather_cache.append(functools.partial(
            pl.kernel,
            out_type=jax.ShapeDtypeStruct((_S * _B, _E), jnp.float32),
            mesh=plsc.VectorSubcoreMesh(core_axis_name="c", subcore_axis_name="s"),
            scratch_types=[
                pltpu.VMEM((_PERW, 1, _CH), jnp.int32),
                pltpu.VMEM((_CH,), jnp.int32),
                pltpu.VMEM((_CH,), jnp.int32),
                pltpu.VMEM((_CH,), jnp.int32),
                pltpu.VMEM((_CH, _E), jnp.float32),
                pltpu.VMEM((_CH, _E), jnp.float32),
                pltpu.SemaphoreType.DMA,
                pltpu.SemaphoreType.DMA,
                pltpu.SemaphoreType.DMA,
            ],
        )(_sc_gather_body))
    return _sc_gather_cache[0]


def kernel(inputs, code_snippet_id, data, w):
    inputs = inputs.astype(jnp.int32)
    csid = code_snippet_id.astype(jnp.int32).reshape(_B)
    snips = data[csid, :, 0, :]
    snips_t = snips.transpose(1, 0, 2)
    comb3 = _build_comb(snips_t, w.astype(jnp.float32).reshape(_W, 1, _E))
    comb2 = comb3.reshape(_PP * _B, _E)
    inp_chunks = jnp.concatenate(
        [inputs[:, :(_NCH - 1) * _CH].reshape(_B, _NCH - 1, _CH),
         inputs[:, _S - _CH:].reshape(_B, 1, _CH)], axis=1,
    ).reshape(_B * _NCH, 1, _CH)
    out2 = _sc_gather()(comb2, inp_chunks)
    return out2.reshape(_S, _B, _E).transpose(1, 0, 2)

# --- scband reference (transcript-rebuilt; emitter-appended) ---
"""Pipeline reference for scband-attention-layer-63256278336133 (READ-ONLY COPY).

The authoritative reference and input builder live on the scoring server;
editing this copy changes nothing except your own understanding.
"""

import jax, jax.numpy as jnp
import numpy as np

EMBED_SIZE = 768
MAX_CS_EMBED_SIZE = 166
NUM_SNIPPETS = 512
BATCH = 16
SEQ_LEN = 1126
WINDOW_SIZE = 2
TOTAL_WINDOW = 2 * WINDOW_SIZE + 1
LM_IDX = 0  # lm='codebert'


def setup_inputs(seed: int = 0) -> dict:
    key = jax.random.key(seed)
    k1, k2, k3, k4 = jax.random.split(key, 4)
    # Non-trainable embedding bank: [num_snippets, max_positions, 2 LMs, embed]
    data = jax.random.normal(k1, (NUM_SNIPPETS, MAX_CS_EMBED_SIZE, 2, EMBED_SIZE), dtype=jnp.float32)
    # Trainable attention weight: [total_window, embed]
    w = jax.random.normal(k2, (TOTAL_WINDOW, EMBED_SIZE), dtype=jnp.float32) * 0.05
    inputs = jax.random.randint(k3, (BATCH, SEQ_LEN), 0, MAX_CS_EMBED_SIZE, dtype=jnp.int32)
    code_snippet_id = jax.random.randint(k4, (BATCH, 1), 0, NUM_SNIPPETS, dtype=jnp.int32)
    return {"inputs": inputs, "code_snippet_id": code_snippet_id, "data": data, "w": w}


def reference(inputs, code_snippet_id, data, w):
    inputs = inputs.astype(jnp.int32)
    code_snippet_id = code_snippet_id.astype(jnp.int32)
    # indices: [B, S, total_window]
    indices = jnp.arange(-WINDOW_SIZE, WINDOW_SIZE + 1, dtype=jnp.int32) + inputs[..., None]
    end_clip = MAX_CS_EMBED_SIZE - 1
    indices = jnp.clip(indices, 0, end_clip)
    # tiled snippet id: [B, S, total_window] (code_snippet_id is [B,1] -> broadcast like tf.tile)
    tiled_csid = jnp.broadcast_to(code_snippet_id[..., None], indices.shape)
    # gather_nd on data[csid, pos, lm_idx] -> [B, S, total_window, EMBED]
    gathered = data[tiled_csid, indices, LM_IDX]
    # weight and reduce over window axis
    output = jnp.sum(gathered * w, axis=2)  # [B, S, EMBED]
    return output

if __name__ == "__main__":
    import jax
    _d = setup_inputs()
    print(jax.jit(kernel)(*tuple(_d.values())))

</pallas_src>

<mosaic_0001>
#map = affine_map<(d0, d1) -> (0, 0)>
#map1 = affine_map<(d0, d1) -> (0, 0, 0)>
module attributes {stable_mosaic.version = 14 : i64} {
  func.func @_sc_gather_body(%arg0: i32, %arg1: i32, %arg2: memref<2688x768xf32, #tpu.memory_space<hbm>>, %arg3: memref<288x1x64xi32, #tpu.memory_space<hbm>>, %arg4: memref<18016x768xf32, #tpu.memory_space<hbm>>, %arg5: memref<9x1x64xi32, #tpu.memory_space<vmem>>, %arg6: memref<64xi32, #tpu.memory_space<vmem>>, %arg7: memref<64xi32, #tpu.memory_space<vmem>>, %arg8: memref<64xi32, #tpu.memory_space<vmem>>, %arg9: memref<64x768xf32, #tpu.memory_space<vmem>>, %arg10: memref<64x768xf32, #tpu.memory_space<vmem>>, %arg11: memref<!tpu.dma_semaphore, #tpu.memory_space<semaphore_mem>>, %arg12: memref<!tpu.dma_semaphore, #tpu.memory_space<semaphore_mem>>, %arg13: memref<!tpu.dma_semaphore, #tpu.memory_space<semaphore_mem>>) attributes {dimension_semantics = [#tpu.dimension_semantics<core_parallel>, #tpu.dimension_semantics<subcore_parallel>], iteration_bounds = array<i64: 2, 16>, scalar_prefetch = 0 : i64, scratch_operands = 9 : i64, tpu.core_type = #tpu.core_type<sc_vector_subcore>, window_params = [{transform_indices = #map}, {transform_indices = #map1}, {transform_indices = #map}]} {
    %mul3A = arith.constant 16 : i32
    %mul3A_0 = arith.muli %arg0, %mul3A : i32
    %add3A = arith.addi %mul3A_0, %arg1 : i32
    %jit3A = arith.constant 2 : i32
    %div3A = arith.divsi %add3A, %jit3A : i32
    %sign3A = arith.constant 0 : i32
    %sign3A_1 = arith.cmpi sgt, %add3A, %sign3A : i32
    %sign3A_2 = arith.extui %sign3A_1 : i1 to i32
    %sign3A_3 = arith.constant 0 : i32
    %sign3A_4 = arith.cmpi slt, %add3A, %sign3A_3 : i32
    %sign3A_5 = arith.extui %sign3A_4 : i1 to i32
    %sign3A_6 = arith.subi %sign3A_2, %sign3A_5 : i32
    %sign3A_7 = arith.constant 0 : i32
    %sign3A_8 = arith.cmpi sgt, %jit3A, %sign3A_7 : i32
    %sign3A_9 = arith.extui %sign3A_8 : i1 to i32
    %sign3A_10 = arith.constant 0 : i32
    %sign3A_11 = arith.cmpi slt, %jit3A, %sign3A_10 : i32
    %sign3A_12 = arith.extui %sign3A_11 : i1 to i32
    %sign3A_13 = arith.subi %sign3A_9, %sign3A_12 : i32
    %ne3A = arith.cmpi ne, %sign3A_6, %sign3A_13 : i32
    %rem3A = arith.remsi %add3A, %jit3A : i32
    %ne3A_14 = arith.constant 0 : i32
    %ne3A_15 = arith.cmpi ne, %rem3A, %ne3A_14 : i32
    %and3A = arith.andi %ne3A, %ne3A_15 : i1
    %sub3A = arith.constant 1 : i32
    %sub3A_16 = arith.subi %div3A, %sub3A : i32
    %select_n3A = arith.select %and3A, %sub3A_16, %div3A : i32
    %jit3A_17 = arith.constant 2 : i32
    %eq3A = arith.constant 0 : i32
    %eq3A_18 = arith.cmpi eq, %jit3A_17, %eq3A : i32
    %jit3A_19 = arith.constant 1 : i32
    %select_n3A_20 = arith.select %eq3A_18, %jit3A_19, %jit3A_17 : i32
    %rem3A_21 = arith.remsi %add3A, %select_n3A_20 : i32
    %ne3A_22 = arith.constant 0 : i32
    %ne3A_23 = arith.cmpi ne, %rem3A_21, %ne3A_22 : i32
    %lt3A = arith.constant 0 : i32
    %lt3A_24 = arith.cmpi slt, %rem3A_21, %lt3A : i32
    %lt3A_25 = arith.constant 0 : i32
    %lt3A_26 = arith.cmpi slt, %select_n3A_20, %lt3A_25 : i32
    %ne3A_27 = arith.xori %lt3A_24, %lt3A_26 : i1
    %and3A_28 = arith.andi %ne3A_27, %ne3A_23 : i1
    %add3A_29 = arith.addi %rem3A_21, %select_n3A_20 : i32
    %select_n3A_30 = arith.select %and3A_28, %add3A_29, %rem3A_21 : i32
    %mul3A_31 = arith.constant 9 : i32
    %mul3A_32 = arith.muli %select_n3A_30, %mul3A_31 : i32
    %mul3A_33 = arith.constant 18 : i32
    %mul3A_34 = arith.muli %select_n3A, %mul3A_33 : i32
    %add3A_35 = arith.addi %mul3A_34, %mul3A_32 : i32
    "tpu.region"() ({
      %run_scoped3A = tpu.sem_alloc : memref<!tpu.dma_semaphore, #tpu.memory_space<semaphore_mem>>
      %dma_start3A_1487 = arith.constant 0 : i32
      %dma_start3A_1488 = arith.constant 0 : i32
      %dma_start3A_1489 = tpu.memref_slice %arg3[%add3A_35, %dma_start3A_1487, %dma_start3A_1488] : memref<288x1x64xi32, #tpu.memory_space<hbm>> -> memref<9x1x64xi32, #tpu.memory_space<hbm>>
      %dma_start3A_1490 = arith.constant 0 : i32
      %dma_start3A_1491 = arith.constant 0 : i32
      %dma_start3A_1492 = tpu.memref_slice %arg3[%add3A_35, %dma_start3A_1490, %dma_start3A_1491] : memref<288x1x64xi32, #tpu.memory_space<hbm>> -> memref<9x1x64xi32, #tpu.memory_space<hbm>>
      tpu.enqueue_dma source(%dma_start3A_1492 : memref<9x1x64xi32, #tpu.memory_space<hbm>>) target(%arg5 : memref<9x1x64xi32, #tpu.memory_space<vmem>>) target_semaphore(%run_scoped3A : memref<!tpu.dma_semaphore, #tpu.memory_space<semaphore_mem>>)
      %dma_wait3A_1493 = arith.constant 0 : i32
      %dma_wait3A_1494 = arith.constant 0 : i32
      %dma_wait3A_1495 = tpu.memref_slice %arg3[%add3A_35, %dma_wait3A_1493, %dma_wait3A_1494] : memref<288x1x64xi32, #tpu.memory_space<hbm>> -> memref<9x1x64xi32, #tpu.memory_space<hbm>>
      %dma_wait3A_1496 = arith.constant 0 : i32
      %dma_wait3A_1497 = arith.constant 0 : i32
      %dma_wait3A_1498 = tpu.memref_slice %arg3[%add3A_35, %dma_wait3A_1496, %dma_wait3A_1497] : memref<288x1x64xi32, #tpu.memory_space<hbm>> -> memref<9x1x64xi32, #tpu.memory_space<hbm>>
      tpu.wait_dma2 semaphore(%run_scoped3A : memref<!tpu.dma_semaphore, #tpu.memory_space<semaphore_mem>>) src(%dma_wait3A_1498 : memref<9x1x64xi32, #tpu.memory_space<hbm>>) dst(%arg5 : memref<9x1x64xi32, #tpu.memory_space<vmem>>)
      tpu.yield
    }) : () -> ()
    %add3A_36 = arith.constant 0 : i32
    %add3A_37 = arith.addi %mul3A_32, %add3A_36 : i32
    %mul3A_38 = arith.constant 64 : i32
    %mul3A_39 = arith.muli %add3A_37, %mul3A_38 : i32
    %min3A = arith.constant 1062 : i32
    %min3A_40 = arith.minsi %mul3A_39, %min3A : i32
    %get3A = arith.constant 0 : i32
    %get3A_41 = arith.constant 0 : i32
    %get3A_42 = arith.index_cast %get3A : i32 to index
    %get3A_43 = arith.index_cast %get3A_41 : i32 to index
    %get3A_44 = arith.constant 0 : index
    %get3A_45 = tpu.vector_load %arg5[%get3A_42, %get3A_43, %get3A_44] {strides = array<i32>} : memref<9x1x64xi32, #tpu.memory_space<vmem>>, vector<1x1x16xi32>,
    %get3A_46 = vector.shape_cast %get3A_45 : vector<1x1x16xi32> to vector<16xi32>
    %jit3A_47 = arith.constant 0 : i32
    %jit3A_48 = arith.constant 165 : i32
    %max3A = vector.broadcast %jit3A_47 : i32 to vector<16xi32>
    %max3A_49 = arith.maxsi %max3A, %get3A_46 : vector<16xi32>
    %min3A_50 = vector.broadcast %jit3A_48 : i32 to vector<16xi32>
    %min3A_51 = arith.minsi %min3A_50, %max3A_49 : vector<16xi32>
    %mul3A_52 = arith.constant 16 : i32
    %mul3A_53 = vector.broadcast %mul3A_52 : i32 to vector<16xi32>
    %mul3A_54 = arith.muli %min3A_51, %mul3A_53 : vector<16xi32>
    %add3A_55 = vector.broadcast %select_n3A : i32 to vector<16xi32>
    %add3A_56 = arith.addi %mul3A_54, %add3A_55 : vector<16xi32>
    %swap3A = arith.constant 0 : index
    %swap3A_57 = tpu.vector_load %arg6[%swap3A] {strides = array<i32>} : memref<64xi32, #tpu.memory_space<vmem>>, vector<16xi32>,
    %swap3A_58 = vector.shape_cast %swap3A_57 : vector<16xi32> to vector<16xi32>
    %swap3A_59 = vector.shape_cast %add3A_56 : vector<16xi32> to vector<16xi32>
    tpu.vector_store %arg6[%swap3A], %swap3A_59 {strides = array<i32>} : memref<64xi32, #tpu.memory_space<vmem>>, vector<16xi32>,
    %add3A_60 = arith.constant 0 : i32
    %add3A_61 = arith.addi %min3A_40, %add3A_60 : i32
    %iota3A = tpu.iota {dimensions = array<i32: 0>} : vector<16xi32>
    %add3A_62 = vector.broadcast %add3A_61 : i32 to vector<16xi32>
    %add3A_63 = arith.addi %add3A_62, %iota3A : vector<16xi32>
    %mul3A_64 = arith.constant 16 : i32
    %mul3A_65 = vector.broadcast %mul3A_64 : i32 to vector<16xi32>
    %mul3A_66 = arith.muli %add3A_63, %mul3A_65 : vector<16xi32>
    %add3A_67 = vector.broadcast %select_n3A : i32 to vector<16xi32>
    %add3A_68 = arith.addi %mul3A_66, %add3A_67 : vector<16xi32>
    %swap3A_69 = arith.constant 0 : index
    %swap3A_70 = tpu.vector_load %arg7[%swap3A_69] {strides = array<i32>} : memref<64xi32, #tpu.memory_space<vmem>>, vector<16xi32>,
    %swap3A_71 = vector.shape_cast %swap3A_70 : vector<16xi32> to vector<16xi32>
    %swap3A_72 = vector.shape_cast %add3A_68 : vector<16xi32> to vector<16xi32>
    tpu.vector_store %arg7[%swap3A_69], %swap3A_72 {strides = array<i32>} : memref<64xi32, #tpu.memory_space<vmem>>, vector<16xi32>,
    %get3A_73 = arith.constant 0 : i32
    %get3A_74 = arith.constant 0 : i32
    %get3A_75 = arith.index_cast %get3A_73 : i32 to index
    %get3A_76 = arith.index_cast %get3A_74 : i32 to index
    %get3A_77 = arith.constant 16 : index
    %get3A_78 = tpu.vector_load %arg5[%get3A_75, %get3A_76, %get3A_77] {strides = array<i32>} : memref<9x1x64xi32, #tpu.memory_space<vmem>>, vector<1x1x16xi32>,
    %get3A_79 = vector.shape_cast %get3A_78 : vector<1x1x16xi32> to vector<16xi32>
    %jit3A_80 = arith.constant 0 : i32
    %jit3A_81 = arith.constant 165 : i32
    %max3A_82 = vector.broadcast %jit3A_80 : i32 to vector<16xi32>
    %max3A_83 = arith.maxsi %max3A_82, %get3A_79 : vector<16xi32>
    %min3A_84 = vector.broadcast %jit3A_81 : i32 to vector<16xi32>
    %min3A_85 = arith.minsi %min3A_84, %max3A_83 : vector<16xi32>
    %mul3A_86 = arith.constant 16 : i32
    %mul3A_87 = vector.broadcast %mul3A_86 : i32 to vector<16xi32>
    %mul3A_88 = arith.muli %min3A_85, %mul3A_87 : vector<16xi32>
    %add3A_89 = vector.broadcast %select_n3A : i32 to vector<16xi32>
    %add3A_90 = arith.addi %mul3A_88, %add3A_89 : vector<16xi32>
    %swap3A_91 = arith.constant 16 : index
    %swap3A_92 = tpu.vector_load %arg6[%swap3A_91] {strides = array<i32>} : memref<64xi32, #tpu.memory_space<vmem>>, vector<16xi32>,
    %swap3A_93 = vector.shape_cast %swap3A_92 : vector<16xi32> to vector<16xi32>
    %swap3A_94 = vector.shape_cast %add3A_90 : vector<16xi32> to vector<16xi32>
    tpu.vector_store %arg6[%swap3A_91], %swap3A_94 {strides = array<i32>} : memref<64xi32, #tpu.memory_space<vmem>>, vector<16xi32>,
    %add3A_95 = arith.constant 16 : i32
    %add3A_96 = arith.addi %min3A_40, %add3A_95 : i32
    %iota3A_97 = tpu.iota {dimensions = array<i32: 0>} : vector<16xi32>
    %add3A_98 = vector.broadcast %add3A_96 : i32 to vector<16xi32>
    %add3A_99 = arith.addi %add3A_98, %iota3A_97 : vector<16xi32>
    %mul3A_100 = arith.constant 16 : i32
    %mul3A_101 = vector.broadcast %mul3A_100 : i32 to vector<16xi32>
    %mul3A_102 = arith.muli %add3A_99, %mul3A_101 : vector<16xi32>
    %add3A_103 = vector.broadcast %select_n3A : i32 to vector<16xi32>
    %add3A_104 = arith.addi %mul3A_102, %add3A_103 : vector<16xi32>
    %swap3A_105 = arith.constant 16 : index
    %swap3A_106 = tpu.vector_load %arg7[%swap3A_105] {strides = array<i32>} : memref<64xi32, #tpu.memory_space<vmem>>, vector<16xi32>,
    %swap3A_107 = vector.shape_cast %swap3A_106 : vector<16xi32> to vector<16xi32>
    %swap3A_108 = vector.shape_cast %add3A_104 : vector<16xi32> to vector<16xi32>
    tpu.vector_store %arg7[%swap3A_105], %swap3A_108 {strides = array<i32>} : memref<64xi32, #tpu.memory_space<vmem>>, vector<16xi32>,
    %get3A_109 = arith.constant 0 : i32
    %get3A_110 = arith.constant 0 : i32
    %get3A_111 = arith.index_cast %get3A_109 : i32 to index
    %get3A_112 = arith.index_cast %get3A_110 : i32 to index
    %get3A_113 = arith.constant 32 : index
    %get3A_114 = tpu.vector_load %arg5[%get3A_111, %get3A_112, %get3A_113] {strides = array<i32>} : memref<9x1x64xi32, #tpu.memory_space<vmem>>, vector<1x1x16xi32>,
    %get3A_115 = vector.shape_cast %get3A_114 : vector<1x1x16xi32> to vector<16xi32>
    %jit3A_116 = arith.constant 0 : i32
    %jit3A_117 = arith.constant 165 : i32
    %max3A_118 = vector.broadcast %jit3A_116 : i32 to vector<16xi32>
    %max3A_119 = arith.maxsi %max3A_118, %get3A_115 : vector<16xi32>
    %min3A_120 = vector.broadcast %jit3A_117 : i32 to vector<16xi32>
    %min3A_121 = arith.minsi %min3A_120, %max3A_119 : vector<16xi32>
    %mul3A_122 = arith.constant 16 : i32
    %mul3A_123 = vector.broadcast %mul3A_122 : i32 to vector<16xi32>
    %mul3A_124 = arith.muli %min3A_121, %mul3A_123 : vector<16xi32>
    %add3A_125 = vector.broadcast %select_n3A : i32 to vector<16xi32>
    %add3A_126 = arith.addi %mul3A_124, %add3A_125 : vector<16xi32>
    %swap3A_127 = arith.constant 32 : index
    %swap3A_128 = tpu.vector_load %arg6[%swap3A_127] {strides = array<i32>} : memref<64xi32, #tpu.memory_space<vmem>>, vector<16xi32>,
    %swap3A_129 = vector.shape_cast %swap3A_128 : vector<16xi32> to vector<16xi32>
    %swap3A_130 = vector.shape_cast %add3A_126 : vector<16xi32> to vector<16xi32>
    tpu.vector_store %arg6[%swap3A_127], %swap3A_130 {strides = array<i32>} : memref<64xi32, #tpu.memory_space<vmem>>, vector<16xi32>,
    %add3A_131 = arith.constant 32 : i32
    %add3A_132 = arith.addi %min3A_40, %add3A_131 : i32
    %iota3A_133 = tpu.iota {dimensions = array<i32: 0>} : vector<16xi32>
    %add3A_134 = vector.broadcast %add3A_132 : i32 to vector<16xi32>
    %add3A_135 = arith.addi %add3A_134, %iota3A_133 : vector<16xi32>
    %mul3A_136 = arith.constant 16 : i32
    %mul3A_137 = vector.broadcast %mul3A_136 : i32 to vector<16xi32>
    %mul3A_138 = arith.muli %add3A_135, %mul3A_137 : vector<16xi32>
    %add3A_139 = vector.broadcast %select_n3A : i32 to vector<16xi32>
    %add3A_140 = arith.addi %mul3A_138, %add3A_139 : vector<16xi32>
    %swap3A_141 = arith.constant 32 : index
    %swap3A_142 = tpu.vector_load %arg7[%swap3A_141] {strides = array<i32>} : memref<64xi32, #tpu.memory_space<vmem>>, vector<16xi32>,
    %swap3A_143 = vector.shape_cast %swap3A_142 : vector<16xi32> to vector<16xi32>
    %swap3A_144 = vector.shape_cast %add3A_140 : vector<16xi32> to vector<16xi32>
    tpu.vector_store %arg7[%swap3A_141], %swap3A_144 {strides = array<i32>} : memref<64xi32, #tpu.memory_space<vmem>>, vector<16xi32>,
    %get3A_145 = arith.constant 0 : i32
    %get3A_146 = arith.constant 0 : i32
    %get3A_147 = arith.index_cast %get3A_145 : i32 to index
    %get3A_148 = arith.index_cast %get3A_146 : i32 to index
    %get3A_149 = arith.constant 48 : index
    %get3A_150 = tpu.vector_load %arg5[%get3A_147, %get3A_148, %get3A_149] {strides = array<i32>} : memref<9x1x64xi32, #tpu.memory_space<vmem>>, vector<1x1x16xi32>,
    %get3A_151 = vector.shape_cast %get3A_150 : vector<1x1x16xi32> to vector<16xi32>
    %jit3A_152 = arith.constant 0 : i32
    %jit3A_153 = arith.constant 165 : i32
    %max3A_154 = vector.broadcast %jit3A_152 : i32 to vector<16xi32>
    %max3A_155 = arith.maxsi %max3A_154, %get3A_151 : vector<16xi32>
    %min3A_156 = vector.broadcast %jit3A_153 : i32 to vector<16xi32>
    %min3A_157 = arith.minsi %min3A_156, %max3A_155 : vector<16xi32>
    %mul3A_158 = arith.constant 16 : i32
    %mul3A_159 = vector.broadcast %mul3A_158 : i32 to vector<16xi32>
    %mul3A_160 = arith.muli %min3A_157, %mul3A_159 : vector<16xi32>
    %add3A_161 = vector.broadcast %select_n3A : i32 to vector<16xi32>
    %add3A_162 = arith.addi %mul3A_160, %add3A_161 : vector<16xi32>
    %swap3A_163 = arith.constant 48 : index
    %swap3A_164 = tpu.vector_load %arg6[%swap3A_163] {strides = array<i32>} : memref<64xi32, #tpu.memory_space<vmem>>, vector<16xi32>,
    %swap3A_165 = vector.shape_cast %swap3A_164 : vector<16xi32> to vector<16xi32>
    %swap3A_166 = vector.shape_cast %add3A_162 : vector<16xi32> to vector<16xi32>
    tpu.vector_store %arg6[%swap3A_163], %swap3A_166 {strides = array<i32>} : memref<64xi32, #tpu.memory_space<vmem>>, vector<16xi32>,
    %add3A_167 = arith.constant 48 : i32
    %add3A_168 = arith.addi %min3A_40, %add3A_167 : i32
    %iota3A_169 = tpu.iota {dimensions = array<i32: 0>} : vector<16xi32>
    %add3A_170 = vector.broadcast %add3A_168 : i32 to vector<16xi32>
    %add3A_171 = arith.addi %add3A_170, %iota3A_169 : vector<16xi32>
    %mul3A_172 = arith.constant 16 : i32
    %mul3A_173 = vector.broadcast %mul3A_172 : i32 to vector<16xi32>
    %mul3A_174 = arith.muli %add3A_171, %mul3A_173 : vector<16xi32>
    %add3A_175 = vector.broadcast %select_n3A : i32 to vector<16xi32>
    %add3A_176 = arith.addi %mul3A_174, %add3A_175 : vector<16xi32>
    %swap3A_177 = arith.constant 48 : index
    %swap3A_178 = tpu.vector_load %arg7[%swap3A_177] {strides = array<i32>} : memref<64xi32, #tpu.memory_space<vmem>>, vector<16xi32>,
    %swap3A_179 = vector.shape_cast %swap3A_178 : vector<16xi32> to vector<16xi32>
    %swap3A_180 = vector.shape_cast %add3A_176 : vector<16xi32> to vector<16xi32>
    tpu.vector_store %arg7[%swap3A_177], %swap3A_180 {strides = array<i32>} : memref<64xi32, #tpu.memory_space<vmem>>, vector<16xi32>,
    %dma_start3A = arith.constant 0 : i32
    %dma_start3A_181 = arith.constant 0 : i32
    %dma_start3A_182 = tpu.memref_slice %arg2[%dma_start3A, %dma_start3A_181] : memref<2688x768xf32, #tpu.memory_space<hbm>> -> memref<2688x768xf32, #tpu.memory_space<hbm>>
    tpu.enqueue_indirect_dma source(%dma_start3A_182 : memref<2688x768xf32, #tpu.memory_space<hbm>>) target(%arg9 : memref<64x768xf32, #tpu.memory_space<vmem>>) offsets(%arg6 : memref<64xi32, #tpu.memory_space<vmem>>) semaphore(%arg11 : memref<!tpu.dma_semaphore, #tpu.memory_space<semaphore_mem>>)
    %dma_wait3A = arith.constant 0 : i32
    %dma_wait3A_183 = arith.constant 0 : i32
    %dma_wait3A_184 = tpu.memref_slice %arg2[%dma_wait3A, %dma_wait3A_183] : memref<2688x768xf32, #tpu.memory_space<hbm>> -> memref<2688x768xf32, #tpu.memory_space<hbm>>
    tpu.wait_indirect_dma semaphore(%arg11 : memref<!tpu.dma_semaphore, #tpu.memory_space<semaphore_mem>>) src(%dma_wait3A_184 : memref<2688x768xf32, #tpu.memory_space<hbm>>) dst(%arg9 : memref<64x768xf32, #tpu.memory_space<vmem>>)
    %dma_start3A_185 = arith.constant 0 : i32
    %dma_start3A_186 = arith.constant 0 : i32
    %dma_start3A_187 = tpu.memref_slice %arg4[%dma_start3A_185, %dma_start3A_186] : memref<18016x768xf32, #tpu.memory_space<hbm>> -> memref<18016x768xf32, #tpu.memory_space<hbm>>
    tpu.enqueue_indirect_dma source(%arg9 : memref<64x768xf32, #tpu.memory_space<vmem>>) target(%dma_start3A_187 : memref<18016x768xf32, #tpu.memory_space<hbm>>) offsets(%arg7 : memref<64xi32, #tpu.memory_space<vmem>>) semaphore(%arg12 : memref<!tpu.dma_semaphore, #tpu.memory_space<semaphore_mem>>)
    %add3A_188 = arith.constant 1 : i32
    %add3A_189 = arith.addi %mul3A_32, %add3A_188 : i32
    %mul3A_190 = arith.constant 64 : i32
    %mul3A_191 = arith.muli %add3A_189, %mul3A_190 : i32
    %min3A_192 = arith.constant 1062 : i32
    %min3A_193 = arith.minsi %mul3A_191, %min3A_192 : i32
    %get3A_194 = arith.constant 1 : i32
    %get3A_195 = arith.constant 0 : i32
    %get3A_196 = arith.index_cast %get3A_194 : i32 to index
    %get3A_197 = arith.index_cast %get3A_195 : i32 to index
    %get3A_198 = arith.constant 0 : index
    %get3A_199 = tpu.vector_load %arg5[%get3A_196, %get3A_197, %get3A_198] {strides = array<i32>} : memref<9x1x64xi32, #tpu.memory_space<vmem>>, vector<1x1x16xi32>,
    %get3A_200 = vector.shape_cast %get3A_199 : vector<1x1x16xi32> to vector<16xi32>
    %jit3A_201 = arith.constant 0 : i32
    %jit3A_202 = arith.constant 165 : i32
    %max3A_203 = vector.broadcast %jit3A_201 : i32 to vector<16xi32>
    %max3A_204 = arith.maxsi %max3A_203, %get3A_200 : vector<16xi32>
    %min3A_205 = vector.broadcast %jit3A_202 : i32 to vector<16xi32>
    %min3A_206 = arith.minsi %min3A_205, %max3A_204 : vector<16xi32>
    %mul3A_207 = arith.constant 16 : i32
    %mul3A_208 = vector.broadcast %mul3A_207 : i32 to vector<16xi32>
    %mul3A_209 = arith.muli %min3A_206, %mul3A_208 : vector<16xi32>
    %add3A_210 = vector.broadcast %select_n3A : i32 to vector<16xi32>
    %add3A_211 = arith.addi %mul3A_209, %add3A_210 : vector<16xi32>
    %swap3A_212 = arith.constant 0 : index
    %swap3A_213 = tpu.vector_load %arg6[%swap3A_212] {strides = array<i32>} : memref<64xi32, #tpu.memory_space<vmem>>, vector<16xi32>,
    %swap3A_214 = vector.shape_cast %swap3A_213 : vector<16xi32> to vector<16xi32>
    %swap3A_215 = vector.shape_cast %add3A_211 : vector<16xi32> to vector<16xi32>
    tpu.vector_store %arg6[%swap3A_212], %swap3A_215 {strides = array<i32>} : memref<64xi32, #tpu.memory_space<vmem>>, vector<16xi32>,
    %add3A_216 = arith.constant 0 : i32
    %add3A_217 = arith.addi %min3A_193, %add3A_216 : i32
    %iota3A_218 = tpu.iota {dimensions = array<i32: 0>} : vector<16xi32>
    %add3A_219 = vector.broadcast %add3A_217 : i32 to vector<16xi32>
    %add3A_220 = arith.addi %add3A_219, %iota3A_218 : vector<16xi32>
    %mul3A_221 = arith.constant 16 : i32
    %mul3A_222 = vector.broadcast %mul3A_221 : i32 to vector<16xi32>
    %mul3A_223 = arith.muli %add3A_220, %mul3A_222 : vector<16xi32>
    %add3A_224 = vector.broadcast %select_n3A : i32 to vector<16xi32>
    %add3A_225 = arith.addi %mul3A_223, %add3A_224 : vector<16xi32>
    %swap3A_226 = arith.constant 0 : index
    %swap3A_227 = tpu.vector_load %arg8[%swap3A_226] {strides = array<i32>} : memref<64xi32, #tpu.memory_space<vmem>>, vector<16xi32>,
    %swap3A_228 = vector.shape_cast %swap3A_227 : vector<16xi32> to vector<16xi32>
    %swap3A_229 = vector.shape_cast %add3A_225 : vector<16xi32> to vector<16xi32>
    tpu.vector_store %arg8[%swap3A_226], %swap3A_229 {strides = array<i32>} : memref<64xi32, #tpu.memory_space<vmem>>, vector<16xi32>,
    %get3A_230 = arith.constant 1 : i32
    %get3A_231 = arith.constant 0 : i32
    %get3A_232 = arith.index_cast %get3A_230 : i32 to index
    %get3A_233 = arith.index_cast %get3A_231 : i32 to index
    %get3A_234 = arith.constant 16 : index
    %get3A_235 = tpu.vector_load %arg5[%get3A_232, %get3A_233, %get3A_234] {strides = array<i32>} : memref<9x1x64xi32, #tpu.memory_space<vmem>>, vector<1x1x16xi32>,
    %get3A_236 = vector.shape_cast %get3A_235 : vector<1x1x16xi32> to vector<16xi32>
    %jit3A_237 = arith.constant 0 : i32
    %jit3A_238 = arith.constant 165 : i32
    %max3A_239 = vector.broadcast %jit3A_237 : i32 to vector<16xi32>
    %max3A_240 = arith.maxsi %max3A_239, %get3A_236 : vector<16xi32>
    %min3A_241 = vector.broadcast %jit3A_238 : i32 to vector<16xi32>
    %min3A_242 = arith.minsi %min3A_241, %max3A_240 : vector<16xi32>
    %mul3A_243 = arith.constant 16 : i32
    %mul3A_244 = vector.broadcast %mul3A_243 : i32 to vector<16xi32>
    %mul3A_245 = arith.muli %min3A_242, %mul3A_244 : vector<16xi32>
    %add3A_246 = vector.broadcast %select_n3A : i32 to vector<16xi32>
    %add3A_247 = arith.addi %mul3A_245, %add3A_246 : vector<16xi32>
    %swap3A_248 = arith.constant 16 : index
    %swap3A_249 = tpu.vector_load %arg6[%swap3A_248] {strides = array<i32>} : memref<64xi32, #tpu.memory_space<vmem>>, vector<16xi32>,
    %swap3A_250 = vector.shape_cast %swap3A_249 : vector<16xi32> to vector<16xi32>
    %swap3A_251 = vector.shape_cast %add3A_247 : vector<16xi32> to vector<16xi32>
    tpu.vector_store %arg6[%swap3A_248], %swap3A_251 {strides = array<i32>} : memref<64xi32, #tpu.memory_space<vmem>>, vector<16xi32>,
    %add3A_252 = arith.constant 16 : i32
    %add3A_253 = arith.addi %min3A_193, %add3A_252 : i32
    %iota3A_254 = tpu.iota {dimensions = array<i32: 0>} : vector<16xi32>
    %add3A_255 = vector.broadcast %add3A_253 : i32 to vector<16xi32>
    %add3A_256 = arith.addi %add3A_255, %iota3A_254 : vector<16xi32>
    %mul3A_257 = arith.constant 16 : i32
    %mul3A_258 = vector.broadcast %mul3A_257 : i32 to vector<16xi32>
    %mul3A_259 = arith.muli %add3A_256, %mul3A_258 : vector<16xi32>
    %add3A_260 = vector.broadcast %select_n3A : i32 to vector<16xi32>
    %add3A_261 = arith.addi %mul3A_259, %add3A_260 : vector<16xi32>
    %swap3A_262 = arith.constant 16 : index
    %swap3A_263 = tpu.vector_load %arg8[%swap3A_262] {strides = array<i32>} : memref<64xi32, #tpu.memory_space<vmem>>, vector<16xi32>,
    %swap3A_264 = vector.shape_cast %swap3A_263 : vector<16xi32> to vector<16xi32>
    %swap3A_265 = vector.shape_cast %add3A_261 : vector<16xi32> to vector<16xi32>
    tpu.vector_store %arg8[%swap3A_262], %swap3A_265 {strides = array<i32>} : memref<64xi32, #tpu.memory_space<vmem>>, vector<16xi32>,
    %get3A_266 = arith.constant 1 : i32
    %get3A_267 = arith.constant 0 : i32
    %get3A_268 = arith.index_cast %get3A_266 : i32 to index
    %get3A_269 = arith.index_cast %get3A_267 : i32 to index
    %get3A_270 = arith.constant 32 : index
    %get3A_271 = tpu.vector_load %arg5[%get3A_268, %get3A_269, %get3A_270] {strides = array<i32>} : memref<9x1x64xi32, #tpu.memory_space<vmem>>, vector<1x1x16xi32>,
    %get3A_272 = vector.shape_cast %get3A_271 : vector<1x1x16xi32> to vector<16xi32>
    %jit3A_273 = arith.constant 0 : i32
    %jit3A_274 = arith.constant 165 : i32
    %max3A_275 = vector.broadcast %jit3A_273 : i32 to vector<16xi32>
    %max3A_276 = arith.maxsi %max3A_275, %get3A_272 : vector<16xi32>
    %min3A_277 = vector.broadcast %jit3A_274 : i32 to vector<16xi32>
    %min3A_278 = arith.minsi %min3A_277, %max3A_276 : vector<16xi32>
    %mul3A_279 = arith.constant 16 : i32
    %mul3A_280 = vector.broadcast %mul3A_279 : i32 to vector<16xi32>
    %mul3A_281 = arith.muli %min3A_278, %mul3A_280 : vector<16xi32>
    %add3A_282 = vector.broadcast %select_n3A : i32 to vector<16xi32>
    %add3A_283 = arith.addi %mul3A_281, %add3A_282 : vector<16xi32>
    %swap3A_284 = arith.constant 32 : index
    %swap3A_285 = tpu.vector_load %arg6[%swap3A_284] {strides = array<i32>} : memref<64xi32, #tpu.memory_space<vmem>>, vector<16xi32>,
    %swap3A_286 = vector.shape_cast %swap3A_285 : vector<16xi32> to vector<16xi32>
    %swap3A_287 = vector.shape_cast %add3A_283 : vector<16xi32> to vector<16xi32>
    tpu.vector_store %arg6[%swap3A_284], %swap3A_287 {strides = array<i32>} : memref<64xi32, #tpu.memory_space<vmem>>, vector<16xi32>,
    %add3A_288 = arith.constant 32 : i32
    %add3A_289 = arith.addi %min3A_193, %add3A_288 : i32
    %iota3A_290 = tpu.iota {dimensions = array<i32: 0>} : vector<16xi32>
    %add3A_291 = vector.broadcast %add3A_289 : i32 to vector<16xi32>
    %add3A_292 = arith.addi %add3A_291, %iota3A_290 : vector<16xi32>
    %mul3A_293 = arith.constant 16 : i32
    %mul3A_294 = vector.broadcast %mul3A_293 : i32 to vector<16xi32>
    %mul3A_295 = arith.muli %add3A_292, %mul3A_294 : vector<16xi32>
    %add3A_296 = vector.broadcast %select_n3A : i32 to vector<16xi32>
    %add3A_297 = arith.addi %mul3A_295, %add3A_296 : vector<16xi32>
    %swap3A_298 = arith.constant 32 : index
    %swap3A_299 = tpu.vector_load %arg8[%swap3A_298] {strides = array<i32>} : memref<64xi32, #tpu.memory_space<vmem>>, vector<16xi32>,
    %swap3A_300 = vector.shape_cast %swap3A_299 : vector<16xi32> to vector<16xi32>
    %swap3A_301 = vector.shape_cast %add3A_297 : vector<16xi32> to vector<16xi32>
    tpu.vector_store %arg8[%swap3A_298], %swap3A_301 {strides = array<i32>} : memref<64xi32, #tpu.memory_space<vmem>>, vector<16xi32>,
    %get3A_302 = arith.constant 1 : i32
    %get3A_303 = arith.constant 0 : i32
    %get3A_304 = arith.index_cast %get3A_302 : i32 to index
    %get3A_305 = arith.index_cast %get3A_303 : i32 to index
    %get3A_306 = arith.constant 48 : index
    %get3A_307 = tpu.vector_load %arg5[%get3A_304, %get3A_305, %get3A_306] {strides = array<i32>} : memref<9x1x64xi32, #tpu.memory_space<vmem>>, vector<1x1x16xi32>,
    %get3A_308 = vector.shape_cast %get3A_307 : vector<1x1x16xi32> to vector<16xi32>
    %jit3A_309 = arith.constant 0 : i32
    %jit3A_310 = arith.constant 165 : i32
    %max3A_311 = vector.broadcast %jit3A_309 : i32 to vector<16xi32>
    %max3A_312 = arith.maxsi %max3A_311, %get3A_308 : vector<16xi32>
    %min3A_313 = vector.broadcast %jit3A_310 : i32 to vector<16xi32>
    %min3A_314 = arith.minsi %min3A_313, %max3A_312 : vector<16xi32>
    %mul3A_315 = arith.constant 16 : i32
    %mul3A_316 = vector.broadcast %mul3A_315 : i32 to vector<16xi32>
    %mul3A_317 = arith.muli %min3A_314, %mul3A_316 : vector<16xi32>
    %add3A_318 = vector.broadcast %select_n3A : i32 to vector<16xi32>
    %add3A_319 = arith.addi %mul3A_317, %add3A_318 : vector<16xi32>
    %swap3A_320 = arith.constant 48 : index
    %swap3A_321 = tpu.vector_load %arg6[%swap3A_320] {strides = array<i32>} : memref<64xi32, #tpu.memory_space<vmem>>, vector<16xi32>,
    %swap3A_322 = vector.shape_cast %swap3A_321 : vector<16xi32> to vector<16xi32>
    %swap3A_323 = vector.shape_cast %add3A_319 : vector<16xi32> to vector<16xi32>
    tpu.vector_store %arg6[%swap3A_320], %swap3A_323 {strides = array<i32>} : memref<64xi32, #tpu.memory_space<vmem>>, vector<16xi32>,
    %add3A_324 = arith.constant 48 : i32
    %add3A_325 = arith.addi %min3A_193, %add3A_324 : i32
    %iota3A_326 = tpu.iota {dimensions = array<i32: 0>} : vector<16xi32>
    %add3A_327 = vector.broadcast %add3A_325 : i32 to vector<16xi32>
    %add3A_328 = arith.addi %add3A_327, %iota3A_326 : vector<16xi32>
    %mul3A_329 = arith.constant 16 : i32
    %mul3A_330 = vector.broadcast %mul3A_329 : i32 to vector<16xi32>
    %mul3A_331 = arith.muli %add3A_328, %mul3A_330 : vector<16xi32>
    %add3A_332 = vector.broadcast %select_n3A : i32 to vector<16xi32>
    %add3A_333 = arith.addi %mul3A_331, %add3A_332 : vector<16xi32>
    %swap3A_334 = arith.constant 48 : index
    %swap3A_335 = tpu.vector_load %arg8[%swap3A_334] {strides = array<i32>} : memref<64xi32, #tpu.memory_space<vmem>>, vector<16xi32>,
    %swap3A_336 = vector.shape_cast %swap3A_335 : vector<16xi32> to vector<16xi32>
    %swap3A_337 = vector.shape_cast %add3A_333 : vector<16xi32> to vector<16xi32>
    tpu.vector_store %arg8[%swap3A_334], %swap3A_337 {strides = array<i32>} : memref<64xi32, #tpu.memory_space<vmem>>, vector<16xi32>,
    %dma_start3A_338 = arith.constant 0 : i32
    %dma_start3A_339 = arith.constant 0 : i32
    %dma_start3A_340 = tpu.memref_slice %arg2[%dma_start3A_338, %dma_start3A_339] : memref<2688x768xf32, #tpu.memory_space<hbm>> -> memref<2688x768xf32, #tpu.memory_space<hbm>>
    tpu.enqueue_indirect_dma source(%dma_start3A_340 : memref<2688x768xf32, #tpu.memory_space<hbm>>) target(%arg10 : memref<64x768xf32, #tpu.memory_space<vmem>>) offsets(%arg6 : memref<64xi32, #tpu.memory_space<vmem>>) semaphore(%arg11 : memref<!tpu.dma_semaphore, #tpu.memory_space<semaphore_mem>>)
    %dma_wait3A_341 = arith.constant 0 : i32
    %dma_wait3A_342 = arith.constant 0 : i32
    %dma_wait3A_343 = tpu.memref_slice %arg2[%dma_wait3A_341, %dma_wait3A_342] : memref<2688x768xf32, #tpu.memory_space<hbm>> -> memref<2688x768xf32, #tpu.memory_space<hbm>>
    tpu.wait_indirect_dma semaphore(%arg11 : memref<!tpu.dma_semaphore, #tpu.memory_space<semaphore_mem>>) src(%dma_wait3A_343 : memref<2688x768xf32, #tpu.memory_space<hbm>>) dst(%arg10 : memref<64x768xf32, #tpu.memory_space<vmem>>)
    %dma_start3A_344 = arith.constant 0 : i32
    %dma_start3A_345 = arith.constant 0 : i32
    %dma_start3A_346 = tpu.memref_slice %arg4[%dma_start3A_344, %dma_start3A_345] : memref<18016x768xf32, #tpu.memory_space<hbm>> -> memref<18016x768xf32, #tpu.memory_space<hbm>>
    tpu.enqueue_indirect_dma source(%arg10 : memref<64x768xf32, #tpu.memory_space<vmem>>) target(%dma_start3A_346 : memref<18016x768xf32, #tpu.memory_space<hbm>>) offsets(%arg8 : memref<64xi32, #tpu.memory_space<vmem>>) semaphore(%arg13 : memref<!tpu.dma_semaphore, #tpu.memory_space<semaphore_mem>>)
    %add3A_347 = arith.constant 2 : i32
    %add3A_348 = arith.addi %mul3A_32, %add3A_347 : i32
    %mul3A_349 = arith.constant 64 : i32
    %mul3A_350 = arith.muli %add3A_348, %mul3A_349 : i32
    %min3A_351 = arith.constant 1062 : i32
    %min3A_352 = arith.minsi %mul3A_350, %min3A_351 : i32
    %dma_wait3A_353 = arith.constant 0 : i32
    %dma_wait3A_354 = arith.constant 0 : i32
    %dma_wait3A_355 = tpu.memref_slice %arg4[%dma_wait3A_353, %dma_wait3A_354] : memref<18016x768xf32, #tpu.memory_space<hbm>> -> memref<18016x768xf32, #tpu.memory_space<hbm>>
    tpu.wait_indirect_dma semaphore(%arg12 : memref<!tpu.dma_semaphore, #tpu.memory_space<semaphore_mem>>) src(%arg9 : memref<64x768xf32, #tpu.memory_space<vmem>>) dst(%dma_wait3A_355 : memref<18016x768xf32, #tpu.memory_space<hbm>>)
    %get3A_356 = arith.constant 2 : i32
    %get3A_357 = arith.constant 0 : i32
    %get3A_358 = arith.index_cast %get3A_356 : i32 to index
    %get3A_359 = arith.index_cast %get3A_357 : i32 to index
    %get3A_360 = arith.constant 0 : index
    %get3A_361 = tpu.vector_load %arg5[%get3A_358, %get3A_359, %get3A_360] {strides = array<i32>} : memref<9x1x64xi32, #tpu.memory_space<vmem>>, vector<1x1x16xi32>,
    %get3A_362 = vector.shape_cast %get3A_361 : vector<1x1x16xi32> to vector<16xi32>
    %jit3A_363 = arith.constant 0 : i32
    %jit3A_364 = arith.constant 165 : i32
    %max3A_365 = vector.broadcast %jit3A_363 : i32 to vector<16xi32>
    %max3A_366 = arith.maxsi %max3A_365, %get3A_362 : vector<16xi32>
    %min3A_367 = vector.broadcast %jit3A_364 : i32 to vector<16xi32>
    %min3A_368 = arith.minsi %min3A_367, %max3A_366 : vector<16xi32>
    %mul3A_369 = arith.constant 16 : i32
    %mul3A_370 = vector.broadcast %mul3A_369 : i32 to vector<16xi32>
    %mul3A_371 = arith.muli %min3A_368, %mul3A_370 : vector<16xi32>
    %add3A_372 = vector.broadcast %select_n3A : i32 to vector<16xi32>
    %add3A_373 = arith.addi %mul3A_371, %add3A_372 : vector<16xi32>
    %swap3A_374 = arith.constant 0 : index
    %swap3A_375 = tpu.vector_load %arg6[%swap3A_374] {strides = array<i32>} : memref<64xi32, #tpu.memory_space<vmem>>, vector<16xi32>,
    %swap3A_376 = vector.shape_cast %swap3A_375 : vector<16xi32> to vector<16xi32>
    %swap3A_377 = vector.shape_cast %add3A_373 : vector<16xi32> to vector<16xi32>
    tpu.vector_store %arg6[%swap3A_374], %swap3A_377 {strides = array<i32>} : memref<64xi32, #tpu.memory_space<vmem>>, vector<16xi32>,
    %add3A_378 = arith.constant 0 : i32
    %add3A_379 = arith.addi %min3A_352, %add3A_378 : i32
    %iota3A_380 = tpu.iota {dimensions = array<i32: 0>} : vector<16xi32>
    %add3A_381 = vector.broadcast %add3A_379 : i32 to vector<16xi32>
    %add3A_382 = arith.addi %add3A_381, %iota3A_380 : vector<16xi32>
    %mul3A_383 = arith.constant 16 : i32
    %mul3A_384 = vector.broadcast %mul3A_383 : i32 to vector<16xi32>
    %mul3A_385 = arith.muli %add3A_382, %mul3A_384 : vector<16xi32>
    %add3A_386 = vector.broadcast %select_n3A : i32 to vector<16xi32>
    %add3A_387 = arith.addi %mul3A_385, %add3A_386 : vector<16xi32>
    %swap3A_388 = arith.constant 0 : index
    %swap3A_389 = tpu.vector_load %arg7[%swap3A_388] {strides = array<i32>} : memref<64xi32, #tpu.memory_space<vmem>>, vector<16xi32>,
    %swap3A_390 = vector.shape_cast %swap3A_389 : vector<16xi32> to vector<16xi32>
    %swap3A_391 = vector.shape_cast %add3A_387 : vector<16xi32> to vector<16xi32>
    tpu.vector_store %arg7[%swap3A_388], %swap3A_391 {strides = array<i32>} : memref<64xi32, #tpu.memory_space<vmem>>, vector<16xi32>,
    %get3A_392 = arith.constant 2 : i32
    %get3A_393 = arith.constant 0 : i32
    %get3A_394 = arith.index_cast %get3A_392 : i32 to index
    %get3A_395 = arith.index_cast %get3A_393 : i32 to index
    %get3A_396 = arith.constant 16 : index
    %get3A_397 = tpu.vector_load %arg5[%get3A_394, %get3A_395, %get3A_396] {strides = array<i32>} : memref<9x1x64xi32, #tpu.memory_space<vmem>>, vector<1x1x16xi32>,
    %get3A_398 = vector.shape_cast %get3A_397 : vector<1x1x16xi32> to vector<16xi32>
    %jit3A_399 = arith.constant 0 : i32
    %jit3A_400 = arith.constant 165 : i32
    %max3A_401 = vector.broadcast %jit3A_399 : i32 to vector<16xi32>
    %max3A_402 = arith.maxsi %max3A_401, %get3A_398 : vector<16xi32>
    %min3A_403 = vector.broadcast %jit3A_400 : i32 to vector<16xi32>
    %min3A_404 = arith.minsi %min3A_403, %max3A_402 : vector<16xi32>
    %mul3A_405 = arith.constant 16 : i32
    %mul3A_406 = vector.broadcast %mul3A_405 : i32 to vector<16xi32>
    %mul3A_407 = arith.muli %min3A_404, %mul3A_406 : vector<16xi32>
    %add3A_408 = vector.broadcast %select_n3A : i32 to vector<16xi32>
    %add3A_409 = arith.addi %mul3A_407, %add3A_408 : vector<16xi32>
    %swap3A_410 = arith.constant 16 : index
    %swap3A_411 = tpu.vector_load %arg6[%swap3A_410] {strides = array<i32>} : memref<64xi32, #tpu.memory_space<vmem>>, vector<16xi32>,
    %swap3A_412 = vector.shape_cast %swap3A_411 : vector<16xi32> to vector<16xi32>
    %swap3A_413 = vector.shape_cast %add3A_409 : vector<16xi32> to vector<16xi32>
    tpu.vector_store %arg6[%swap3A_410], %swap3A_413 {strides = array<i32>} : memref<64xi32, #tpu.memory_space<vmem>>, vector<16xi32>,
    %add3A_414 = arith.constant 16 : i32
    %add3A_415 = arith.addi %min3A_352, %add3A_414 : i32
    %iota3A_416 = tpu.iota {dimensions = array<i32: 0>} : vector<16xi32>
    %add3A_417 = vector.broadcast %add3A_415 : i32 to vector<16xi32>
    %add3A_418 = arith.addi %add3A_417, %iota3A_416 : vector<16xi32>
    %mul3A_419 = arith.constant 16 : i32
    %mul3A_420 = vector.broadcast %mul3A_419 : i32 to vector<16xi32>
    %mul3A_421 = arith.muli %add3A_418, %mul3A_420 : vector<16xi32>
    %add3A_422 = vector.broadcast %select_n3A : i32 to vector<16xi32>
    %add3A_423 = arith.addi %mul3A_421, %add3A_422 : vector<16xi32>
    %swap3A_424 = arith.constant 16 : index
    %swap3A_425 = tpu.vector_load %arg7[%swap3A_424] {strides = array<i32>} : memref<64xi32, #tpu.memory_space<vmem>>, vector<16xi32>,
    %swap3A_426 = vector.shape_cast %swap3A_425 : vector<16xi32> to vector<16xi32>
    %swap3A_427 = vector.shape_cast %add3A_423 : vector<16xi32> to vector<16xi32>
    tpu.vector_store %arg7[%swap3A_424], %swap3A_427 {strides = array<i32>} : memref<64xi32, #tpu.memory_space<vmem>>, vector<16xi32>,
    %get3A_428 = arith.constant 2 : i32
    %get3A_429 = arith.constant 0 : i32
    %get3A_430 = arith.index_cast %get3A_428 : i32 to index
    %get3A_431 = arith.index_cast %get3A_429 : i32 to index
    %get3A_432 = arith.constant 32 : index
    %get3A_433 = tpu.vector_load %arg5[%get3A_430, %get3A_431, %get3A_432] {strides = array<i32>} : memref<9x1x64xi32, #tpu.memory_space<vmem>>, vector<1x1x16xi32>,
    %get3A_434 = vector.shape_cast %get3A_433 : vector<1x1x16xi32> to vector<16xi32>
    %jit3A_435 = arith.constant 0 : i32
    %jit3A_436 = arith.constant 165 : i32
    %max3A_437 = vector.broadcast %jit3A_435 : i32 to vector<16xi32>
    %max3A_438 = arith.maxsi %max3A_437, %get3A_434 : vector<16xi32>
    %min3A_439 = vector.broadcast %jit3A_436 : i32 to vector<16xi32>
    %min3A_440 = arith.minsi %min3A_439, %max3A_438 : vector<16xi32>
    %mul3A_441 = arith.constant 16 : i32
    %mul3A_442 = vector.broadcast %mul3A_441 : i32 to vector<16xi32>
    %mul3A_443 = arith.muli %min3A_440, %mul3A_442 : vector<16xi32>
    %add3A_444 = vector.broadcast %select_n3A : i32 to vector<16xi32>
    %add3A_445 = arith.addi %mul3A_443, %add3A_444 : vector<16xi32>
    %swap3A_446 = arith.constant 32 : index
    %swap3A_447 = tpu.vector_load %arg6[%swap3A_446] {strides = array<i32>} : memref<64xi32, #tpu.memory_space<vmem>>, vector<16xi32>,
    %swap3A_448 = vector.shape_cast %swap3A_447 : vector<16xi32> to vector<16xi32>
    %swap3A_449 = vector.shape_cast %add3A_445 : vector<16xi32> to vector<16xi32>
    tpu.vector_store %arg6[%swap3A_446], %swap3A_449 {strides = array<i32>} : memref<64xi32, #tpu.memory_space<vmem>>, vector<16xi32>,
    %add3A_450 = arith.constant 32 : i32
    %add3A_451 = arith.addi %min3A_352, %add3A_450 : i32
    %iota3A_452 = tpu.iota {dimensions = array<i32: 0>} : vector<16xi32>
    %add3A_453 = vector.broadcast %add3A_451 : i32 to vector<16xi32>
    %add3A_454 = arith.addi %add3A_453, %iota3A_452 : vector<16xi32>
    %mul3A_455 = arith.constant 16 : i32
    %mul3A_456 = vector.broadcast %mul3A_455 : i32 to vector<16xi32>
    %mul3A_457 = arith.muli %add3A_454, %mul3A_456 : vector<16xi32>
    %add3A_458 = vector.broadcast %select_n3A : i32 to vector<16xi32>
    %add3A_459 = arith.addi %mul3A_457, %add3A_458 : vector<16xi32>
    %swap3A_460 = arith.constant 32 : index
    %swap3A_461 = tpu.vector_load %arg7[%swap3A_460] {strides = array<i32>} : memref<64xi32, #tpu.memory_space<vmem>>, vector<16xi32>,
    %swap3A_462 = vector.shape_cast %swap3A_461 : vector<16xi32> to vector<16xi32>
    %swap3A_463 = vector.shape_cast %add3A_459 : vector<16xi32> to vector<16xi32>
    tpu.vector_store %arg7[%swap3A_460], %swap3A_463 {strides = array<i32>} : memref<64xi32, #tpu.memory_space<vmem>>, vector<16xi32>,
    %get3A_464 = arith.constant 2 : i32
    %get3A_465 = arith.constant 0 : i32
    %get3A_466 = arith.index_cast %get3A_464 : i32 to index
    %get3A_467 = arith.index_cast %get3A_465 : i32 to index
    %get3A_468 = arith.constant 48 : index
    %get3A_469 = tpu.vector_load %arg5[%get3A_466, %get3A_467, %get3A_468] {strides = array<i32>} : memref<9x1x64xi32, #tpu.memory_space<vmem>>, vector<1x1x16xi32>,
    %get3A_470 = vector.shape_cast %get3A_469 : vector<1x1x16xi32> to vector<16xi32>
    %jit3A_471 = arith.constant 0 : i32
    %jit3A_472 = arith.constant 165 : i32
    %max3A_473 = vector.broadcast %jit3A_471 : i32 to vector<16xi32>
    %max3A_474 = arith.maxsi %max3A_473, %get3A_470 : vector<16xi32>
    %min3A_475 = vector.broadcast %jit3A_472 : i32 to vector<16xi32>
    %min3A_476 = arith.minsi %min3A_475, %max3A_474 : vector<16xi32>
    %mul3A_477 = arith.constant 16 : i32
    %mul3A_478 = vector.broadcast %mul3A_477 : i32 to vector<16xi32>
    %mul3A_479 = arith.muli %min3A_476, %mul3A_478 : vector<16xi32>
    %add3A_480 = vector.broadcast %select_n3A : i32 to vector<16xi32>
    %add3A_481 = arith.addi %mul3A_479, %add3A_480 : vector<16xi32>
    %swap3A_482 = arith.constant 48 : index
    %swap3A_483 = tpu.vector_load %arg6[%swap3A_482] {strides = array<i32>} : memref<64xi32, #tpu.memory_space<vmem>>, vector<16xi32>,
    %swap3A_484 = vector.shape_cast %swap3A_483 : vector<16xi32> to vector<16xi32>
    %swap3A_485 = vector.shape_cast %add3A_481 : vector<16xi32> to vector<16xi32>
    tpu.vector_store %arg6[%swap3A_482], %swap3A_485 {strides = array<i32>} : memref<64xi32, #tpu.memory_space<vmem>>, vector<16xi32>,
    %add3A_486 = arith.constant 48 : i32
    %add3A_487 = arith.addi %min3A_352, %add3A_486 : i32
    %iota3A_488 = tpu.iota {dimensions = array<i32: 0>} : vector<16xi32>
    %add3A_489 = vector.broadcast %add3A_487 : i32 to vector<16xi32>
    %add3A_490 = arith.addi %add3A_489, %iota3A_488 : vector<16xi32>
    %mul3A_491 = arith.constant 16 : i32
    %mul3A_492 = vector.broadcast %mul3A_491 : i32 to vector<16xi32>
    %mul3A_493 = arith.muli %add3A_490, %mul3A_492 : vector<16xi32>
    %add3A_494 = vector.broadcast %select_n3A : i32 to vector<16xi32>
    %add3A_495 = arith.addi %mul3A_493, %add3A_494 : vector<16xi32>
    %swap3A_496 = arith.constant 48 : index
    %swap3A_497 = tpu.vector_load %arg7[%swap3A_496] {strides = array<i32>} : memref<64xi32, #tpu.memory_space<vmem>>, vector<16xi32>,
    %swap3A_498 = vector.shape_cast %swap3A_497 : vector<16xi32> to vector<16xi32>
    %swap3A_499 = vector.shape_cast %add3A_495 : vector<16xi32> to vector<16xi32>
    tpu.vector_store %arg7[%swap3A_496], %swap3A_499 {strides = array<i32>} : memref<64xi32, #tpu.memory_space<vmem>>, vector<16xi32>,
    %dma_start3A_500 = arith.constant 0 : i32
    %dma_start3A_501 = arith.constant 0 : i32
    %dma_start3A_502 = tpu.memref_slice %arg2[%dma_start3A_500, %dma_start3A_501] : memref<2688x768xf32, #tpu.memory_space<hbm>> -> memref<2688x768xf32, #tpu.memory_space<hbm>>
    tpu.enqueue_indirect_dma source(%dma_start3A_502 : memref<2688x768xf32, #tpu.memory_space<hbm>>) target(%arg9 : memref<64x768xf32, #tpu.memory_space<vmem>>) offsets(%arg6 : memref<64xi32, #tpu.memory_space<vmem>>) semaphore(%arg11 : memref<!tpu.dma_semaphore, #tpu.memory_space<semaphore_mem>>)
    %dma_wait3A_503 = arith.constant 0 : i32
    %dma_wait3A_504 = arith.constant 0 : i32
    %dma_wait3A_505 = tpu.memref_slice %arg2[%dma_wait3A_503, %dma_wait3A_504] : memref<2688x768xf32, #tpu.memory_space<hbm>> -> memref<2688x768xf32, #tpu.memory_space<hbm>>
    tpu.wait_indirect_dma semaphore(%arg11 : memref<!tpu.dma_semaphore, #tpu.memory_space<semaphore_mem>>) src(%dma_wait3A_505 : memref<2688x768xf32, #tpu.memory_space<hbm>>) dst(%arg9 : memref<64x768xf32, #tpu.memory_space<vmem>>)
    %dma_start3A_506 = arith.constant 0 : i32
    %dma_start3A_507 = arith.constant 0 : i32
    %dma_start3A_508 = tpu.memref_slice %arg4[%dma_start3A_506, %dma_start3A_507] : memref<18016x768xf32, #tpu.memory_space<hbm>> -> memref<18016x768xf32, #tpu.memory_space<hbm>>
    tpu.enqueue_indirect_dma source(%arg9 : memref<64x768xf32, #tpu.memory_space<vmem>>) target(%dma_start3A_508 : memref<18016x768xf32, #tpu.memory_space<hbm>>) offsets(%arg7 : memref<64xi32, #tpu.memory_space<vmem>>) semaphore(%arg12 : memref<!tpu.dma_semaphore, #tpu.memory_space<semaphore_mem>>)
    %add3A_509 = arith.constant 3 : i32
    %add3A_510 = arith.addi %mul3A_32, %add3A_509 : i32
    %mul3A_511 = arith.constant 64 : i32
    %mul3A_512 = arith.muli %add3A_510, %mul3A_511 : i32
    %min3A_513 = arith.constant 1062 : i32
    %min3A_514 = arith.minsi %mul3A_512, %min3A_513 : i32
    %dma_wait3A_515 = arith.constant 0 : i32
    %dma_wait3A_516 = arith.constant 0 : i32
    %dma_wait3A_517 = tpu.memref_slice %arg4[%dma_wait3A_515, %dma_wait3A_516] : memref<18016x768xf32, #tpu.memory_space<hbm>> -> memref<18016x768xf32, #tpu.memory_space<hbm>>
    tpu.wait_indirect_dma semaphore(%arg13 : memref<!tpu.dma_semaphore, #tpu.memory_space<semaphore_mem>>) src(%arg10 : memref<64x768xf32, #tpu.memory_space<vmem>>) dst(%dma_wait3A_517 : memref<18016x768xf32, #tpu.memory_space<hbm>>)
    %get3A_518 = arith.constant 3 : i32
    %get3A_519 = arith.constant 0 : i32
    %get3A_520 = arith.index_cast %get3A_518 : i32 to index
    %get3A_521 = arith.index_cast %get3A_519 : i32 to index
    %get3A_522 = arith.constant 0 : index
    %get3A_523 = tpu.vector_load %arg5[%get3A_520, %get3A_521, %get3A_522] {strides = array<i32>} : memref<9x1x64xi32, #tpu.memory_space<vmem>>, vector<1x1x16xi32>,
    %get3A_524 = vector.shape_cast %get3A_523 : vector<1x1x16xi32> to vector<16xi32>
    %jit3A_525 = arith.constant 0 : i32
    %jit3A_526 = arith.constant 165 : i32
    %max3A_527 = vector.broadcast %jit3A_525 : i32 to vector<16xi32>
    %max3A_528 = arith.maxsi %max3A_527, %get3A_524 : vector<16xi32>
    %min3A_529 = vector.broadcast %jit3A_526 : i32 to vector<16xi32>
    %min3A_530 = arith.minsi %min3A_529, %max3A_528 : vector<16xi32>
    %mul3A_531 = arith.constant 16 : i32
    %mul3A_532 = vector.broadcast %mul3A_531 : i32 to vector<16xi32>
    %mul3A_533 = arith.muli %min3A_530, %mul3A_532 : vector<16xi32>
    %add3A_534 = vector.broadcast %select_n3A : i32 to vector<16xi32>
    %add3A_535 = arith.addi %mul3A_533, %add3A_534 : vector<16xi32>
    %swap3A_536 = arith.constant 0 : index
    %swap3A_537 = tpu.vector_load %arg6[%swap3A_536] {strides = array<i32>} : memref<64xi32, #tpu.memory_space<vmem>>, vector<16xi32>,
    %swap3A_538 = vector.shape_cast %swap3A_537 : vector<16xi32> to vector<16xi32>
    %swap3A_539 = vector.shape_cast %add3A_535 : vector<16xi32> to vector<16xi32>
    tpu.vector_store %arg6[%swap3A_536], %swap3A_539 {strides = array<i32>} : memref<64xi32, #tpu.memory_space<vmem>>, vector<16xi32>,
    %add3A_540 = arith.constant 0 : i32
    %add3A_541 = arith.addi %min3A_514, %add3A_540 : i32
    %iota3A_542 = tpu.iota {dimensions = array<i32: 0>} : vector<16xi32>
    %add3A_543 = vector.broadcast %add3A_541 : i32 to vector<16xi32>
    %add3A_544 = arith.addi %add3A_543, %iota3A_542 : vector<16xi32>
    %mul3A_545 = arith.constant 16 : i32
    %mul3A_546 = vector.broadcast %mul3A_545 : i32 to vector<16xi32>
    %mul3A_547 = arith.muli %add3A_544, %mul3A_546 : vector<16xi32>
    %add3A_548 = vector.broadcast %select_n3A : i32 to vector<16xi32>
    %add3A_549 = arith.addi %mul3A_547, %add3A_548 : vector<16xi32>
    %swap3A_550 = arith.constant 0 : index
    %swap3A_551 = tpu.vector_load %arg8[%swap3A_550] {strides = array<i32>} : memref<64xi32, #tpu.memory_space<vmem>>, vector<16xi32>,
    %swap3A_552 = vector.shape_cast %swap3A_551 : vector<16xi32> to vector<16xi32>
    %swap3A_553 = vector.shape_cast %add3A_549 : vector<16xi32> to vector<16xi32>
    tpu.vector_store %arg8[%swap3A_550], %swap3A_553 {strides = array<i32>} : memref<64xi32, #tpu.memory_space<vmem>>, vector<16xi32>,
    %get3A_554 = arith.constant 3 : i32
    %get3A_555 = arith.constant 0 : i32
    %get3A_556 = arith.index_cast %get3A_554 : i32 to index
    %get3A_557 = arith.index_cast %get3A_555 : i32 to index
    %get3A_558 = arith.constant 16 : index
    %get3A_559 = tpu.vector_load %arg5[%get3A_556, %get3A_557, %get3A_558] {strides = array<i32>} : memref<9x1x64xi32, #tpu.memory_space<vmem>>, vector<1x1x16xi32>,
    %get3A_560 = vector.shape_cast %get3A_559 : vector<1x1x16xi32> to vector<16xi32>
    %jit3A_561 = arith.constant 0 : i32
    %jit3A_562 = arith.constant 165 : i32
    %max3A_563 = vector.broadcast %jit3A_561 : i32 to vector<16xi32>
    %max3A_564 = arith.maxsi %max3A_563, %get3A_560 : vector<16xi32>
    %min3A_565 = vector.broadcast %jit3A_562 : i32 to vector<16xi32>
    %min3A_566 = arith.minsi %min3A_565, %max3A_564 : vector<16xi32>
    %mul3A_567 = arith.constant 16 : i32
    %mul3A_568 = vector.broadcast %mul3A_567 : i32 to vector<16xi32>
    %mul3A_569 = arith.muli %min3A_566, %mul3A_568 : vector<16xi32>
    %add3A_570 = vector.broadcast %select_n3A : i32 to vector<16xi32>
    %add3A_571 = arith.addi %mul3A_569, %add3A_570 : vector<16xi32>
    %swap3A_572 = arith.constant 16 : index
    %swap3A_573 = tpu.vector_load %arg6[%swap3A_572] {strides = array<i32>} : memref<64xi32, #tpu.memory_space<vmem>>, vector<16xi32>,
    %swap3A_574 = vector.shape_cast %swap3A_573 : vector<16xi32> to vector<16xi32>
    %swap3A_575 = vector.shape_cast %add3A_571 : vector<16xi32> to vector<16xi32>
    tpu.vector_store %arg6[%swap3A_572], %swap3A_575 {strides = array<i32>} : memref<64xi32, #tpu.memory_space<vmem>>, vector<16xi32>,
    %add3A_576 = arith.constant 16 : i32
    %add3A_577 = arith.addi %min3A_514, %add3A_576 : i32
    %iota3A_578 = tpu.iota {dimensions = array<i32: 0>} : vector<16xi32>
    %add3A_579 = vector.broadcast %add3A_577 : i32 to vector<16xi32>
    %add3A_580 = arith.addi %add3A_579, %iota3A_578 : vector<16xi32>
    %mul3A_581 = arith.constant 16 : i32
    %mul3A_582 = vector.broadcast %mul3A_581 : i32 to vector<16xi32>
    %mul3A_583 = arith.muli %add3A_580, %mul3A_582 : vector<16xi32>
    %add3A_584 = vector.broadcast %select_n3A : i32 to vector<16xi32>
    %add3A_585 = arith.addi %mul3A_583, %add3A_584 : vector<16xi32>
    %swap3A_586 = arith.constant 16 : index
    %swap3A_587 = tpu.vector_load %arg8[%swap3A_586] {strides = array<i32>} : memref<64xi32, #tpu.memory_space<vmem>>, vector<16xi32>,
    %swap3A_588 = vector.shape_cast %swap3A_587 : vector<16xi32> to vector<16xi32>
    %swap3A_589 = vector.shape_cast %add3A_585 : vector<16xi32> to vector<16xi32>
    tpu.vector_store %arg8[%swap3A_586], %swap3A_589 {strides = array<i32>} : memref<64xi32, #tpu.memory_space<vmem>>, vector<16xi32>,
    %get3A_590 = arith.constant 3 : i32
    %get3A_591 = arith.constant 0 : i32
    %get3A_592 = arith.index_cast %get3A_590 : i32 to index
    %get3A_593 = arith.index_cast %get3A_591 : i32 to index
    %get3A_594 = arith.constant 32 : index
    %get3A_595 = tpu.vector_load %arg5[%get3A_592, %get3A_593, %get3A_594] {strides = array<i32>} : memref<9x1x64xi32, #tpu.memory_space<vmem>>, vector<1x1x16xi32>,
    %get3A_596 = vector.shape_cast %get3A_595 : vector<1x1x16xi32> to vector<16xi32>
    %jit3A_597 = arith.constant 0 : i32
    %jit3A_598 = arith.constant 165 : i32
    %max3A_599 = vector.broadcast %jit3A_597 : i32 to vector<16xi32>
    %max3A_600 = arith.maxsi %max3A_599, %get3A_596 : vector<16xi32>
    %min3A_601 = vector.broadcast %jit3A_598 : i32 to vector<16xi32>
    %min3A_602 = arith.minsi %min3A_601, %max3A_600 : vector<16xi32>
    %mul3A_603 = arith.constant 16 : i32
    %mul3A_604 = vector.broadcast %mul3A_603 : i32 to vector<16xi32>
    %mul3A_605 = arith.muli %min3A_602, %mul3A_604 : vector<16xi32>
    %add3A_606 = vector.broadcast %select_n3A : i32 to vector<16xi32>
    %add3A_607 = arith.addi %mul3A_605, %add3A_606 : vector<16xi32>
    %swap3A_608 = arith.constant 32 : index
    %swap3A_609 = tpu.vector_load %arg6[%swap3A_608] {strides = array<i32>} : memref<64xi32, #tpu.memory_space<vmem>>, vector<16xi32>,
    %swap3A_610 = vector.shape_cast %swap3A_609 : vector<16xi32> to vector<16xi32>
    %swap3A_611 = vector.shape_cast %add3A_607 : vector<16xi32> to vector<16xi32>
    tpu.vector_store %arg6[%swap3A_608], %swap3A_611 {strides = array<i32>} : memref<64xi32, #tpu.memory_space<vmem>>, vector<16xi32>,
    %add3A_612 = arith.constant 32 : i32
    %add3A_613 = arith.addi %min3A_514, %add3A_612 : i32
    %iota3A_614 = tpu.iota {dimensions = array<i32: 0>} : vector<16xi32>
    %add3A_615 = vector.broadcast %add3A_613 : i32 to vector<16xi32>
    %add3A_616 = arith.addi %add3A_615, %iota3A_614 : vector<16xi32>
    %mul3A_617 = arith.constant 16 : i32
    %mul3A_618 = vector.broadcast %mul3A_617 : i32 to vector<16xi32>
    %mul3A_619 = arith.muli %add3A_616, %mul3A_618 : vector<16xi32>
    %add3A_620 = vector.broadcast %select_n3A : i32 to vector<16xi32>
    %add3A_621 = arith.addi %mul3A_619, %add3A_620 : vector<16xi32>
    %swap3A_622 = arith.constant 32 : index
    %swap3A_623 = tpu.vector_load %arg8[%swap3A_622] {strides = array<i32>} : memref<64xi32, #tpu.memory_space<vmem>>, vector<16xi32>,
    %swap3A_624 = vector.shape_cast %swap3A_623 : vector<16xi32> to vector<16xi32>
    %swap3A_625 = vector.shape_cast %add3A_621 : vector<16xi32> to vector<16xi32>
    tpu.vector_store %arg8[%swap3A_622], %swap3A_625 {strides = array<i32>} : memref<64xi32, #tpu.memory_space<vmem>>, vector<16xi32>,
    %get3A_626 = arith.constant 3 : i32
    %get3A_627 = arith.constant 0 : i32
    %get3A_628 = arith.index_cast %get3A_626 : i32 to index
    %get3A_629 = arith.index_cast %get3A_627 : i32 to index
    %get3A_630 = arith.constant 48 : index
    %get3A_631 = tpu.vector_load %arg5[%get3A_628, %get3A_629, %get3A_630] {strides = array<i32>} : memref<9x1x64xi32, #tpu.memory_space<vmem>>, vector<1x1x16xi32>,
    %get3A_632 = vector.shape_cast %get3A_631 : vector<1x1x16xi32> to vector<16xi32>
    %jit3A_633 = arith.constant 0 : i32
    %jit3A_634 = arith.constant 165 : i32
    %max3A_635 = vector.broadcast %jit3A_633 : i32 to vector<16xi32>
    %max3A_636 = arith.maxsi %max3A_635, %get3A_632 : vector<16xi32>
    %min3A_637 = vector.broadcast %jit3A_634 : i32 to vector<16xi32>
    %min3A_638 = arith.minsi %min3A_637, %max3A_636 : vector<16xi32>
    %mul3A_639 = arith.constant 16 : i32
    %mul3A_640 = vector.broadcast %mul3A_639 : i32 to vector<16xi32>
    %mul3A_641 = arith.muli %min3A_638, %mul3A_640 : vector<16xi32>
    %add3A_642 = vector.broadcast %select_n3A : i32 to vector<16xi32>
    %add3A_643 = arith.addi %mul3A_641, %add3A_642 : vector<16xi32>
    %swap3A_644 = arith.constant 48 : index
    %swap3A_645 = tpu.vector_load %arg6[%swap3A_644] {strides = array<i32>} : memref<64xi32, #tpu.memory_space<vmem>>, vector<16xi32>,
    %swap3A_646 = vector.shape_cast %swap3A_645 : vector<16xi32> to vector<16xi32>
    %swap3A_647 = vector.shape_cast %add3A_643 : vector<16xi32> to vector<16xi32>
    tpu.vector_store %arg6[%swap3A_644], %swap3A_647 {strides = array<i32>} : memref<64xi32, #tpu.memory_space<vmem>>, vector<16xi32>,
    %add3A_648 = arith.constant 48 : i32
    %add3A_649 = arith.addi %min3A_514, %add3A_648 : i32
    %iota3A_650 = tpu.iota {dimensions = array<i32: 0>} : vector<16xi32>
    %add3A_651 = vector.broadcast %add3A_649 : i32 to vector<16xi32>
    %add3A_652 = arith.addi %add3A_651, %iota3A_650 : vector<16xi32>
    %mul3A_653 = arith.constant 16 : i32
    %mul3A_654 = vector.broadcast %mul3A_653 : i32 to vector<16xi32>
    %mul3A_655 = arith.muli %add3A_652, %mul3A_654 : vector<16xi32>
    %add3A_656 = vector.broadcast %select_n3A : i32 to vector<16xi32>
    %add3A_657 = arith.addi %mul3A_655, %add3A_656 : vector<16xi32>
    %swap3A_658 = arith.constant 48 : index
    %swap3A_659 = tpu.vector_load %arg8[%swap3A_658] {strides = array<i32>} : memref<64xi32, #tpu.memory_space<vmem>>, vector<16xi32>,
    %swap3A_660 = vector.shape_cast %swap3A_659 : vector<16xi32> to vector<16xi32>
    %swap3A_661 = vector.shape_cast %add3A_657 : vector<16xi32> to vector<16xi32>
    tpu.vector_store %arg8[%swap3A_658], %swap3A_661 {strides = array<i32>} : memref<64xi32, #tpu.memory_space<vmem>>, vector<16xi32>,
    %dma_start3A_662 = arith.constant 0 : i32
    %dma_start3A_663 = arith.constant 0 : i32
    %dma_start3A_664 = tpu.memref_slice %arg2[%dma_start3A_662, %dma_start3A_663] : memref<2688x768xf32, #tpu.memory_space<hbm>> -> memref<2688x768xf32, #tpu.memory_space<hbm>>
    tpu.enqueue_indirect_dma source(%dma_start3A_664 : memref<2688x768xf32, #tpu.memory_space<hbm>>) target(%arg10 : memref<64x768xf32, #tpu.memory_space<vmem>>) offsets(%arg6 : memref<64xi32, #tpu.memory_space<vmem>>) semaphore(%arg11 : memref<!tpu.dma_semaphore, #tpu.memory_space<semaphore_mem>>)
    %dma_wait3A_665 = arith.constant 0 : i32
    %dma_wait3A_666 = arith.constant 0 : i32
    %dma_wait3A_667 = tpu.memref_slice %arg2[%dma_wait3A_665, %dma_wait3A_666] : memref<2688x768xf32, #tpu.memory_space<hbm>> -> memref<2688x768xf32, #tpu.memory_space<hbm>>
    tpu.wait_indirect_dma semaphore(%arg11 : memref<!tpu.dma_semaphore, #tpu.memory_space<semaphore_mem>>) src(%dma_wait3A_667 : memref<2688x768xf32, #tpu.memory_space<hbm>>) dst(%arg10 : memref<64x768xf32, #tpu.memory_space<vmem>>)
    %dma_start3A_668 = arith.constant 0 : i32
    %dma_start3A_669 = arith.constant 0 : i32
    %dma_start3A_670 = tpu.memref_slice %arg4[%dma_start3A_668, %dma_start3A_669] : memref<18016x768xf32, #tpu.memory_space<hbm>> -> memref<18016x768xf32, #tpu.memory_space<hbm>>
    tpu.enqueue_indirect_dma source(%arg10 : memref<64x768xf32, #tpu.memory_space<vmem>>) target(%dma_start3A_670 : memref<18016x768xf32, #tpu.memory_space<hbm>>) offsets(%arg8 : memref<64xi32, #tpu.memory_space<vmem>>) semaphore(%arg13 : memref<!tpu.dma_semaphore, #tpu.memory_space<semaphore_mem>>)
    %add3A_671 = arith.constant 4 : i32
    %add3A_672 = arith.addi %mul3A_32, %add3A_671 : i32
    %mul3A_673 = arith.constant 64 : i32
    %mul3A_674 = arith.muli %add3A_672, %mul3A_673 : i32
    %min3A_675 = arith.constant 1062 : i32
    %min3A_676 = arith.minsi %mul3A_674, %min3A_675 : i32
    %dma_wait3A_677 = arith.constant 0 : i32
    %dma_wait3A_678 = arith.constant 0 : i32
    %dma_wait3A_679 = tpu.memref_slice %arg4[%dma_wait3A_677, %dma_wait3A_678] : memref<18016x768xf32, #tpu.memory_space<hbm>> -> memref<18016x768xf32, #tpu.memory_space<hbm>>
    tpu.wait_indirect_dma semaphore(%arg12 : memref<!tpu.dma_semaphore, #tpu.memory_space<semaphore_mem>>) src(%arg9 : memref<64x768xf32, #tpu.memory_space<vmem>>) dst(%dma_wait3A_679 : memref<18016x768xf32, #tpu.memory_space<hbm>>)
    %get3A_680 = arith.constant 4 : i32
    %get3A_681 = arith.constant 0 : i32
    %get3A_682 = arith.index_cast %get3A_680 : i32 to index
    %get3A_683 = arith.index_cast %get3A_681 : i32 to index
    %get3A_684 = arith.constant 0 : index
    %get3A_685 = tpu.vector_load %arg5[%get3A_682, %get3A_683, %get3A_684] {strides = array<i32>} : memref<9x1x64xi32, #tpu.memory_space<vmem>>, vector<1x1x16xi32>,
    %get3A_686 = vector.shape_cast %get3A_685 : vector<1x1x16xi32> to vector<16xi32>
    %jit3A_687 = arith.constant 0 : i32
    %jit3A_688 = arith.constant 165 : i32
    %max3A_689 = vector.broadcast %jit3A_687 : i32 to vector<16xi32>
    %max3A_690 = arith.maxsi %max3A_689, %get3A_686 : vector<16xi32>
    %min3A_691 = vector.broadcast %jit3A_688 : i32 to vector<16xi32>
    %min3A_692 = arith.minsi %min3A_691, %max3A_690 : vector<16xi32>
    %mul3A_693 = arith.constant 16 : i32
    %mul3A_694 = vector.broadcast %mul3A_693 : i32 to vector<16xi32>
    %mul3A_695 = arith.muli %min3A_692, %mul3A_694 : vector<16xi32>
    %add3A_696 = vector.broadcast %select_n3A : i32 to vector<16xi32>
    %add3A_697 = arith.addi %mul3A_695, %add3A_696 : vector<16xi32>
    %swap3A_698 = arith.constant 0 : index
    %swap3A_699 = tpu.vector_load %arg6[%swap3A_698] {strides = array<i32>} : memref<64xi32, #tpu.memory_space<vmem>>, vector<16xi32>,
    %swap3A_700 = vector.shape_cast %swap3A_699 : vector<16xi32> to vector<16xi32>
    %swap3A_701 = vector.shape_cast %add3A_697 : vector<16xi32> to vector<16xi32>
    tpu.vector_store %arg6[%swap3A_698], %swap3A_701 {strides = array<i32>} : memref<64xi32, #tpu.memory_space<vmem>>, vector<16xi32>,
    %add3A_702 = arith.constant 0 : i32
    %add3A_703 = arith.addi %min3A_676, %add3A_702 : i32
    %iota3A_704 = tpu.iota {dimensions = array<i32: 0>} : vector<16xi32>
    %add3A_705 = vector.broadcast %add3A_703 : i32 to vector<16xi32>
    %add3A_706 = arith.addi %add3A_705, %iota3A_704 : vector<16xi32>
    %mul3A_707 = arith.constant 16 : i32
    %mul3A_708 = vector.broadcast %mul3A_707 : i32 to vector<16xi32>
    %mul3A_709 = arith.muli %add3A_706, %mul3A_708 : vector<16xi32>
    %add3A_710 = vector.broadcast %select_n3A : i32 to vector<16xi32>
    %add3A_711 = arith.addi %mul3A_709, %add3A_710 : vector<16xi32>
    %swap3A_712 = arith.constant 0 : index
    %swap3A_713 = tpu.vector_load %arg7[%swap3A_712] {strides = array<i32>} : memref<64xi32, #tpu.memory_space<vmem>>, vector<16xi32>,
    %swap3A_714 = vector.shape_cast %swap3A_713 : vector<16xi32> to vector<16xi32>
    %swap3A_715 = vector.shape_cast %add3A_711 : vector<16xi32> to vector<16xi32>
    tpu.vector_store %arg7[%swap3A_712], %swap3A_715 {strides = array<i32>} : memref<64xi32, #tpu.memory_space<vmem>>, vector<16xi32>,
    %get3A_716 = arith.constant 4 : i32
    %get3A_717 = arith.constant 0 : i32
    %get3A_718 = arith.index_cast %get3A_716 : i32 to index
    %get3A_719 = arith.index_cast %get3A_717 : i32 to index
    %get3A_720 = arith.constant 16 : index
    %get3A_721 = tpu.vector_load %arg5[%get3A_718, %get3A_719, %get3A_720] {strides = array<i32>} : memref<9x1x64xi32, #tpu.memory_space<vmem>>, vector<1x1x16xi32>,
    %get3A_722 = vector.shape_cast %get3A_721 : vector<1x1x16xi32> to vector<16xi32>
    %jit3A_723 = arith.constant 0 : i32
    %jit3A_724 = arith.constant 165 : i32
    %max3A_725 = vector.broadcast %jit3A_723 : i32 to vector<16xi32>
    %max3A_726 = arith.maxsi %max3A_725, %get3A_722 : vector<16xi32>
    %min3A_727 = vector.broadcast %jit3A_724 : i32 to vector<16xi32>
    %min3A_728 = arith.minsi %min3A_727, %max3A_726 : vector<16xi32>
    %mul3A_729 = arith.constant 16 : i32
    %mul3A_730 = vector.broadcast %mul3A_729 : i32 to vector<16xi32>
    %mul3A_731 = arith.muli %min3A_728, %mul3A_730 : vector<16xi32>
    %add3A_732 = vector.broadcast %select_n3A : i32 to vector<16xi32>
    %add3A_733 = arith.addi %mul3A_731, %add3A_732 : vector<16xi32>
    %swap3A_734 = arith.constant 16 : index
    %swap3A_735 = tpu.vector_load %arg6[%swap3A_734] {strides = array<i32>} : memref<64xi32, #tpu.memory_space<vmem>>, vector<16xi32>,
    %swap3A_736 = vector.shape_cast %swap3A_735 : vector<16xi32> to vector<16xi32>
    %swap3A_737 = vector.shape_cast %add3A_733 : vector<16xi32> to vector<16xi32>
    tpu.vector_store %arg6[%swap3A_734], %swap3A_737 {strides = array<i32>} : memref<64xi32, #tpu.memory_space<vmem>>, vector<16xi32>,
    %add3A_738 = arith.constant 16 : i32
    %add3A_739 = arith.addi %min3A_676, %add3A_738 : i32
    %iota3A_740 = tpu.iota {dimensions = array<i32: 0>} : vector<16xi32>
    %add3A_741 = vector.broadcast %add3A_739 : i32 to vector<16xi32>
    %add3A_742 = arith.addi %add3A_741, %iota3A_740 : vector<16xi32>
    %mul3A_743 = arith.constant 16 : i32
    %mul3A_744 = vector.broadcast %mul3A_743 : i32 to vector<16xi32>
    %mul3A_745 = arith.muli %add3A_742, %mul3A_744 : vector<16xi32>
    %add3A_746 = vector.broadcast %select_n3A : i32 to vector<16xi32>
    %add3A_747 = arith.addi %mul3A_745, %add3A_746 : vector<16xi32>
    %swap3A_748 = arith.constant 16 : index
    %swap3A_749 = tpu.vector_load %arg7[%swap3A_748] {strides = array<i32>} : memref<64xi32, #tpu.memory_space<vmem>>, vector<16xi32>,
    %swap3A_750 = vector.shape_cast %swap3A_749 : vector<16xi32> to vector<16xi32>
    %swap3A_751 = vector.shape_cast %add3A_747 : vector<16xi32> to vector<16xi32>
    tpu.vector_store %arg7[%swap3A_748], %swap3A_751 {strides = array<i32>} : memref<64xi32, #tpu.memory_space<vmem>>, vector<16xi32>,
    %get3A_752 = arith.constant 4 : i32
    %get3A_753 = arith.constant 0 : i32
    %get3A_754 = arith.index_cast %get3A_752 : i32 to index
    %get3A_755 = arith.index_cast %get3A_753 : i32 to index
    %get3A_756 = arith.constant 32 : index
    %get3A_757 = tpu.vector_load %arg5[%get3A_754, %get3A_755, %get3A_756] {strides = array<i32>} : memref<9x1x64xi32, #tpu.memory_space<vmem>>, vector<1x1x16xi32>,
    %get3A_758 = vector.shape_cast %get3A_757 : vector<1x1x16xi32> to vector<16xi32>
    %jit3A_759 = arith.constant 0 : i32
    %jit3A_760 = arith.constant 165 : i32
    %max3A_761 = vector.broadcast %jit3A_759 : i32 to vector<16xi32>
    %max3A_762 = arith.maxsi %max3A_761, %get3A_758 : vector<16xi32>
    %min3A_763 = vector.broadcast %jit3A_760 : i32 to vector<16xi32>
    %min3A_764 = arith.minsi %min3A_763, %max3A_762 : vector<16xi32>
    %mul3A_765 = arith.constant 16 : i32
    %mul3A_766 = vector.broadcast %mul3A_765 : i32 to vector<16xi32>
    %mul3A_767 = arith.muli %min3A_764, %mul3A_766 : vector<16xi32>
    %add3A_768 = vector.broadcast %select_n3A : i32 to vector<16xi32>
    %add3A_769 = arith.addi %mul3A_767, %add3A_768 : vector<16xi32>
    %swap3A_770 = arith.constant 32 : index
    %swap3A_771 = tpu.vector_load %arg6[%swap3A_770] {strides = array<i32>} : memref<64xi32, #tpu.memory_space<vmem>>, vector<16xi32>,
    %swap3A_772 = vector.shape_cast %swap3A_771 : vector<16xi32> to vector<16xi32>
    %swap3A_773 = vector.shape_cast %add3A_769 : vector<16xi32> to vector<16xi32>
    tpu.vector_store %arg6[%swap3A_770], %swap3A_773 {strides = array<i32>} : memref<64xi32, #tpu.memory_space<vmem>>, vector<16xi32>,
    %add3A_774 = arith.constant 32 : i32
    %add3A_775 = arith.addi %min3A_676, %add3A_774 : i32
    %iota3A_776 = tpu.iota {dimensions = array<i32: 0>} : vector<16xi32>
    %add3A_777 = vector.broadcast %add3A_775 : i32 to vector<16xi32>
    %add3A_778 = arith.addi %add3A_777, %iota3A_776 : vector<16xi32>
    %mul3A_779 = arith.constant 16 : i32
    %mul3A_780 = vector.broadcast %mul3A_779 : i32 to vector<16xi32>
    %mul3A_781 = arith.muli %add3A_778, %mul3A_780 : vector<16xi32>
    %add3A_782 = vector.broadcast %select_n3A : i32 to vector<16xi32>
    %add3A_783 = arith.addi %mul3A_781, %add3A_782 : vector<16xi32>
    %swap3A_784 = arith.constant 32 : index
    %swap3A_785 = tpu.vector_load %arg7[%swap3A_784] {strides = array<i32>} : memref<64xi32, #tpu.memory_space<vmem>>, vector<16xi32>,
    %swap3A_786 = vector.shape_cast %swap3A_785 : vector<16xi32> to vector<16xi32>
    %swap3A_787 = vector.shape_cast %add3A_783 : vector<16xi32> to vector<16xi32>
    tpu.vector_store %arg7[%swap3A_784], %swap3A_787 {strides = array<i32>} : memref<64xi32, #tpu.memory_space<vmem>>, vector<16xi32>,
    %get3A_788 = arith.constant 4 : i32
    %get3A_789 = arith.constant 0 : i32
    %get3A_790 = arith.index_cast %get3A_788 : i32 to index
    %get3A_791 = arith.index_cast %get3A_789 : i32 to index
    %get3A_792 = arith.constant 48 : index
    %get3A_793 = tpu.vector_load %arg5[%get3A_790, %get3A_791, %get3A_792] {strides = array<i32>} : memref<9x1x64xi32, #tpu.memory_space<vmem>>, vector<1x1x16xi32>,
    %get3A_794 = vector.shape_cast %get3A_793 : vector<1x1x16xi32> to vector<16xi32>
    %jit3A_795 = arith.constant 0 : i32
    %jit3A_796 = arith.constant 165 : i32
    %max3A_797 = vector.broadcast %jit3A_795 : i32 to vector<16xi32>
    %max3A_798 = arith.maxsi %max3A_797, %get3A_794 : vector<16xi32>
    %min3A_799 = vector.broadcast %jit3A_796 : i32 to vector<16xi32>
    %min3A_800 = arith.minsi %min3A_799, %max3A_798 : vector<16xi32>
    %mul3A_801 = arith.constant 16 : i32
    %mul3A_802 = vector.broadcast %mul3A_801 : i32 to vector<16xi32>
    %mul3A_803 = arith.muli %min3A_800, %mul3A_802 : vector<16xi32>
    %add3A_804 = vector.broadcast %select_n3A : i32 to vector<16xi32>
    %add3A_805 = arith.addi %mul3A_803, %add3A_804 : vector<16xi32>
    %swap3A_806 = arith.constant 48 : index
    %swap3A_807 = tpu.vector_load %arg6[%swap3A_806] {strides = array<i32>} : memref<64xi32, #tpu.memory_space<vmem>>, vector<16xi32>,
    %swap3A_808 = vector.shape_cast %swap3A_807 : vector<16xi32> to vector<16xi32>
    %swap3A_809 = vector.shape_cast %add3A_805 : vector<16xi32> to vector<16xi32>
    tpu.vector_store %arg6[%swap3A_806], %swap3A_809 {strides = array<i32>} : memref<64xi32, #tpu.memory_space<vmem>>, vector<16xi32>,
    %add3A_810 = arith.constant 48 : i32
    %add3A_811 = arith.addi %min3A_676, %add3A_810 : i32
    %iota3A_812 = tpu.iota {dimensions = array<i32: 0>} : vector<16xi32>
    %add3A_813 = vector.broadcast %add3A_811 : i32 to vector<16xi32>
    %add3A_814 = arith.addi %add3A_813, %iota3A_812 : vector<16xi32>
    %mul3A_815 = arith.constant 16 : i32
    %mul3A_816 = vector.broadcast %mul3A_815 : i32 to vector<16xi32>
    %mul3A_817 = arith.muli %add3A_814, %mul3A_816 : vector<16xi32>
    %add3A_818 = vector.broadcast %select_n3A : i32 to vector<16xi32>
    %add3A_819 = arith.addi %mul3A_817, %add3A_818 : vector<16xi32>
    %swap3A_820 = arith.constant 48 : index
    %swap3A_821 = tpu.vector_load %arg7[%swap3A_820] {strides = array<i32>} : memref<64xi32, #tpu.memory_space<vmem>>, vector<16xi32>,
    %swap3A_822 = vector.shape_cast %swap3A_821 : vector<16xi32> to vector<16xi32>
    %swap3A_823 = vector.shape_cast %add3A_819 : vector<16xi32> to vector<16xi32>
    tpu.vector_store %arg7[%swap3A_820], %swap3A_823 {strides = array<i32>} : memref<64xi32, #tpu.memory_space<vmem>>, vector<16xi32>,
    %dma_start3A_824 = arith.constant 0 : i32
    %dma_start3A_825 = arith.constant 0 : i32
    %dma_start3A_826 = tpu.memref_slice %arg2[%dma_start3A_824, %dma_start3A_825] : memref<2688x768xf32, #tpu.memory_space<hbm>> -> memref<2688x768xf32, #tpu.memory_space<hbm>>
    tpu.enqueue_indirect_dma source(%dma_start3A_826 : memref<2688x768xf32, #tpu.memory_space<hbm>>) target(%arg9 : memref<64x768xf32, #tpu.memory_space<vmem>>) offsets(%arg6 : memref<64xi32, #tpu.memory_space<vmem>>) semaphore(%arg11 : memref<!tpu.dma_semaphore, #tpu.memory_space<semaphore_mem>>)
    %dma_wait3A_827 = arith.constant 0 : i32
    %dma_wait3A_828 = arith.constant 0 : i32
    %dma_wait3A_829 = tpu.memref_slice %arg2[%dma_wait3A_827, %dma_wait3A_828] : memref<2688x768xf32, #tpu.memory_space<hbm>> -> memref<2688x768xf32, #tpu.memory_space<hbm>>
    tpu.wait_indirect_dma semaphore(%arg11 : memref<!tpu.dma_semaphore, #tpu.memory_space<semaphore_mem>>) src(%dma_wait3A_829 : memref<2688x768xf32, #tpu.memory_space<hbm>>) dst(%arg9 : memref<64x768xf32, #tpu.memory_space<vmem>>)
    %dma_start3A_830 = arith.constant 0 : i32
    %dma_start3A_831 = arith.constant 0 : i32
    %dma_start3A_832 = tpu.memref_slice %arg4[%dma_start3A_830, %dma_start3A_831] : memref<18016x768xf32, #tpu.memory_space<hbm>> -> memref<18016x768xf32, #tpu.memory_space<hbm>>
    tpu.enqueue_indirect_dma source(%arg9 : memref<64x768xf32, #tpu.memory_space<vmem>>) target(%dma_start3A_832 : memref<18016x768xf32, #tpu.memory_space<hbm>>) offsets(%arg7 : memref<64xi32, #tpu.memory_space<vmem>>) semaphore(%arg12 : memref<!tpu.dma_semaphore, #tpu.memory_space<semaphore_mem>>)
    %add3A_833 = arith.constant 5 : i32
    %add3A_834 = arith.addi %mul3A_32, %add3A_833 : i32
    %mul3A_835 = arith.constant 64 : i32
    %mul3A_836 = arith.muli %add3A_834, %mul3A_835 : i32
    %min3A_837 = arith.constant 1062 : i32
    %min3A_838 = arith.minsi %mul3A_836, %min3A_837 : i32
    %dma_wait3A_839 = arith.constant 0 : i32
    %dma_wait3A_840 = arith.constant 0 : i32
    %dma_wait3A_841 = tpu.memref_slice %arg4[%dma_wait3A_839, %dma_wait3A_840] : memref<18016x768xf32, #tpu.memory_space<hbm>> -> memref<18016x768xf32, #tpu.memory_space<hbm>>
    tpu.wait_indirect_dma semaphore(%arg13 : memref<!tpu.dma_semaphore, #tpu.memory_space<semaphore_mem>>) src(%arg10 : memref<64x768xf32, #tpu.memory_space<vmem>>) dst(%dma_wait3A_841 : memref<18016x768xf32, #tpu.memory_space<hbm>>)
    %get3A_842 = arith.constant 5 : i32
    %get3A_843 = arith.constant 0 : i32
    %get3A_844 = arith.index_cast %get3A_842 : i32 to index
    %get3A_845 = arith.index_cast %get3A_843 : i32 to index
    %get3A_846 = arith.constant 0 : index
    %get3A_847 = tpu.vector_load %arg5[%get3A_844, %get3A_845, %get3A_846] {strides = array<i32>} : memref<9x1x64xi32, #tpu.memory_space<vmem>>, vector<1x1x16xi32>,
    %get3A_848 = vector.shape_cast %get3A_847 : vector<1x1x16xi32> to vector<16xi32>
    %jit3A_849 = arith.constant 0 : i32
    %jit3A_850 = arith.constant 165 : i32
    %max3A_851 = vector.broadcast %jit3A_849 : i32 to vector<16xi32>
    %max3A_852 = arith.maxsi %max3A_851, %get3A_848 : vector<16xi32>
    %min3A_853 = vector.broadcast %jit3A_850 : i32 to vector<16xi32>
    %min3A_854 = arith.minsi %min3A_853, %max3A_852 : vector<16xi32>
    %mul3A_855 = arith.constant 16 : i32
    %mul3A_856 = vector.broadcast %mul3A_855 : i32 to vector<16xi32>
    %mul3A_857 = arith.muli %min3A_854, %mul3A_856 : vector<16xi32>
    %add3A_858 = vector.broadcast %select_n3A : i32 to vector<16xi32>
    %add3A_859 = arith.addi %mul3A_857, %add3A_858 : vector<16xi32>
    %swap3A_860 = arith.constant 0 : index
    %swap3A_861 = tpu.vector_load %arg6[%swap3A_860] {strides = array<i32>} : memref<64xi32, #tpu.memory_space<vmem>>, vector<16xi32>,
    %swap3A_862 = vector.shape_cast %swap3A_861 : vector<16xi32> to vector<16xi32>
    %swap3A_863 = vector.shape_cast %add3A_859 : vector<16xi32> to vector<16xi32>
    tpu.vector_store %arg6[%swap3A_860], %swap3A_863 {strides = array<i32>} : memref<64xi32, #tpu.memory_space<vmem>>, vector<16xi32>,
    %add3A_864 = arith.constant 0 : i32
    %add3A_865 = arith.addi %min3A_838, %add3A_864 : i32
    %iota3A_866 = tpu.iota {dimensions = array<i32: 0>} : vector<16xi32>
    %add3A_867 = vector.broadcast %add3A_865 : i32 to vector<16xi32>
    %add3A_868 = arith.addi %add3A_867, %iota3A_866 : vector<16xi32>
    %mul3A_869 = arith.constant 16 : i32
    %mul3A_870 = vector.broadcast %mul3A_869 : i32 to vector<16xi32>
    %mul3A_871 = arith.muli %add3A_868, %mul3A_870 : vector<16xi32>
    %add3A_872 = vector.broadcast %select_n3A : i32 to vector<16xi32>
    %add3A_873 = arith.addi %mul3A_871, %add3A_872 : vector<16xi32>
    %swap3A_874 = arith.constant 0 : index
    %swap3A_875 = tpu.vector_load %arg8[%swap3A_874] {strides = array<i32>} : memref<64xi32, #tpu.memory_space<vmem>>, vector<16xi32>,
    %swap3A_876 = vector.shape_cast %swap3A_875 : vector<16xi32> to vector<16xi32>
    %swap3A_877 = vector.shape_cast %add3A_873 : vector<16xi32> to vector<16xi32>
    tpu.vector_store %arg8[%swap3A_874], %swap3A_877 {strides = array<i32>} : memref<64xi32, #tpu.memory_space<vmem>>, vector<16xi32>,
    %get3A_878 = arith.constant 5 : i32
    %get3A_879 = arith.constant 0 : i32
    %get3A_880 = arith.index_cast %get3A_878 : i32 to index
    %get3A_881 = arith.index_cast %get3A_879 : i32 to index
    %get3A_882 = arith.constant 16 : index
    %get3A_883 = tpu.vector_load %arg5[%get3A_880, %get3A_881, %get3A_882] {strides = array<i32>} : memref<9x1x64xi32, #tpu.memory_space<vmem>>, vector<1x1x16xi32>,
    %get3A_884 = vector.shape_cast %get3A_883 : vector<1x1x16xi32> to vector<16xi32>
    %jit3A_885 = arith.constant 0 : i32
    %jit3A_886 = arith.constant 165 : i32
    %max3A_887 = vector.broadcast %jit3A_885 : i32 to vector<16xi32>
    %max3A_888 = arith.maxsi %max3A_887, %get3A_884 : vector<16xi32>
    %min3A_889 = vector.broadcast %jit3A_886 : i32 to vector<16xi32>
    %min3A_890 = arith.minsi %min3A_889, %max3A_888 : vector<16xi32>
    %mul3A_891 = arith.constant 16 : i32
    %mul3A_892 = vector.broadcast %mul3A_891 : i32 to vector<16xi32>
    %mul3A_893 = arith.muli %min3A_890, %mul3A_892 : vector<16xi32>
    %add3A_894 = vector.broadcast %select_n3A : i32 to vector<16xi32>
    %add3A_895 = arith.addi %mul3A_893, %add3A_894 : vector<16xi32>
    %swap3A_896 = arith.constant 16 : index
    %swap3A_897 = tpu.vector_load %arg6[%swap3A_896] {strides = array<i32>} : memref<64xi32, #tpu.memory_space<vmem>>, vector<16xi32>,
    %swap3A_898 = vector.shape_cast %swap3A_897 : vector<16xi32> to vector<16xi32>
    %swap3A_899 = vector.shape_cast %add3A_895 : vector<16xi32> to vector<16xi32>
    tpu.vector_store %arg6[%swap3A_896], %swap3A_899 {strides = array<i32>} : memref<64xi32, #tpu.memory_space<vmem>>, vector<16xi32>,
    %add3A_900 = arith.constant 16 : i32
    %add3A_901 = arith.addi %min3A_838, %add3A_900 : i32
    %iota3A_902 = tpu.iota {dimensions = array<i32: 0>} : vector<16xi32>
    %add3A_903 = vector.broadcast %add3A_901 : i32 to vector<16xi32>
    %add3A_904 = arith.addi %add3A_903, %iota3A_902 : vector<16xi32>
    %mul3A_905 = arith.constant 16 : i32
    %mul3A_906 = vector.broadcast %mul3A_905 : i32 to vector<16xi32>
    %mul3A_907 = arith.muli %add3A_904, %mul3A_906 : vector<16xi32>
    %add3A_908 = vector.broadcast %select_n3A : i32 to vector<16xi32>
    %add3A_909 = arith.addi %mul3A_907, %add3A_908 : vector<16xi32>
    %swap3A_910 = arith.constant 16 : index
    %swap3A_911 = tpu.vector_load %arg8[%swap3A_910] {strides = array<i32>} : memref<64xi32, #tpu.memory_space<vmem>>, vector<16xi32>,
    %swap3A_912 = vector.shape_cast %swap3A_911 : vector<16xi32> to vector<16xi32>
    %swap3A_913 = vector.shape_cast %add3A_909 : vector<16xi32> to vector<16xi32>
    tpu.vector_store %arg8[%swap3A_910], %swap3A_913 {strides = array<i32>} : memref<64xi32, #tpu.memory_space<vmem>>, vector<16xi32>,
    %get3A_914 = arith.constant 5 : i32
    %get3A_915 = arith.constant 0 : i32
    %get3A_916 = arith.index_cast %get3A_914 : i32 to index
    %get3A_917 = arith.index_cast %get3A_915 : i32 to index
    %get3A_918 = arith.constant 32 : index
    %get3A_919 = tpu.vector_load %arg5[%get3A_916, %get3A_917, %get3A_918] {strides = array<i32>} : memref<9x1x64xi32, #tpu.memory_space<vmem>>, vector<1x1x16xi32>,
    %get3A_920 = vector.shape_cast %get3A_919 : vector<1x1x16xi32> to vector<16xi32>
    %jit3A_921 = arith.constant 0 : i32
    %jit3A_922 = arith.constant 165 : i32
    %max3A_923 = vector.broadcast %jit3A_921 : i32 to vector<16xi32>
    %max3A_924 = arith.maxsi %max3A_923, %get3A_920 : vector<16xi32>
    %min3A_925 = vector.broadcast %jit3A_922 : i32 to vector<16xi32>
    %min3A_926 = arith.minsi %min3A_925, %max3A_924 : vector<16xi32>
    %mul3A_927 = arith.constant 16 : i32
    %mul3A_928 = vector.broadcast %mul3A_927 : i32 to vector<16xi32>
    %mul3A_929 = arith.muli %min3A_926, %mul3A_928 : vector<16xi32>
    %add3A_930 = vector.broadcast %select_n3A : i32 to vector<16xi32>
    %add3A_931 = arith.addi %mul3A_929, %add3A_930 : vector<16xi32>
    %swap3A_932 = arith.constant 32 : index
    %swap3A_933 = tpu.vector_load %arg6[%swap3A_932] {strides = array<i32>} : memref<64xi32, #tpu.memory_space<vmem>>, vector<16xi32>,
    %swap3A_934 = vector.shape_cast %swap3A_933 : vector<16xi32> to vector<16xi32>
    %swap3A_935 = vector.shape_cast %add3A_931 : vector<16xi32> to vector<16xi32>
    tpu.vector_store %arg6[%swap3A_932], %swap3A_935 {strides = array<i32>} : memref<64xi32, #tpu.memory_space<vmem>>, vector<16xi32>,
    %add3A_936 = arith.constant 32 : i32
    %add3A_937 = arith.addi %min3A_838, %add3A_936 : i32
    %iota3A_938 = tpu.iota {dimensions = array<i32: 0>} : vector<16xi32>
    %add3A_939 = vector.broadcast %add3A_937 : i32 to vector<16xi32>
    %add3A_940 = arith.addi %add3A_939, %iota3A_938 : vector<16xi32>
    %mul3A_941 = arith.constant 16 : i32
    %mul3A_942 = vector.broadcast %mul3A_941 : i32 to vector<16xi32>
    %mul3A_943 = arith.muli %add3A_940, %mul3A_942 : vector<16xi32>
    %add3A_944 = vector.broadcast %select_n3A : i32 to vector<16xi32>
    %add3A_945 = arith.addi %mul3A_943, %add3A_944 : vector<16xi32>
    %swap3A_946 = arith.constant 32 : index
    %swap3A_947 = tpu.vector_load %arg8[%swap3A_946] {strides = array<i32>} : memref<64xi32, #tpu.memory_space<vmem>>, vector<16xi32>,
    %swap3A_948 = vector.shape_cast %swap3A_947 : vector<16xi32> to vector<16xi32>
    %swap3A_949 = vector.shape_cast %add3A_945 : vector<16xi32> to vector<16xi32>
    tpu.vector_store %arg8[%swap3A_946], %swap3A_949 {strides = array<i32>} : memref<64xi32, #tpu.memory_space<vmem>>, vector<16xi32>,
    %get3A_950 = arith.constant 5 : i32
    %get3A_951 = arith.constant 0 : i32
    %get3A_952 = arith.index_cast %get3A_950 : i32 to index
    %get3A_953 = arith.index_cast %get3A_951 : i32 to index
    %get3A_954 = arith.constant 48 : index
    %get3A_955 = tpu.vector_load %arg5[%get3A_952, %get3A_953, %get3A_954] {strides = array<i32>} : memref<9x1x64xi32, #tpu.memory_space<vmem>>, vector<1x1x16xi32>,
    %get3A_956 = vector.shape_cast %get3A_955 : vector<1x1x16xi32> to vector<16xi32>
    %jit3A_957 = arith.constant 0 : i32
    %jit3A_958 = arith.constant 165 : i32
    %max3A_959 = vector.broadcast %jit3A_957 : i32 to vector<16xi32>
    %max3A_960 = arith.maxsi %max3A_959, %get3A_956 : vector<16xi32>
    %min3A_961 = vector.broadcast %jit3A_958 : i32 to vector<16xi32>
    %min3A_962 = arith.minsi %min3A_961, %max3A_960 : vector<16xi32>
    %mul3A_963 = arith.constant 16 : i32
    %mul3A_964 = vector.broadcast %mul3A_963 : i32 to vector<16xi32>
    %mul3A_965 = arith.muli %min3A_962, %mul3A_964 : vector<16xi32>
    %add3A_966 = vector.broadcast %select_n3A : i32 to vector<16xi32>
    %add3A_967 = arith.addi %mul3A_965, %add3A_966 : vector<16xi32>
    %swap3A_968 = arith.constant 48 : index
    %swap3A_969 = tpu.vector_load %arg6[%swap3A_968] {strides = array<i32>} : memref<64xi32, #tpu.memory_space<vmem>>, vector<16xi32>,
    %swap3A_970 = vector.shape_cast %swap3A_969 : vector<16xi32> to vector<16xi32>
    %swap3A_971 = vector.shape_cast %add3A_967 : vector<16xi32> to vector<16xi32>
    tpu.vector_store %arg6[%swap3A_968], %swap3A_971 {strides = array<i32>} : memref<64xi32, #tpu.memory_space<vmem>>, vector<16xi32>,
    %add3A_972 = arith.constant 48 : i32
    %add3A_973 = arith.addi %min3A_838, %add3A_972 : i32
    %iota3A_974 = tpu.iota {dimensions = array<i32: 0>} : vector<16xi32>
    %add3A_975 = vector.broadcast %add3A_973 : i32 to vector<16xi32>
    %add3A_976 = arith.addi %add3A_975, %iota3A_974 : vector<16xi32>
    %mul3A_977 = arith.constant 16 : i32
    %mul3A_978 = vector.broadcast %mul3A_977 : i32 to vector<16xi32>
    %mul3A_979 = arith.muli %add3A_976, %mul3A_978 : vector<16xi32>
    %add3A_980 = vector.broadcast %select_n3A : i32 to vector<16xi32>
    %add3A_981 = arith.addi %mul3A_979, %add3A_980 : vector<16xi32>
    %swap3A_982 = arith.constant 48 : index
    %swap3A_983 = tpu.vector_load %arg8[%swap3A_982] {strides = array<i32>} : memref<64xi32, #tpu.memory_space<vmem>>, vector<16xi32>,
    %swap3A_984 = vector.shape_cast %swap3A_983 : vector<16xi32> to vector<16xi32>
    %swap3A_985 = vector.shape_cast %add3A_981 : vector<16xi32> to vector<16xi32>
    tpu.vector_store %arg8[%swap3A_982], %swap3A_985 {strides = array<i32>} : memref<64xi32, #tpu.memory_space<vmem>>, vector<16xi32>,
    %dma_start3A_986 = arith.constant 0 : i32
    %dma_start3A_987 = arith.constant 0 : i32
    %dma_start3A_988 = tpu.memref_slice %arg2[%dma_start3A_986, %dma_start3A_987] : memref<2688x768xf32, #tpu.memory_space<hbm>> -> memref<2688x768xf32, #tpu.memory_space<hbm>>
    tpu.enqueue_indirect_dma source(%dma_start3A_988 : memref<2688x768xf32, #tpu.memory_space<hbm>>) target(%arg10 : memref<64x768xf32, #tpu.memory_space<vmem>>) offsets(%arg6 : memref<64xi32, #tpu.memory_space<vmem>>) semaphore(%arg11 : memref<!tpu.dma_semaphore, #tpu.memory_space<semaphore_mem>>)
    %dma_wait3A_989 = arith.constant 0 : i32
    %dma_wait3A_990 = arith.constant 0 : i32
    %dma_wait3A_991 = tpu.memref_slice %arg2[%dma_wait3A_989, %dma_wait3A_990] : memref<2688x768xf32, #tpu.memory_space<hbm>> -> memref<2688x768xf32, #tpu.memory_space<hbm>>
    tpu.wait_indirect_dma semaphore(%arg11 : memref<!tpu.dma_semaphore, #tpu.memory_space<semaphore_mem>>) src(%dma_wait3A_991 : memref<2688x768xf32, #tpu.memory_space<hbm>>) dst(%arg10 : memref<64x768xf32, #tpu.memory_space<vmem>>)
    %dma_start3A_992 = arith.constant 0 : i32
    %dma_start3A_993 = arith.constant 0 : i32
    %dma_start3A_994 = tpu.memref_slice %arg4[%dma_start3A_992, %dma_start3A_993] : memref<18016x768xf32, #tpu.memory_space<hbm>> -> memref<18016x768xf32, #tpu.memory_space<hbm>>
    tpu.enqueue_indirect_dma source(%arg10 : memref<64x768xf32, #tpu.memory_space<vmem>>) target(%dma_start3A_994 : memref<18016x768xf32, #tpu.memory_space<hbm>>) offsets(%arg8 : memref<64xi32, #tpu.memory_space<vmem>>) semaphore(%arg13 : memref<!tpu.dma_semaphore, #tpu.memory_space<semaphore_mem>>)
    %add3A_995 = arith.constant 6 : i32
    %add3A_996 = arith.addi %mul3A_32, %add3A_995 : i32
    %mul3A_997 = arith.constant 64 : i32
    %mul3A_998 = arith.muli %add3A_996, %mul3A_997 : i32
    %min3A_999 = arith.constant 1062 : i32
    %min3A_1000 = arith.minsi %mul3A_998, %min3A_999 : i32
    %dma_wait3A_1001 = arith.constant 0 : i32
    %dma_wait3A_1002 = arith.constant 0 : i32
    %dma_wait3A_1003 = tpu.memref_slice %arg4[%dma_wait3A_1001, %dma_wait3A_1002] : memref<18016x768xf32, #tpu.memory_space<hbm>> -> memref<18016x768xf32, #tpu.memory_space<hbm>>
    tpu.wait_indirect_dma semaphore(%arg12 : memref<!tpu.dma_semaphore, #tpu.memory_space<semaphore_mem>>) src(%arg9 : memref<64x768xf32, #tpu.memory_space<vmem>>) dst(%dma_wait3A_1003 : memref<18016x768xf32, #tpu.memory_space<hbm>>)
    %get3A_1004 = arith.constant 6 : i32
    %get3A_1005 = arith.constant 0 : i32
    %get3A_1006 = arith.index_cast %get3A_1004 : i32 to index
    %get3A_1007 = arith.index_cast %get3A_1005 : i32 to index
    %get3A_1008 = arith.constant 0 : index
    %get3A_1009 = tpu.vector_load %arg5[%get3A_1006, %get3A_1007, %get3A_1008] {strides = array<i32>} : memref<9x1x64xi32, #tpu.memory_space<vmem>>, vector<1x1x16xi32>,
    %get3A_1010 = vector.shape_cast %get3A_1009 : vector<1x1x16xi32> to vector<16xi32>
    %jit3A_1011 = arith.constant 0 : i32
    %jit3A_1012 = arith.constant 165 : i32
    %max3A_1013 = vector.broadcast %jit3A_1011 : i32 to vector<16xi32>
    %max3A_1014 = arith.maxsi %max3A_1013, %get3A_1010 : vector<16xi32>
    %min3A_1015 = vector.broadcast %jit3A_1012 : i32 to vector<16xi32>
    %min3A_1016 = arith.minsi %min3A_1015, %max3A_1014 : vector<16xi32>
    %mul3A_1017 = arith.constant 16 : i32
    %mul3A_1018 = vector.broadcast %mul3A_1017 : i32 to vector<16xi32>
    %mul3A_1019 = arith.muli %min3A_1016, %mul3A_1018 : vector<16xi32>
    %add3A_1020 = vector.broadcast %select_n3A : i32 to vector<16xi32>
    %add3A_1021 = arith.addi %mul3A_1019, %add3A_1020 : vector<16xi32>
    %swap3A_1022 = arith.constant 0 : index
    %swap3A_1023 = tpu.vector_load %arg6[%swap3A_1022] {strides = array<i32>} : memref<64xi32, #tpu.memory_space<vmem>>, vector<16xi32>,
    %swap3A_1024 = vector.shape_cast %swap3A_1023 : vector<16xi32> to vector<16xi32>
    %swap3A_1025 = vector.shape_cast %add3A_1021 : vector<16xi32> to vector<16xi32>
    tpu.vector_store %arg6[%swap3A_1022], %swap3A_1025 {strides = array<i32>} : memref<64xi32, #tpu.memory_space<vmem>>, vector<16xi32>,
    %add3A_1026 = arith.constant 0 : i32
    %add3A_1027 = arith.addi %min3A_1000, %add3A_1026 : i32
    %iota3A_1028 = tpu.iota {dimensions = array<i32: 0>} : vector<16xi32>
    %add3A_1029 = vector.broadcast %add3A_1027 : i32 to vector<16xi32>
    %add3A_1030 = arith.addi %add3A_1029, %iota3A_1028 : vector<16xi32>
    %mul3A_1031 = arith.constant 16 : i32
    %mul3A_1032 = vector.broadcast %mul3A_1031 : i32 to vector<16xi32>
    %mul3A_1033 = arith.muli %add3A_1030, %mul3A_1032 : vector<16xi32>
    %add3A_1034 = vector.broadcast %select_n3A : i32 to vector<16xi32>
    %add3A_1035 = arith.addi %mul3A_1033, %add3A_1034 : vector<16xi32>
    %swap3A_1036 = arith.constant 0 : index
    %swap3A_1037 = tpu.vector_load %arg7[%swap3A_1036] {strides = array<i32>} : memref<64xi32, #tpu.memory_space<vmem>>, vector<16xi32>,
    %swap3A_1038 = vector.shape_cast %swap3A_1037 : vector<16xi32> to vector<16xi32>
    %swap3A_1039 = vector.shape_cast %add3A_1035 : vector<16xi32> to vector<16xi32>
    tpu.vector_store %arg7[%swap3A_1036], %swap3A_1039 {strides = array<i32>} : memref<64xi32, #tpu.memory_space<vmem>>, vector<16xi32>,
    %get3A_1040 = arith.constant 6 : i32
    %get3A_1041 = arith.constant 0 : i32
    %get3A_1042 = arith.index_cast %get3A_1040 : i32 to index
    %get3A_1043 = arith.index_cast %get3A_1041 : i32 to index
    %get3A_1044 = arith.constant 16 : index
    %get3A_1045 = tpu.vector_load %arg5[%get3A_1042, %get3A_1043, %get3A_1044] {strides = array<i32>} : memref<9x1x64xi32, #tpu.memory_space<vmem>>, vector<1x1x16xi32>,
    %get3A_1046 = vector.shape_cast %get3A_1045 : vector<1x1x16xi32> to vector<16xi32>
    %jit3A_1047 = arith.constant 0 : i32
    %jit3A_1048 = arith.constant 165 : i32
    %max3A_1049 = vector.broadcast %jit3A_1047 : i32 to vector<16xi32>
    %max3A_1050 = arith.maxsi %max3A_1049, %get3A_1046 : vector<16xi32>
    %min3A_1051 = vector.broadcast %jit3A_1048 : i32 to vector<16xi32>
    %min3A_1052 = arith.minsi %min3A_1051, %max3A_1050 : vector<16xi32>
    %mul3A_1053 = arith.constant 16 : i32
    %mul3A_1054 = vector.broadcast %mul3A_1053 : i32 to vector<16xi32>
    %mul3A_1055 = arith.muli %min3A_1052, %mul3A_1054 : vector<16xi32>
    %add3A_1056 = vector.broadcast %select_n3A : i32 to vector<16xi32>
    %add3A_1057 = arith.addi %mul3A_1055, %add3A_1056 : vector<16xi32>
    %swap3A_1058 = arith.constant 16 : index
    %swap3A_1059 = tpu.vector_load %arg6[%swap3A_1058] {strides = array<i32>} : memref<64xi32, #tpu.memory_space<vmem>>, vector<16xi32>,
    %swap3A_1060 = vector.shape_cast %swap3A_1059 : vector<16xi32> to vector<16xi32>
    %swap3A_1061 = vector.shape_cast %add3A_1057 : vector<16xi32> to vector<16xi32>
    tpu.vector_store %arg6[%swap3A_1058], %swap3A_1061 {strides = array<i32>} : memref<64xi32, #tpu.memory_space<vmem>>, vector<16xi32>,
    %add3A_1062 = arith.constant 16 : i32
    %add3A_1063 = arith.addi %min3A_1000, %add3A_1062 : i32
    %iota3A_1064 = tpu.iota {dimensions = array<i32: 0>} : vector<16xi32>
    %add3A_1065 = vector.broadcast %add3A_1063 : i32 to vector<16xi32>
    %add3A_1066 = arith.addi %add3A_1065, %iota3A_1064 : vector<16xi32>
    %mul3A_1067 = arith.constant 16 : i32
    %mul3A_1068 = vector.broadcast %mul3A_1067 : i32 to vector<16xi32>
    %mul3A_1069 = arith.muli %add3A_1066, %mul3A_1068 : vector<16xi32>
    %add3A_1070 = vector.broadcast %select_n3A : i32 to vector<16xi32>
    %add3A_1071 = arith.addi %mul3A_1069, %add3A_1070 : vector<16xi32>
    %swap3A_1072 = arith.constant 16 : index
    %swap3A_1073 = tpu.vector_load %arg7[%swap3A_1072] {strides = array<i32>} : memref<64xi32, #tpu.memory_space<vmem>>, vector<16xi32>,
    %swap3A_1074 = vector.shape_cast %swap3A_1073 : vector<16xi32> to vector<16xi32>
    %swap3A_1075 = vector.shape_cast %add3A_1071 : vector<16xi32> to vector<16xi32>
    tpu.vector_store %arg7[%swap3A_1072], %swap3A_1075 {strides = array<i32>} : memref<64xi32, #tpu.memory_space<vmem>>, vector<16xi32>,
    %get3A_1076 = arith.constant 6 : i32
    %get3A_1077 = arith.constant 0 : i32
    %get3A_1078 = arith.index_cast %get3A_1076 : i32 to index
    %get3A_1079 = arith.index_cast %get3A_1077 : i32 to index
    %get3A_1080 = arith.constant 32 : index
    %get3A_1081 = tpu.vector_load %arg5[%get3A_1078, %get3A_1079, %get3A_1080] {strides = array<i32>} : memref<9x1x64xi32, #tpu.memory_space<vmem>>, vector<1x1x16xi32>,
    %get3A_1082 = vector.shape_cast %get3A_1081 : vector<1x1x16xi32> to vector<16xi32>
    %jit3A_1083 = arith.constant 0 : i32
    %jit3A_1084 = arith.constant 165 : i32
    %max3A_1085 = vector.broadcast %jit3A_1083 : i32 to vector<16xi32>
    %max3A_1086 = arith.maxsi %max3A_1085, %get3A_1082 : vector<16xi32>
    %min3A_1087 = vector.broadcast %jit3A_1084 : i32 to vector<16xi32>
    %min3A_1088 = arith.minsi %min3A_1087, %max3A_1086 : vector<16xi32>
    %mul3A_1089 = arith.constant 16 : i32
    %mul3A_1090 = vector.broadcast %mul3A_1089 : i32 to vector<16xi32>
    %mul3A_1091 = arith.muli %min3A_1088, %mul3A_1090 : vector<16xi32>
    %add3A_1092 = vector.broadcast %select_n3A : i32 to vector<16xi32>
    %add3A_1093 = arith.addi %mul3A_1091, %add3A_1092 : vector<16xi32>
    %swap3A_1094 = arith.constant 32 : index
    %swap3A_1095 = tpu.vector_load %arg6[%swap3A_1094] {strides = array<i32>} : memref<64xi32, #tpu.memory_space<vmem>>, vector<16xi32>,
    %swap3A_1096 = vector.shape_cast %swap3A_1095 : vector<16xi32> to vector<16xi32>
    %swap3A_1097 = vector.shape_cast %add3A_1093 : vector<16xi32> to vector<16xi32>
    tpu.vector_store %arg6[%swap3A_1094], %swap3A_1097 {strides = array<i32>} : memref<64xi32, #tpu.memory_space<vmem>>, vector<16xi32>,
    %add3A_1098 = arith.constant 32 : i32
    %add3A_1099 = arith.addi %min3A_1000, %add3A_1098 : i32
    %iota3A_1100 = tpu.iota {dimensions = array<i32: 0>} : vector<16xi32>
    %add3A_1101 = vector.broadcast %add3A_1099 : i32 to vector<16xi32>
    %add3A_1102 = arith.addi %add3A_1101, %iota3A_1100 : vector<16xi32>
    %mul3A_1103 = arith.constant 16 : i32
    %mul3A_1104 = vector.broadcast %mul3A_1103 : i32 to vector<16xi32>
    %mul3A_1105 = arith.muli %add3A_1102, %mul3A_1104 : vector<16xi32>
    %add3A_1106 = vector.broadcast %select_n3A : i32 to vector<16xi32>
    %add3A_1107 = arith.addi %mul3A_1105, %add3A_1106 : vector<16xi32>
    %swap3A_1108 = arith.constant 32 : index
    %swap3A_1109 = tpu.vector_load %arg7[%swap3A_1108] {strides = array<i32>} : memref<64xi32, #tpu.memory_space<vmem>>, vector<16xi32>,
    %swap3A_1110 = vector.shape_cast %swap3A_1109 : vector<16xi32> to vector<16xi32>
    %swap3A_1111 = vector.shape_cast %add3A_1107 : vector<16xi32> to vector<16xi32>
    tpu.vector_store %arg7[%swap3A_1108], %swap3A_1111 {strides = array<i32>} : memref<64xi32, #tpu.memory_space<vmem>>, vector<16xi32>,
    %get3A_1112 = arith.constant 6 : i32
    %get3A_1113 = arith.constant 0 : i32
    %get3A_1114 = arith.index_cast %get3A_1112 : i32 to index
    %get3A_1115 = arith.index_cast %get3A_1113 : i32 to index
    %get3A_1116 = arith.constant 48 : index
    %get3A_1117 = tpu.vector_load %arg5[%get3A_1114, %get3A_1115, %get3A_1116] {strides = array<i32>} : memref<9x1x64xi32, #tpu.memory_space<vmem>>, vector<1x1x16xi32>,
    %get3A_1118 = vector.shape_cast %get3A_1117 : vector<1x1x16xi32> to vector<16xi32>
    %jit3A_1119 = arith.constant 0 : i32
    %jit3A_1120 = arith.constant 165 : i32
    %max3A_1121 = vector.broadcast %jit3A_1119 : i32 to vector<16xi32>
    %max3A_1122 = arith.maxsi %max3A_1121, %get3A_1118 : vector<16xi32>
    %min3A_1123 = vector.broadcast %jit3A_1120 : i32 to vector<16xi32>
    %min3A_1124 = arith.minsi %min3A_1123, %max3A_1122 : vector<16xi32>
    %mul3A_1125 = arith.constant 16 : i32
    %mul3A_1126 = vector.broadcast %mul3A_1125 : i32 to vector<16xi32>
    %mul3A_1127 = arith.muli %min3A_1124, %mul3A_1126 : vector<16xi32>
    %add3A_1128 = vector.broadcast %select_n3A : i32 to vector<16xi32>
    %add3A_1129 = arith.addi %mul3A_1127, %add3A_1128 : vector<16xi32>
    %swap3A_1130 = arith.constant 48 : index
    %swap3A_1131 = tpu.vector_load %arg6[%swap3A_1130] {strides = array<i32>} : memref<64xi32, #tpu.memory_space<vmem>>, vector<16xi32>,
    %swap3A_1132 = vector.shape_cast %swap3A_1131 : vector<16xi32> to vector<16xi32>
    %swap3A_1133 = vector.shape_cast %add3A_1129 : vector<16xi32> to vector<16xi32>
    tpu.vector_store %arg6[%swap3A_1130], %swap3A_1133 {strides = array<i32>} : memref<64xi32, #tpu.memory_space<vmem>>, vector<16xi32>,
    %add3A_1134 = arith.constant 48 : i32
    %add3A_1135 = arith.addi %min3A_1000, %add3A_1134 : i32
    %iota3A_1136 = tpu.iota {dimensions = array<i32: 0>} : vector<16xi32>
    %add3A_1137 = vector.broadcast %add3A_1135 : i32 to vector<16xi32>
    %add3A_1138 = arith.addi %add3A_1137, %iota3A_1136 : vector<16xi32>
    %mul3A_1139 = arith.constant 16 : i32
    %mul3A_1140 = vector.broadcast %mul3A_1139 : i32 to vector<16xi32>
    %mul3A_1141 = arith.muli %add3A_1138, %mul3A_1140 : vector<16xi32>
    %add3A_1142 = vector.broadcast %select_n3A : i32 to vector<16xi32>
    %add3A_1143 = arith.addi %mul3A_1141, %add3A_1142 : vector<16xi32>
    %swap3A_1144 = arith.constant 48 : index
    %swap3A_1145 = tpu.vector_load %arg7[%swap3A_1144] {strides = array<i32>} : memref<64xi32, #tpu.memory_space<vmem>>, vector<16xi32>,
    %swap3A_1146 = vector.shape_cast %swap3A_1145 : vector<16xi32> to vector<16xi32>
    %swap3A_1147 = vector.shape_cast %add3A_1143 : vector<16xi32> to vector<16xi32>
    tpu.vector_store %arg7[%swap3A_1144], %swap3A_1147 {strides = array<i32>} : memref<64xi32, #tpu.memory_space<vmem>>, vector<16xi32>,
    %dma_start3A_1148 = arith.constant 0 : i32
    %dma_start3A_1149 = arith.constant 0 : i32
    %dma_start3A_1150 = tpu.memref_slice %arg2[%dma_start3A_1148, %dma_start3A_1149] : memref<2688x768xf32, #tpu.memory_space<hbm>> -> memref<2688x768xf32, #tpu.memory_space<hbm>>
    tpu.enqueue_indirect_dma source(%dma_start3A_1150 : memref<2688x768xf32, #tpu.memory_space<hbm>>) target(%arg9 : memref<64x768xf32, #tpu.memory_space<vmem>>) offsets(%arg6 : memref<64xi32, #tpu.memory_space<vmem>>) semaphore(%arg11 : memref<!tpu.dma_semaphore, #tpu.memory_space<semaphore_mem>>)
    %dma_wait3A_1151 = arith.constant 0 : i32
    %dma_wait3A_1152 = arith.constant 0 : i32
    %dma_wait3A_1153 = tpu.memref_slice %arg2[%dma_wait3A_1151, %dma_wait3A_1152] : memref<2688x768xf32, #tpu.memory_space<hbm>> -> memref<2688x768xf32, #tpu.memory_space<hbm>>
    tpu.wait_indirect_dma semaphore(%arg11 : memref<!tpu.dma_semaphore, #tpu.memory_space<semaphore_mem>>) src(%dma_wait3A_1153 : memref<2688x768xf32, #tpu.memory_space<hbm>>) dst(%arg9 : memref<64x768xf32, #tpu.memory_space<vmem>>)
    %dma_start3A_1154 = arith.constant 0 : i32
    %dma_start3A_1155 = arith.constant 0 : i32
    %dma_start3A_1156 = tpu.memref_slice %arg4[%dma_start3A_1154, %dma_start3A_1155] : memref<18016x768xf32, #tpu.memory_space<hbm>> -> memref<18016x768xf32, #tpu.memory_space<hbm>>
    tpu.enqueue_indirect_dma source(%arg9 : memref<64x768xf32, #tpu.memory_space<vmem>>) target(%dma_start3A_1156 : memref<18016x768xf32, #tpu.memory_space<hbm>>) offsets(%arg7 : memref<64xi32, #tpu.memory_space<vmem>>) semaphore(%arg12 : memref<!tpu.dma_semaphore, #tpu.memory_space<semaphore_mem>>)
    %add3A_1157 = arith.constant 7 : i32
    %add3A_1158 = arith.addi %mul3A_32, %add3A_1157 : i32
    %mul3A_1159 = arith.constant 64 : i32
    %mul3A_1160 = arith.muli %add3A_1158, %mul3A_1159 : i32
    %min3A_1161 = arith.constant 1062 : i32
    %min3A_1162 = arith.minsi %mul3A_1160, %min3A_1161 : i32
    %dma_wait3A_1163 = arith.constant 0 : i32
    %dma_wait3A_1164 = arith.constant 0 : i32
    %dma_wait3A_1165 = tpu.memref_slice %arg4[%dma_wait3A_1163, %dma_wait3A_1164] : memref<18016x768xf32, #tpu.memory_space<hbm>> -> memref<18016x768xf32, #tpu.memory_space<hbm>>
    tpu.wait_indirect_dma semaphore(%arg13 : memref<!tpu.dma_semaphore, #tpu.memory_space<semaphore_mem>>) src(%arg10 : memref<64x768xf32, #tpu.memory_space<vmem>>) dst(%dma_wait3A_1165 : memref<18016x768xf32, #tpu.memory_space<hbm>>)
    %get3A_1166 = arith.constant 7 : i32
    %get3A_1167 = arith.constant 0 : i32
    %get3A_1168 = arith.index_cast %get3A_1166 : i32 to index
    %get3A_1169 = arith.index_cast %get3A_1167 : i32 to index
    %get3A_1170 = arith.constant 0 : index
    %get3A_1171 = tpu.vector_load %arg5[%get3A_1168, %get3A_1169, %get3A_1170] {strides = array<i32>} : memref<9x1x64xi32, #tpu.memory_space<vmem>>, vector<1x1x16xi32>,
    %get3A_1172 = vector.shape_cast %get3A_1171 : vector<1x1x16xi32> to vector<16xi32>
    %jit3A_1173 = arith.constant 0 : i32
    %jit3A_1174 = arith.constant 165 : i32
    %max3A_1175 = vector.broadcast %jit3A_1173 : i32 to vector<16xi32>
    %max3A_1176 = arith.maxsi %max3A_1175, %get3A_1172 : vector<16xi32>
    %min3A_1177 = vector.broadcast %jit3A_1174 : i32 to vector<16xi32>
    %min3A_1178 = arith.minsi %min3A_1177, %max3A_1176 : vector<16xi32>
    %mul3A_1179 = arith.constant 16 : i32
    %mul3A_1180 = vector.broadcast %mul3A_1179 : i32 to vector<16xi32>
    %mul3A_1181 = arith.muli %min3A_1178, %mul3A_1180 : vector<16xi32>
    %add3A_1182 = vector.broadcast %select_n3A : i32 to vector<16xi32>
    %add3A_1183 = arith.addi %mul3A_1181, %add3A_1182 : vector<16xi32>
    %swap3A_1184 = arith.constant 0 : index
    %swap3A_1185 = tpu.vector_load %arg6[%swap3A_1184] {strides = array<i32>} : memref<64xi32, #tpu.memory_space<vmem>>, vector<16xi32>,
    %swap3A_1186 = vector.shape_cast %swap3A_1185 : vector<16xi32> to vector<16xi32>
    %swap3A_1187 = vector.shape_cast %add3A_1183 : vector<16xi32> to vector<16xi32>
    tpu.vector_store %arg6[%swap3A_1184], %swap3A_1187 {strides = array<i32>} : memref<64xi32, #tpu.memory_space<vmem>>, vector<16xi32>,
    %add3A_1188 = arith.constant 0 : i32
    %add3A_1189 = arith.addi %min3A_1162, %add3A_1188 : i32
    %iota3A_1190 = tpu.iota {dimensions = array<i32: 0>} : vector<16xi32>
    %add3A_1191 = vector.broadcast %add3A_1189 : i32 to vector<16xi32>
    %add3A_1192 = arith.addi %add3A_1191, %iota3A_1190 : vector<16xi32>
    %mul3A_1193 = arith.constant 16 : i32
    %mul3A_1194 = vector.broadcast %mul3A_1193 : i32 to vector<16xi32>
    %mul3A_1195 = arith.muli %add3A_1192, %mul3A_1194 : vector<16xi32>
    %add3A_1196 = vector.broadcast %select_n3A : i32 to vector<16xi32>
    %add3A_1197 = arith.addi %mul3A_1195, %add3A_1196 : vector<16xi32>
    %swap3A_1198 = arith.constant 0 : index
    %swap3A_1199 = tpu.vector_load %arg8[%swap3A_1198] {strides = array<i32>} : memref<64xi32, #tpu.memory_space<vmem>>, vector<16xi32>,
    %swap3A_1200 = vector.shape_cast %swap3A_1199 : vector<16xi32> to vector<16xi32>
    %swap3A_1201 = vector.shape_cast %add3A_1197 : vector<16xi32> to vector<16xi32>
    tpu.vector_store %arg8[%swap3A_1198], %swap3A_1201 {strides = array<i32>} : memref<64xi32, #tpu.memory_space<vmem>>, vector<16xi32>,
    %get3A_1202 = arith.constant 7 : i32
    %get3A_1203 = arith.constant 0 : i32
    %get3A_1204 = arith.index_cast %get3A_1202 : i32 to index
    %get3A_1205 = arith.index_cast %get3A_1203 : i32 to index
    %get3A_1206 = arith.constant 16 : index
    %get3A_1207 = tpu.vector_load %arg5[%get3A_1204, %get3A_1205, %get3A_1206] {strides = array<i32>} : memref<9x1x64xi32, #tpu.memory_space<vmem>>, vector<1x1x16xi32>,
    %get3A_1208 = vector.shape_cast %get3A_1207 : vector<1x1x16xi32> to vector<16xi32>
    %jit3A_1209 = arith.constant 0 : i32
    %jit3A_1210 = arith.constant 165 : i32
    %max3A_1211 = vector.broadcast %jit3A_1209 : i32 to vector<16xi32>
    %max3A_1212 = arith.maxsi %max3A_1211, %get3A_1208 : vector<16xi32>
    %min3A_1213 = vector.broadcast %jit3A_1210 : i32 to vector<16xi32>
    %min3A_1214 = arith.minsi %min3A_1213, %max3A_1212 : vector<16xi32>
    %mul3A_1215 = arith.constant 16 : i32
    %mul3A_1216 = vector.broadcast %mul3A_1215 : i32 to vector<16xi32>
    %mul3A_1217 = arith.muli %min3A_1214, %mul3A_1216 : vector<16xi32>
    %add3A_1218 = vector.broadcast %select_n3A : i32 to vector<16xi32>
    %add3A_1219 = arith.addi %mul3A_1217, %add3A_1218 : vector<16xi32>
    %swap3A_1220 = arith.constant 16 : index
    %swap3A_1221 = tpu.vector_load %arg6[%swap3A_1220] {strides = array<i32>} : memref<64xi32, #tpu.memory_space<vmem>>, vector<16xi32>,
    %swap3A_1222 = vector.shape_cast %swap3A_1221 : vector<16xi32> to vector<16xi32>
    %swap3A_1223 = vector.shape_cast %add3A_1219 : vector<16xi32> to vector<16xi32>
    tpu.vector_store %arg6[%swap3A_1220], %swap3A_1223 {strides = array<i32>} : memref<64xi32, #tpu.memory_space<vmem>>, vector<16xi32>,
    %add3A_1224 = arith.constant 16 : i32
    %add3A_1225 = arith.addi %min3A_1162, %add3A_1224 : i32
    %iota3A_1226 = tpu.iota {dimensions = array<i32: 0>} : vector<16xi32>
    %add3A_1227 = vector.broadcast %add3A_1225 : i32 to vector<16xi32>
    %add3A_1228 = arith.addi %add3A_1227, %iota3A_1226 : vector<16xi32>
    %mul3A_1229 = arith.constant 16 : i32
    %mul3A_1230 = vector.broadcast %mul3A_1229 : i32 to vector<16xi32>
    %mul3A_1231 = arith.muli %add3A_1228, %mul3A_1230 : vector<16xi32>
    %add3A_1232 = vector.broadcast %select_n3A : i32 to vector<16xi32>
    %add3A_1233 = arith.addi %mul3A_1231, %add3A_1232 : vector<16xi32>
    %swap3A_1234 = arith.constant 16 : index
    %swap3A_1235 = tpu.vector_load %arg8[%swap3A_1234] {strides = array<i32>} : memref<64xi32, #tpu.memory_space<vmem>>, vector<16xi32>,
    %swap3A_1236 = vector.shape_cast %swap3A_1235 : vector<16xi32> to vector<16xi32>
    %swap3A_1237 = vector.shape_cast %add3A_1233 : vector<16xi32> to vector<16xi32>
    tpu.vector_store %arg8[%swap3A_1234], %swap3A_1237 {strides = array<i32>} : memref<64xi32, #tpu.memory_space<vmem>>, vector<16xi32>,
    %get3A_1238 = arith.constant 7 : i32
    %get3A_1239 = arith.constant 0 : i32
    %get3A_1240 = arith.index_cast %get3A_1238 : i32 to index
    %get3A_1241 = arith.index_cast %get3A_1239 : i32 to index
    %get3A_1242 = arith.constant 32 : index
    %get3A_1243 = tpu.vector_load %arg5[%get3A_1240, %get3A_1241, %get3A_1242] {strides = array<i32>} : memref<9x1x64xi32, #tpu.memory_space<vmem>>, vector<1x1x16xi32>,
    %get3A_1244 = vector.shape_cast %get3A_1243 : vector<1x1x16xi32> to vector<16xi32>
    %jit3A_1245 = arith.constant 0 : i32
    %jit3A_1246 = arith.constant 165 : i32
    %max3A_1247 = vector.broadcast %jit3A_1245 : i32 to vector<16xi32>
    %max3A_1248 = arith.maxsi %max3A_1247, %get3A_1244 : vector<16xi32>
    %min3A_1249 = vector.broadcast %jit3A_1246 : i32 to vector<16xi32>
    %min3A_1250 = arith.minsi %min3A_1249, %max3A_1248 : vector<16xi32>
    %mul3A_1251 = arith.constant 16 : i32
    %mul3A_1252 = vector.broadcast %mul3A_1251 : i32 to vector<16xi32>
    %mul3A_1253 = arith.muli %min3A_1250, %mul3A_1252 : vector<16xi32>
    %add3A_1254 = vector.broadcast %select_n3A : i32 to vector<16xi32>
    %add3A_1255 = arith.addi %mul3A_1253, %add3A_1254 : vector<16xi32>
    %swap3A_1256 = arith.constant 32 : index
    %swap3A_1257 = tpu.vector_load %arg6[%swap3A_1256] {strides = array<i32>} : memref<64xi32, #tpu.memory_space<vmem>>, vector<16xi32>,
    %swap3A_1258 = vector.shape_cast %swap3A_1257 : vector<16xi32> to vector<16xi32>
    %swap3A_1259 = vector.shape_cast %add3A_1255 : vector<16xi32> to vector<16xi32>
    tpu.vector_store %arg6[%swap3A_1256], %swap3A_1259 {strides = array<i32>} : memref<64xi32, #tpu.memory_space<vmem>>, vector<16xi32>,
    %add3A_1260 = arith.constant 32 : i32
    %add3A_1261 = arith.addi %min3A_1162, %add3A_1260 : i32
    %iota3A_1262 = tpu.iota {dimensions = array<i32: 0>} : vector<16xi32>
    %add3A_1263 = vector.broadcast %add3A_1261 : i32 to vector<16xi32>
    %add3A_1264 = arith.addi %add3A_1263, %iota3A_1262 : vector<16xi32>
    %mul3A_1265 = arith.constant 16 : i32
    %mul3A_1266 = vector.broadcast %mul3A_1265 : i32 to vector<16xi32>
    %mul3A_1267 = arith.muli %add3A_1264, %mul3A_1266 : vector<16xi32>
    %add3A_1268 = vector.broadcast %select_n3A : i32 to vector<16xi32>
    %add3A_1269 = arith.addi %mul3A_1267, %add3A_1268 : vector<16xi32>
    %swap3A_1270 = arith.constant 32 : index
    %swap3A_1271 = tpu.vector_load %arg8[%swap3A_1270] {strides = array<i32>} : memref<64xi32, #tpu.memory_space<vmem>>, vector<16xi32>,
    %swap3A_1272 = vector.shape_cast %swap3A_1271 : vector<16xi32> to vector<16xi32>
    %swap3A_1273 = vector.shape_cast %add3A_1269 : vector<16xi32> to vector<16xi32>
    tpu.vector_store %arg8[%swap3A_1270], %swap3A_1273 {strides = array<i32>} : memref<64xi32, #tpu.memory_space<vmem>>, vector<16xi32>,
    %get3A_1274 = arith.constant 7 : i32
    %get3A_1275 = arith.constant 0 : i32
    %get3A_1276 = arith.index_cast %get3A_1274 : i32 to index
    %get3A_1277 = arith.index_cast %get3A_1275 : i32 to index
    %get3A_1278 = arith.constant 48 : index
    %get3A_1279 = tpu.vector_load %arg5[%get3A_1276, %get3A_1277, %get3A_1278] {strides = array<i32>} : memref<9x1x64xi32, #tpu.memory_space<vmem>>, vector<1x1x16xi32>,
    %get3A_1280 = vector.shape_cast %get3A_1279 : vector<1x1x16xi32> to vector<16xi32>
    %jit3A_1281 = arith.constant 0 : i32
    %jit3A_1282 = arith.constant 165 : i32
    %max3A_1283 = vector.broadcast %jit3A_1281 : i32 to vector<16xi32>
    %max3A_1284 = arith.maxsi %max3A_1283, %get3A_1280 : vector<16xi32>
    %min3A_1285 = vector.broadcast %jit3A_1282 : i32 to vector<16xi32>
    %min3A_1286 = arith.minsi %min3A_1285, %max3A_1284 : vector<16xi32>
    %mul3A_1287 = arith.constant 16 : i32
    %mul3A_1288 = vector.broadcast %mul3A_1287 : i32 to vector<16xi32>
    %mul3A_1289 = arith.muli %min3A_1286, %mul3A_1288 : vector<16xi32>
    %add3A_1290 = vector.broadcast %select_n3A : i32 to vector<16xi32>
    %add3A_1291 = arith.addi %mul3A_1289, %add3A_1290 : vector<16xi32>
    %swap3A_1292 = arith.constant 48 : index
    %swap3A_1293 = tpu.vector_load %arg6[%swap3A_1292] {strides = array<i32>} : memref<64xi32, #tpu.memory_space<vmem>>, vector<16xi32>,
    %swap3A_1294 = vector.shape_cast %swap3A_1293 : vector<16xi32> to vector<16xi32>
    %swap3A_1295 = vector.shape_cast %add3A_1291 : vector<16xi32> to vector<16xi32>
    tpu.vector_store %arg6[%swap3A_1292], %swap3A_1295 {strides = array<i32>} : memref<64xi32, #tpu.memory_space<vmem>>, vector<16xi32>,
    %add3A_1296 = arith.constant 48 : i32
    %add3A_1297 = arith.addi %min3A_1162, %add3A_1296 : i32
    %iota3A_1298 = tpu.iota {dimensions = array<i32: 0>} : vector<16xi32>
    %add3A_1299 = vector.broadcast %add3A_1297 : i32 to vector<16xi32>
    %add3A_1300 = arith.addi %add3A_1299, %iota3A_1298 : vector<16xi32>
    %mul3A_1301 = arith.constant 16 : i32
    %mul3A_1302 = vector.broadcast %mul3A_1301 : i32 to vector<16xi32>
    %mul3A_1303 = arith.muli %add3A_1300, %mul3A_1302 : vector<16xi32>
    %add3A_1304 = vector.broadcast %select_n3A : i32 to vector<16xi32>
    %add3A_1305 = arith.addi %mul3A_1303, %add3A_1304 : vector<16xi32>
    %swap3A_1306 = arith.constant 48 : index
    %swap3A_1307 = tpu.vector_load %arg8[%swap3A_1306] {strides = array<i32>} : memref<64xi32, #tpu.memory_space<vmem>>, vector<16xi32>,
    %swap3A_1308 = vector.shape_cast %swap3A_1307 : vector<16xi32> to vector<16xi32>
    %swap3A_1309 = vector.shape_cast %add3A_1305 : vector<16xi32> to vector<16xi32>
    tpu.vector_store %arg8[%swap3A_1306], %swap3A_1309 {strides = array<i32>} : memref<64xi32, #tpu.memory_space<vmem>>, vector<16xi32>,
    %dma_start3A_1310 = arith.constant 0 : i32
    %dma_start3A_1311 = arith.constant 0 : i32
    %dma_start3A_1312 = tpu.memref_slice %arg2[%dma_start3A_1310, %dma_start3A_1311] : memref<2688x768xf32, #tpu.memory_space<hbm>> -> memref<2688x768xf32, #tpu.memory_space<hbm>>
    tpu.enqueue_indirect_dma source(%dma_start3A_1312 : memref<2688x768xf32, #tpu.memory_space<hbm>>) target(%arg10 : memref<64x768xf32, #tpu.memory_space<vmem>>) offsets(%arg6 : memref<64xi32, #tpu.memory_space<vmem>>) semaphore(%arg11 : memref<!tpu.dma_semaphore, #tpu.memory_space<semaphore_mem>>)
    %dma_wait3A_1313 = arith.constant 0 : i32
    %dma_wait3A_1314 = arith.constant 0 : i32
    %dma_wait3A_1315 = tpu.memref_slice %arg2[%dma_wait3A_1313, %dma_wait3A_1314] : memref<2688x768xf32, #tpu.memory_space<hbm>> -> memref<2688x768xf32, #tpu.memory_space<hbm>>
    tpu.wait_indirect_dma semaphore(%arg11 : memref<!tpu.dma_semaphore, #tpu.memory_space<semaphore_mem>>) src(%dma_wait3A_1315 : memref<2688x768xf32, #tpu.memory_space<hbm>>) dst(%arg10 : memref<64x768xf32, #tpu.memory_space<vmem>>)
    %dma_start3A_1316 = arith.constant 0 : i32
    %dma_start3A_1317 = arith.constant 0 : i32
    %dma_start3A_1318 = tpu.memref_slice %arg4[%dma_start3A_1316, %dma_start3A_1317] : memref<18016x768xf32, #tpu.memory_space<hbm>> -> memref<18016x768xf32, #tpu.memory_space<hbm>>
    tpu.enqueue_indirect_dma source(%arg10 : memref<64x768xf32, #tpu.memory_space<vmem>>) target(%dma_start3A_1318 : memref<18016x768xf32, #tpu.memory_space<hbm>>) offsets(%arg8 : memref<64xi32, #tpu.memory_space<vmem>>) semaphore(%arg13 : memref<!tpu.dma_semaphore, #tpu.memory_space<semaphore_mem>>)
    %add3A_1319 = arith.constant 8 : i32
    %add3A_1320 = arith.addi %mul3A_32, %add3A_1319 : i32
    %mul3A_1321 = arith.constant 64 : i32
    %mul3A_1322 = arith.muli %add3A_1320, %mul3A_1321 : i32
    %min3A_1323 = arith.constant 1062 : i32
    %min3A_1324 = arith.minsi %mul3A_1322, %min3A_1323 : i32
    %dma_wait3A_1325 = arith.constant 0 : i32
    %dma_wait3A_1326 = arith.constant 0 : i32
    %dma_wait3A_1327 = tpu.memref_slice %arg4[%dma_wait3A_1325, %dma_wait3A_1326] : memref<18016x768xf32, #tpu.memory_space<hbm>> -> memref<18016x768xf32, #tpu.memory_space<hbm>>
    tpu.wait_indirect_dma semaphore(%arg12 : memref<!tpu.dma_semaphore, #tpu.memory_space<semaphore_mem>>) src(%arg9 : memref<64x768xf32, #tpu.memory_space<vmem>>) dst(%dma_wait3A_1327 : memref<18016x768xf32, #tpu.memory_space<hbm>>)
    %get3A_1328 = arith.constant 8 : i32
    %get3A_1329 = arith.constant 0 : i32
    %get3A_1330 = arith.index_cast %get3A_1328 : i32 to index
    %get3A_1331 = arith.index_cast %get3A_1329 : i32 to index
    %get3A_1332 = arith.constant 0 : index
    %get3A_1333 = tpu.vector_load %arg5[%get3A_1330, %get3A_1331, %get3A_1332] {strides = array<i32>} : memref<9x1x64xi32, #tpu.memory_space<vmem>>, vector<1x1x16xi32>,
    %get3A_1334 = vector.shape_cast %get3A_1333 : vector<1x1x16xi32> to vector<16xi32>
    %jit3A_1335 = arith.constant 0 : i32
    %jit3A_1336 = arith.constant 165 : i32
    %max3A_1337 = vector.broadcast %jit3A_1335 : i32 to vector<16xi32>
    %max3A_1338 = arith.maxsi %max3A_1337, %get3A_1334 : vector<16xi32>
    %min3A_1339 = vector.broadcast %jit3A_1336 : i32 to vector<16xi32>
    %min3A_1340 = arith.minsi %min3A_1339, %max3A_1338 : vector<16xi32>
    %mul3A_1341 = arith.constant 16 : i32
    %mul3A_1342 = vector.broadcast %mul3A_1341 : i32 to vector<16xi32>
    %mul3A_1343 = arith.muli %min3A_1340, %mul3A_1342 : vector<16xi32>
    %add3A_1344 = vector.broadcast %select_n3A : i32 to vector<16xi32>
    %add3A_1345 = arith.addi %mul3A_1343, %add3A_1344 : vector<16xi32>
    %swap3A_1346 = arith.constant 0 : index
    %swap3A_1347 = tpu.vector_load %arg6[%swap3A_1346] {strides = array<i32>} : memref<64xi32, #tpu.memory_space<vmem>>, vector<16xi32>,
    %swap3A_1348 = vector.shape_cast %swap3A_1347 : vector<16xi32> to vector<16xi32>
    %swap3A_1349 = vector.shape_cast %add3A_1345 : vector<16xi32> to vector<16xi32>
    tpu.vector_store %arg6[%swap3A_1346], %swap3A_1349 {strides = array<i32>} : memref<64xi32, #tpu.memory_space<vmem>>, vector<16xi32>,
    %add3A_1350 = arith.constant 0 : i32
    %add3A_1351 = arith.addi %min3A_1324, %add3A_1350 : i32
    %iota3A_1352 = tpu.iota {dimensions = array<i32: 0>} : vector<16xi32>
    %add3A_1353 = vector.broadcast %add3A_1351 : i32 to vector<16xi32>
    %add3A_1354 = arith.addi %add3A_1353, %iota3A_1352 : vector<16xi32>
    %mul3A_1355 = arith.constant 16 : i32
    %mul3A_1356 = vector.broadcast %mul3A_1355 : i32 to vector<16xi32>
    %mul3A_1357 = arith.muli %add3A_1354, %mul3A_1356 : vector<16xi32>
    %add3A_1358 = vector.broadcast %select_n3A : i32 to vector<16xi32>
    %add3A_1359 = arith.addi %mul3A_1357, %add3A_1358 : vector<16xi32>
    %swap3A_1360 = arith.constant 0 : index
    %swap3A_1361 = tpu.vector_load %arg7[%swap3A_1360] {strides = array<i32>} : memref<64xi32, #tpu.memory_space<vmem>>, vector<16xi32>,
    %swap3A_1362 = vector.shape_cast %swap3A_1361 : vector<16xi32> to vector<16xi32>
    %swap3A_1363 = vector.shape_cast %add3A_1359 : vector<16xi32> to vector<16xi32>
    tpu.vector_store %arg7[%swap3A_1360], %swap3A_1363 {strides = array<i32>} : memref<64xi32, #tpu.memory_space<vmem>>, vector<16xi32>,
    %get3A_1364 = arith.constant 8 : i32
    %get3A_1365 = arith.constant 0 : i32
    %get3A_1366 = arith.index_cast %get3A_1364 : i32 to index
    %get3A_1367 = arith.index_cast %get3A_1365 : i32 to index
    %get3A_1368 = arith.constant 16 : index
    %get3A_1369 = tpu.vector_load %arg5[%get3A_1366, %get3A_1367, %get3A_1368] {strides = array<i32>} : memref<9x1x64xi32, #tpu.memory_space<vmem>>, vector<1x1x16xi32>,
    %get3A_1370 = vector.shape_cast %get3A_1369 : vector<1x1x16xi32> to vector<16xi32>
    %jit3A_1371 = arith.constant 0 : i32
    %jit3A_1372 = arith.constant 165 : i32
    %max3A_1373 = vector.broadcast %jit3A_1371 : i32 to vector<16xi32>
    %max3A_1374 = arith.maxsi %max3A_1373, %get3A_1370 : vector<16xi32>
    %min3A_1375 = vector.broadcast %jit3A_1372 : i32 to vector<16xi32>
    %min3A_1376 = arith.minsi %min3A_1375, %max3A_1374 : vector<16xi32>
    %mul3A_1377 = arith.constant 16 : i32
    %mul3A_1378 = vector.broadcast %mul3A_1377 : i32 to vector<16xi32>
    %mul3A_1379 = arith.muli %min3A_1376, %mul3A_1378 : vector<16xi32>
    %add3A_1380 = vector.broadcast %select_n3A : i32 to vector<16xi32>
    %add3A_1381 = arith.addi %mul3A_1379, %add3A_1380 : vector<16xi32>
    %swap3A_1382 = arith.constant 16 : index
    %swap3A_1383 = tpu.vector_load %arg6[%swap3A_1382] {strides = array<i32>} : memref<64xi32, #tpu.memory_space<vmem>>, vector<16xi32>,
    %swap3A_1384 = vector.shape_cast %swap3A_1383 : vector<16xi32> to vector<16xi32>
    %swap3A_1385 = vector.shape_cast %add3A_1381 : vector<16xi32> to vector<16xi32>
    tpu.vector_store %arg6[%swap3A_1382], %swap3A_1385 {strides = array<i32>} : memref<64xi32, #tpu.memory_space<vmem>>, vector<16xi32>,
    %add3A_1386 = arith.constant 16 : i32
    %add3A_1387 = arith.addi %min3A_1324, %add3A_1386 : i32
    %iota3A_1388 = tpu.iota {dimensions = array<i32: 0>} : vector<16xi32>
    %add3A_1389 = vector.broadcast %add3A_1387 : i32 to vector<16xi32>
    %add3A_1390 = arith.addi %add3A_1389, %iota3A_1388 : vector<16xi32>
    %mul3A_1391 = arith.constant 16 : i32
    %mul3A_1392 = vector.broadcast %mul3A_1391 : i32 to vector<16xi32>
    %mul3A_1393 = arith.muli %add3A_1390, %mul3A_1392 : vector<16xi32>
    %add3A_1394 = vector.broadcast %select_n3A : i32 to vector<16xi32>
    %add3A_1395 = arith.addi %mul3A_1393, %add3A_1394 : vector<16xi32>
    %swap3A_1396 = arith.constant 16 : index
    %swap3A_1397 = tpu.vector_load %arg7[%swap3A_1396] {strides = array<i32>} : memref<64xi32, #tpu.memory_space<vmem>>, vector<16xi32>,
    %swap3A_1398 = vector.shape_cast %swap3A_1397 : vector<16xi32> to vector<16xi32>
    %swap3A_1399 = vector.shape_cast %add3A_1395 : vector<16xi32> to vector<16xi32>
    tpu.vector_store %arg7[%swap3A_1396], %swap3A_1399 {strides = array<i32>} : memref<64xi32, #tpu.memory_space<vmem>>, vector<16xi32>,
    %get3A_1400 = arith.constant 8 : i32
    %get3A_1401 = arith.constant 0 : i32
    %get3A_1402 = arith.index_cast %get3A_1400 : i32 to index
    %get3A_1403 = arith.index_cast %get3A_1401 : i32 to index
    %get3A_1404 = arith.constant 32 : index
    %get3A_1405 = tpu.vector_load %arg5[%get3A_1402, %get3A_1403, %get3A_1404] {strides = array<i32>} : memref<9x1x64xi32, #tpu.memory_space<vmem>>, vector<1x1x16xi32>,
    %get3A_1406 = vector.shape_cast %get3A_1405 : vector<1x1x16xi32> to vector<16xi32>
    %jit3A_1407 = arith.constant 0 : i32
    %jit3A_1408 = arith.constant 165 : i32
    %max3A_1409 = vector.broadcast %jit3A_1407 : i32 to vector<16xi32>
    %max3A_1410 = arith.maxsi %max3A_1409, %get3A_1406 : vector<16xi32>
    %min3A_1411 = vector.broadcast %jit3A_1408 : i32 to vector<16xi32>
    %min3A_1412 = arith.minsi %min3A_1411, %max3A_1410 : vector<16xi32>
    %mul3A_1413 = arith.constant 16 : i32
    %mul3A_1414 = vector.broadcast %mul3A_1413 : i32 to vector<16xi32>
    %mul3A_1415 = arith.muli %min3A_1412, %mul3A_1414 : vector<16xi32>
    %add3A_1416 = vector.broadcast %select_n3A : i32 to vector<16xi32>
    %add3A_1417 = arith.addi %mul3A_1415, %add3A_1416 : vector<16xi32>
    %swap3A_1418 = arith.constant 32 : index
    %swap3A_1419 = tpu.vector_load %arg6[%swap3A_1418] {strides = array<i32>} : memref<64xi32, #tpu.memory_space<vmem>>, vector<16xi32>,
    %swap3A_1420 = vector.shape_cast %swap3A_1419 : vector<16xi32> to vector<16xi32>
    %swap3A_1421 = vector.shape_cast %add3A_1417 : vector<16xi32> to vector<16xi32>
    tpu.vector_store %arg6[%swap3A_1418], %swap3A_1421 {strides = array<i32>} : memref<64xi32, #tpu.memory_space<vmem>>, vector<16xi32>,
    %add3A_1422 = arith.constant 32 : i32
    %add3A_1423 = arith.addi %min3A_1324, %add3A_1422 : i32
    %iota3A_1424 = tpu.iota {dimensions = array<i32: 0>} : vector<16xi32>
    %add3A_1425 = vector.broadcast %add3A_1423 : i32 to vector<16xi32>
    %add3A_1426 = arith.addi %add3A_1425, %iota3A_1424 : vector<16xi32>
    %mul3A_1427 = arith.constant 16 : i32
    %mul3A_1428 = vector.broadcast %mul3A_1427 : i32 to vector<16xi32>
    %mul3A_1429 = arith.muli %add3A_1426, %mul3A_1428 : vector<16xi32>
    %add3A_1430 = vector.broadcast %select_n3A : i32 to vector<16xi32>
    %add3A_1431 = arith.addi %mul3A_1429, %add3A_1430 : vector<16xi32>
    %swap3A_1432 = arith.constant 32 : index
    %swap3A_1433 = tpu.vector_load %arg7[%swap3A_1432] {strides = array<i32>} : memref<64xi32, #tpu.memory_space<vmem>>, vector<16xi32>,
    %swap3A_1434 = vector.shape_cast %swap3A_1433 : vector<16xi32> to vector<16xi32>
    %swap3A_1435 = vector.shape_cast %add3A_1431 : vector<16xi32> to vector<16xi32>
    tpu.vector_store %arg7[%swap3A_1432], %swap3A_1435 {strides = array<i32>} : memref<64xi32, #tpu.memory_space<vmem>>, vector<16xi32>,
    %get3A_1436 = arith.constant 8 : i32
    %get3A_1437 = arith.constant 0 : i32
    %get3A_1438 = arith.index_cast %get3A_1436 : i32 to index
    %get3A_1439 = arith.index_cast %get3A_1437 : i32 to index
    %get3A_1440 = arith.constant 48 : index
    %get3A_1441 = tpu.vector_load %arg5[%get3A_1438, %get3A_1439, %get3A_1440] {strides = array<i32>} : memref<9x1x64xi32, #tpu.memory_space<vmem>>, vector<1x1x16xi32>,
    %get3A_1442 = vector.shape_cast %get3A_1441 : vector<1x1x16xi32> to vector<16xi32>
    %jit3A_1443 = arith.constant 0 : i32
    %jit3A_1444 = arith.constant 165 : i32
    %max3A_1445 = vector.broadcast %jit3A_1443 : i32 to vector<16xi32>
    %max3A_1446 = arith.maxsi %max3A_1445, %get3A_1442 : vector<16xi32>
    %min3A_1447 = vector.broadcast %jit3A_1444 : i32 to vector<16xi32>
    %min3A_1448 = arith.minsi %min3A_1447, %max3A_1446 : vector<16xi32>
    %mul3A_1449 = arith.constant 16 : i32
    %mul3A_1450 = vector.broadcast %mul3A_1449 : i32 to vector<16xi32>
    %mul3A_1451 = arith.muli %min3A_1448, %mul3A_1450 : vector<16xi32>
    %add3A_1452 = vector.broadcast %select_n3A : i32 to vector<16xi32>
    %add3A_1453 = arith.addi %mul3A_1451, %add3A_1452 : vector<16xi32>
    %swap3A_1454 = arith.constant 48 : index
    %swap3A_1455 = tpu.vector_load %arg6[%swap3A_1454] {strides = array<i32>} : memref<64xi32, #tpu.memory_space<vmem>>, vector<16xi32>,
    %swap3A_1456 = vector.shape_cast %swap3A_1455 : vector<16xi32> to vector<16xi32>
    %swap3A_1457 = vector.shape_cast %add3A_1453 : vector<16xi32> to vector<16xi32>
    tpu.vector_store %arg6[%swap3A_1454], %swap3A_1457 {strides = array<i32>} : memref<64xi32, #tpu.memory_space<vmem>>, vector<16xi32>,
    %add3A_1458 = arith.constant 48 : i32
    %add3A_1459 = arith.addi %min3A_1324, %add3A_1458 : i32
    %iota3A_1460 = tpu.iota {dimensions = array<i32: 0>} : vector<16xi32>
    %add3A_1461 = vector.broadcast %add3A_1459 : i32 to vector<16xi32>
    %add3A_1462 = arith.addi %add3A_1461, %iota3A_1460 : vector<16xi32>
    %mul3A_1463 = arith.constant 16 : i32
    %mul3A_1464 = vector.broadcast %mul3A_1463 : i32 to vector<16xi32>
    %mul3A_1465 = arith.muli %add3A_1462, %mul3A_1464 : vector<16xi32>
    %add3A_1466 = vector.broadcast %select_n3A : i32 to vector<16xi32>
    %add3A_1467 = arith.addi %mul3A_1465, %add3A_1466 : vector<16xi32>
    %swap3A_1468 = arith.constant 48 : index
    %swap3A_1469 = tpu.vector_load %arg7[%swap3A_1468] {strides = array<i32>} : memref<64xi32, #tpu.memory_space<vmem>>, vector<16xi32>,
    %swap3A_1470 = vector.shape_cast %swap3A_1469 : vector<16xi32> to vector<16xi32>
    %swap3A_1471 = vector.shape_cast %add3A_1467 : vector<16xi32> to vector<16xi32>
    tpu.vector_store %arg7[%swap3A_1468], %swap3A_1471 {strides = array<i32>} : memref<64xi32, #tpu.memory_space<vmem>>, vector<16xi32>,
    %dma_start3A_1472 = arith.constant 0 : i32
    %dma_start3A_1473 = arith.constant 0 : i32
    %dma_start3A_1474 = tpu.memref_slice %arg2[%dma_start3A_1472, %dma_start3A_1473] : memref<2688x768xf32, #tpu.memory_space<hbm>> -> memref<2688x768xf32, #tpu.memory_space<hbm>>
    tpu.enqueue_indirect_dma source(%dma_start3A_1474 : memref<2688x768xf32, #tpu.memory_space<hbm>>) target(%arg9 : memref<64x768xf32, #tpu.memory_space<vmem>>) offsets(%arg6 : memref<64xi32, #tpu.memory_space<vmem>>) semaphore(%arg11 : memref<!tpu.dma_semaphore, #tpu.memory_space<semaphore_mem>>)
    %dma_wait3A_1475 = arith.constant 0 : i32
    %dma_wait3A_1476 = arith.constant 0 : i32
    %dma_wait3A_1477 = tpu.memref_slice %arg2[%dma_wait3A_1475, %dma_wait3A_1476] : memref<2688x768xf32, #tpu.memory_space<hbm>> -> memref<2688x768xf32, #tpu.memory_space<hbm>>
    tpu.wait_indirect_dma semaphore(%arg11 : memref<!tpu.dma_semaphore, #tpu.memory_space<semaphore_mem>>) src(%dma_wait3A_1477 : memref<2688x768xf32, #tpu.memory_space<hbm>>) dst(%arg9 : memref<64x768xf32, #tpu.memory_space<vmem>>)
    %dma_start3A_1478 = arith.constant 0 : i32
    %dma_start3A_1479 = arith.constant 0 : i32
    %dma_start3A_1480 = tpu.memref_slice %arg4[%dma_start3A_1478, %dma_start3A_1479] : memref<18016x768xf32, #tpu.memory_space<hbm>> -> memref<18016x768xf32, #tpu.memory_space<hbm>>
    tpu.enqueue_indirect_dma source(%arg9 : memref<64x768xf32, #tpu.memory_space<vmem>>) target(%dma_start3A_1480 : memref<18016x768xf32, #tpu.memory_space<hbm>>) offsets(%arg7 : memref<64xi32, #tpu.memory_space<vmem>>) semaphore(%arg12 : memref<!tpu.dma_semaphore, #tpu.memory_space<semaphore_mem>>)
    %dma_wait3A_1481 = arith.constant 0 : i32
    %dma_wait3A_1482 = arith.constant 0 : i32
    %dma_wait3A_1483 = tpu.memref_slice %arg4[%dma_wait3A_1481, %dma_wait3A_1482] : memref<18016x768xf32, #tpu.memory_space<hbm>> -> memref<18016x768xf32, #tpu.memory_space<hbm>>
    tpu.wait_indirect_dma semaphore(%arg13 : memref<!tpu.dma_semaphore, #tpu.memory_space<semaphore_mem>>) src(%arg10 : memref<64x768xf32, #tpu.memory_space<vmem>>) dst(%dma_wait3A_1483 : memref<18016x768xf32, #tpu.memory_space<hbm>>)
    %dma_wait3A_1484 = arith.constant 0 : i32
    %dma_wait3A_1485 = arith.constant 0 : i32
    %dma_wait3A_1486 = tpu.memref_slice %arg4[%dma_wait3A_1484, %dma_wait3A_1485] : memref<18016x768xf32, #tpu.memory_space<hbm>> -> memref<18016x768xf32, #tpu.memory_space<hbm>>
    tpu.wait_indirect_dma semaphore(%arg12 : memref<!tpu.dma_semaphore, #tpu.memory_space<semaphore_mem>>) src(%arg9 : memref<64x768xf32, #tpu.memory_space<vmem>>) dst(%dma_wait3A_1486 : memref<18016x768xf32, #tpu.memory_space<hbm>>)
    return
  }
}

module attributes {stable_mosaic.version = 14 : i64} {
  func.func @_comb_kernel(%arg0: i32, %arg1: memref<166x8x768xf32, #tpu.memory_space<vmem>>, %arg2: memref<5x1x768xf32, #tpu.memory_space<vmem>>, %arg3: memref<168x8x768xf32, #tpu.memory_space<vmem>>) attributes {dimension_semantics = [#tpu.dimension_semantics<arbitrary>], iteration_bounds = array<i64: 2>, scalar_prefetch = 0 : i64, scratch_operands = 0 : i64, tpu.core_type = #tpu.core_type<tc>, window_params = [{transform_indices = @transform_0, window_bounds = array<i64: 166, 8, 768>}, {pipeline_mode = #tpu.pipeline_mode<synchronous>, transform_indices = @transform_1, window_bounds = array<i64: 5, 1, 768>}, {transform_indices = @transform_2, window_bounds = array<i64: 168, 8, 768>}]} {
    %get3A = arith.constant 0 : index
    %get3A_0 = arith.constant 0 : index
    %get3A_1 = arith.constant 0 : index
    %get3A_2 = vector.load %arg1[%get3A, %get3A_0, %get3A_1] : memref<166x8x768xf32, #tpu.memory_space<vmem>>, vector<166x8x768xf32>
    %get3A_3 = arith.constant 0 : index
    %get3A_4 = arith.constant 0 : index
    %get3A_5 = arith.constant 0 : index
    %get3A_6 = vector.load %arg2[%get3A_3, %get3A_4, %get3A_5] : memref<5x1x768xf32, #tpu.memory_space<vmem>>, vector<5x1x768xf32>
    %slice3A = vector.extract_strided_slice %get3A_2 {offsets = [0, 0, 0], sizes = [1, 8, 768], strides = [1, 1, 1]} : vector<166x8x768xf32> to vector<1x8x768xf32>
    %slice3A_7 = vector.extract_strided_slice %get3A_2 {offsets = [0, 0, 0], sizes = [1, 8, 768], strides = [1, 1, 1]} : vector<166x8x768xf32> to vector<1x8x768xf32>
    %slice3A_8 = vector.extract_strided_slice %get3A_2 {offsets = [0, 0, 0], sizes = [164, 8, 768], strides = [1, 1, 1]} : vector<166x8x768xf32> to vector<164x8x768xf32>
    %concatenate3A = tpu.concatenate %slice3A, %slice3A_7, %slice3A_8 in 0 : vector<1x8x768xf32>, vector<1x8x768xf32>, vector<164x8x768xf32> -> vector<166x8x768xf32>
    %slice3A_9 = vector.extract_strided_slice %get3A_2 {offsets = [0, 0, 0], sizes = [1, 8, 768], strides = [1, 1, 1]} : vector<166x8x768xf32> to vector<1x8x768xf32>
    %slice3A_10 = vector.extract_strided_slice %get3A_2 {offsets = [0, 0, 0], sizes = [165, 8, 768], strides = [1, 1, 1]} : vector<166x8x768xf32> to vector<165x8x768xf32>
    %concatenate3A_11 = tpu.concatenate %slice3A_9, %slice3A_10 in 0 : vector<1x8x768xf32>, vector<165x8x768xf32> -> vector<166x8x768xf32>
    %slice3A_12 = vector.extract_strided_slice %get3A_2 {offsets = [1, 0, 0], sizes = [165, 8, 768], strides = [1, 1, 1]} : vector<166x8x768xf32> to vector<165x8x768xf32>
    %slice3A_13 = vector.extract_strided_slice %get3A_2 {offsets = [165, 0, 0], sizes = [1, 8, 768], strides = [1, 1, 1]} : vector<166x8x768xf32> to vector<1x8x768xf32>
    %concatenate3A_14 = tpu.concatenate %slice3A_12, %slice3A_13 in 0 : vector<165x8x768xf32>, vector<1x8x768xf32> -> vector<166x8x768xf32>
    %slice3A_15 = vector.extract_strided_slice %get3A_2 {offsets = [2, 0, 0], sizes = [164, 8, 768], strides = [1, 1, 1]} : vector<166x8x768xf32> to vector<164x8x768xf32>
    %slice3A_16 = vector.extract_strided_slice %get3A_2 {offsets = [165, 0, 0], sizes = [1, 8, 768], strides = [1, 1, 1]} : vector<166x8x768xf32> to vector<1x8x768xf32>
    %slice3A_17 = vector.extract_strided_slice %get3A_2 {offsets = [165, 0, 0], sizes = [1, 8, 768], strides = [1, 1, 1]} : vector<166x8x768xf32> to vector<1x8x768xf32>
    %concatenate3A_18 = tpu.concatenate %slice3A_15, %slice3A_16, %slice3A_17 in 0 : vector<164x8x768xf32>, vector<1x8x768xf32>, vector<1x8x768xf32> -> vector<166x8x768xf32>
    %slice3A_19 = vector.extract_strided_slice %get3A_6 {offsets = [0, 0, 0], sizes = [1, 1, 768], strides = [1, 1, 1]} : vector<5x1x768xf32> to vector<1x1x768xf32>
    %mul3A = vector.broadcast %slice3A_19 : vector<1x1x768xf32> to vector<166x8x768xf32>
    %mul3A_20 = arith.mulf %concatenate3A, %mul3A : vector<166x8x768xf32>
    %slice3A_21 = vector.extract_strided_slice %get3A_6 {offsets = [1, 0, 0], sizes = [1, 1, 768], strides = [1, 1, 1]} : vector<5x1x768xf32> to vector<1x1x768xf32>
    %mul3A_22 = vector.broadcast %slice3A_21 : vector<1x1x768xf32> to vector<166x8x768xf32>
    %mul3A_23 = arith.mulf %concatenate3A_11, %mul3A_22 : vector<166x8x768xf32>
    %add3A = arith.addf %mul3A_20, %mul3A_23 : vector<166x8x768xf32>
    %slice3A_24 = vector.extract_strided_slice %get3A_6 {offsets = [2, 0, 0], sizes = [1, 1, 768], strides = [1, 1, 1]} : vector<5x1x768xf32> to vector<1x1x768xf32>
    %mul3A_25 = vector.broadcast %slice3A_24 : vector<1x1x768xf32> to vector<166x8x768xf32>
    %mul3A_26 = arith.mulf %get3A_2, %mul3A_25 : vector<166x8x768xf32>
    %add3A_27 = arith.addf %add3A, %mul3A_26 : vector<166x8x768xf32>
    %slice3A_28 = vector.extract_strided_slice %get3A_6 {offsets = [3, 0, 0], sizes = [1, 1, 768], strides = [1, 1, 1]} : vector<5x1x768xf32> to vector<1x1x768xf32>
    %mul3A_29 = vector.broadcast %slice3A_28 : vector<1x1x768xf32> to vector<166x8x768xf32>
    %mul3A_30 = arith.mulf %concatenate3A_14, %mul3A_29 : vector<166x8x768xf32>
    %add3A_31 = arith.addf %add3A_27, %mul3A_30 : vector<166x8x768xf32>
    %slice3A_32 = vector.extract_strided_slice %get3A_6 {offsets = [4, 0, 0], sizes = [1, 1, 768], strides = [1, 1, 1]} : vector<5x1x768xf32> to vector<1x1x768xf32>
    %mul3A_33 = vector.broadcast %slice3A_32 : vector<1x1x768xf32> to vector<166x8x768xf32>
    %mul3A_34 = arith.mulf %concatenate3A_18, %mul3A_33 : vector<166x8x768xf32>
    %add3A_35 = arith.addf %add3A_31, %mul3A_34 : vector<166x8x768xf32>
    %slice3A_36 = vector.extract_strided_slice %add3A_35 {offsets = [164, 0, 0], sizes = [2, 8, 768], strides = [1, 1, 1]} : vector<166x8x768xf32> to vector<2x8x768xf32>
    %concatenate3A_37 = tpu.concatenate %add3A_35, %slice3A_36 in 0 : vector<166x8x768xf32>, vector<2x8x768xf32> -> vector<168x8x768xf32>
    %swap3A = arith.constant 0 : index
    %swap3A_38 = arith.constant 0 : index
    %swap3A_39 = arith.constant 0 : index
    %swap3A_40 = vector.load %arg3[%swap3A, %swap3A_38, %swap3A_39] : memref<168x8x768xf32, #tpu.memory_space<vmem>>, vector<168x8x768xf32>
    tpu.vector_store %arg3[%swap3A, %swap3A_38, %swap3A_39], %concatenate3A_37 {strides = array<i32>} : memref<168x8x768xf32, #tpu.memory_space<vmem>>, vector<168x8x768xf32>,
    return
  }
  func.func @transform_0(%arg0: i32) -> (i32, i32, i32) {
    %c0_i32 = arith.constant 0 : i32
    %c0_i32_0 = arith.constant 0 : i32
    %c0_i32_1 = arith.constant 0 : i32
    return %c0_i32, %arg0, %c0_i32_0 : i32, i32, i32
  }
  func.func @transform_1(%arg0: i32) -> (i32, i32, i32) {
    %c0_i32 = arith.constant 0 : i32
    %c0_i32_0 = arith.constant 0 : i32
    %c0_i32_1 = arith.constant 0 : i32
    %c0_i32_2 = arith.constant 0 : i32
    return %c0_i32, %c0_i32_0, %c0_i32_1 : i32, i32, i32
  }
  func.func @transform_2(%arg0: i32) -> (i32, i32, i32) {
    %c0_i32 = arith.constant 0 : i32
    %c0_i32_0 = arith.constant 0 : i32
    %c0_i32_1 = arith.constant 0 : i32
    return %c0_i32, %arg0, %c0_i32_0 : i32, i32, i32
  }
}

</mosaic_0001>

<sc_bundles>
// kernel: kernel.4.cloned.1.call-start
scs
__scs_entry_jumppad:
0x0: {  	(pc) =	sbr.rel $0x88, $3  }
0x1: {  	(tag) =	ssettag $0x0;
	lr =	simm.s32 $0x1  }
0x2: {  	[smem:$0x3F9D] =	sst lr;
	_ =	strace $0xD0000000  }
0x3: {  	_ = 	snop  }
0x4: {  	_ = 	snop  }
0x5: {  	_ = 	snop  }
0x6: {  	_ = 	snop  }
0x7: {  	_ = 	snop  }
__scs_overlays_trampoline_lowered:
0x8: {  	[smem:$0x3FAC] =	sst s0  }
0x9: {  	[smem:$0x3FAD] =	sst s1  }
0xa: {  	[smem:$0x3FAE] =	sst s2  }
0xb: {  	[smem:$0x3FAF] =	sst s3  }
0xc: {  	[smem:$0x3FB0] =	sst s4  }
0xd: {  	[smem:$0x3FB1] =	sst s5  }
0xe: {  	[smem:$0x3FB2] =	sst s6  }
0xf: {  	[smem:$0x3FB3] =	sst s7  }
0x10: {  	[smem:$0x3FB4] =	sst s8  }
0x11: {  	[smem:$0x3FB5] =	sst s9;
	s0 =	simm.s32 @!p0 $0x0  }
0x12: {  	s1 =	sld [smem:$0x3F9B];
	s0 =	simm.s32 @p0 $0x1  }
0x13: {  	[smem:$0x3FB6] =	sst s0;
	s0 =	simm.s32 @!p1 $0x0  }
0x14: {  	s2 =	sld [smem:$0x3F9A];
	s0 =	simm.s32 @p1 $0x1  }
0x15: {  	[smem:$0x3FB7] =	sst s0;
	s0 =	simm.s32 @!p2 $0x0  }
0x16: {  	s3 =	sld [smem:$0x3FDB];
	s0 =	simm.s32 @p2 $0x1  }
0x17: {  	s4 =	simm.s32 $0x1BF5;
	[smem:$0x3FB9] =	sst s0  }
0x18: {  	s0 =	sld [smem:$0x3F9C];
	_ =	swait.ge [sflag:s4], $0x0  }
0x19: {  	s7 =	sld [smem:$0x3F9D]  }
0x1a: {  	s8 =	sadd.s32 $0xFFFFE003, lr  }
0x1b: {  	s9 =	sadd.s32 $0xFFFFFEF7, lr;
	s5 =	simm.s32 $0xFFFFFFFF;
	p2 =	slt.u32 s8, $0xFFFFF086  }
0x1c: {  	p1 =	slt.u32 s9, $0xF7A;
	s5 =	simm.s32 @!p2 $0x0  }
0x1d: {  	s5 =	simm.s32 @p1 $0x1;
	p0 =	seq.s32 s7, s2  }
0x1e: {  	s7 =	smul.u32 @!p0 $0xF7A, s2;
	p2 =	seq.s32 @!p0 s5, $0x0  }
0x1f: {  	s9 =	smul.u32 $0xF7A, s1;
	s8 =	simm.s32 @!p0 $0x1BF5;
	p2 =	por !p2, p0  }
0x20: {  	[sflag:s8] =	ssyncset.s32 @!p0 $0xFFFFF086;
	s6 =	sadd.s32 @!p0 s3, s7;
	s7 =	simm.s32 @!p0 $0x108  }
0x21: {  	s3 =	sadd.s32 s3, s9;
	s6 =	sadd.s32 @!p0 $0x88, s6;
	s7 =	simm.s32 @p2 $0x1082  }
0x22: {  	[simem:s7], [sflag:s8] =	dma.local @!p0 [hbm:s6], $0xF7A  }
0x23: {  	s9 =	sor.u32 $0xD0000000, s2;
	s6 =	simm.s32 $0x108;
	_ =	swait.ge @!p0 [sflag:s8], $0x0  }
0x24: {  	s3 =	sadd.s32 $0x88, s3;
	s6 =	simm.s32 @!p1 $0x1082;
	[sflag:s4] =	ssyncset.s32 $0xFFFFF086  }
0x25: {  	[simem:s6], [sflag:s4] =	dma.local [hbm:s3], $0xF7A  }
0x26: {  	[smem:$0x3F9D] =	sst s1;
	(tag) =	ssettag s2;
	_ =	strace s9  }
0x27: {  	s1 =	sld [smem:$0x3FAD]  }
0x28: {  	s2 =	sld [smem:$0x3FAE]  }
0x29: {  	s4 =	sld [smem:$0x3FB0]  }
0x2a: {  	p0 =	seq.s32 s5, $0x0;
	s5 =	sld [smem:$0x3FB1]  }
0x2b: {  	s6 =	sld [smem:$0x3FB2]  }
0x2c: {  	s7 =	sld [smem:$0x3FB3]  }
0x2d: {  	s3 =	simm.s32 $0x108;
	s8 =	sld [smem:$0x3FB4]  }
0x2e: {  	s3 =	simm.s32 @!p0 $0x1082;
	s9 =	sld [smem:$0x3FB5]  }
0x2f: {  	lr =	sadd.s32 s0, s3;
	s0 =	sld [smem:$0x3FAC]  }
0x30: {  	s3 =	sld [smem:$0x3FAF]  }
0x31: {  	[smem:$0x3FB8] =	sst s10  }
0x32: {  	s10 =	sld [smem:$0x3FB6];
	_ =	sdelay $0x3  }
0x33: {  	p0 =	seq.s32 s10, $0x1;
	s10 =	sld [smem:$0x3FB8];
	_ =	sdelay $0x3  }
0x34: {  	[smem:$0x3FB8] =	sst s10  }
0x35: {  	s10 =	sld [smem:$0x3FB7];
	_ =	sdelay $0x3  }
0x36: {  	p1 =	seq.s32 s10, $0x1;
	s10 =	sld [smem:$0x3FB8];
	_ =	sdelay $0x3  }
0x37: {  	[smem:$0x3FB8] =	sst s10  }
0x38: {  	s10 =	sld [smem:$0x3FB9]  }
0x39: {  	_ = 	snop;
	(pc) =	sbr.ind lr, $3  }
0x3a: {  	_ = 	snop  }
0x3b: {  	_ = 	snop  }
0x3c: {  	p2 =	seq.s32 s10, $0x1;
	s10 =	sld [smem:$0x3FB8]  }
0x3d: {  	_ =	shalt  }
0x3e: {  	_ =	shalt  }
0x3f: {  	_ =	shalt  }
0x40: {  	_ =	shalt  }
0x41: {  	_ =	shalt  }
0x42: {  	_ =	shalt  }
0x43: {  	_ =	shalt  }
0x44: {  	_ =	shalt  }
0x45: {  	_ =	shalt  }
0x46: {  	_ =	shalt  }
0x47: {  	_ =	shalt  }
0x48: {  	_ =	shalt  }
0x49: {  	_ =	shalt  }
0x4a: {  	_ =	shalt  }
0x4b: {  	_ =	shalt  }
0x4c: {  	_ =	shalt  }
0x4d: {  	_ =	shalt  }
0x4e: {  	_ =	shalt  }
0x4f: {  	_ =	shalt  }
0x50: {  	_ =	shalt  }
0x51: {  	_ =	shalt  }
0x52: {  	_ =	shalt  }
0x53: {  	_ =	shalt  }
0x54: {  	_ =	shalt  }
0x55: {  	_ =	shalt  }
0x56: {  	_ =	shalt  }
0x57: {  	_ =	shalt  }
0x58: {  	_ =	shalt  }
0x59: {  	_ =	shalt  }
0x5a: {  	_ =	shalt  }
0x5b: {  	_ =	shalt  }
0x5c: {  	_ =	shalt  }
0x5d: {  	_ =	shalt  }
0x5e: {  	_ =	shalt  }
0x5f: {  	_ =	shalt  }
0x60: {  	_ =	shalt  }
0x61: {  	_ =	shalt  }
0x62: {  	_ =	shalt  }
0x63: {  	_ =	shalt  }
0x64: {  	_ =	shalt  }
0x65: {  	_ =	shalt  }
0x66: {  	_ =	shalt  }
0x67: {  	_ =	shalt  }
0x68: {  	_ =	shalt  }
0x69: {  	_ =	shalt  }
0x6a: {  	_ =	shalt  }
0x6b: {  	_ =	shalt  }
0x6c: {  	_ =	shalt  }
0x6d: {  	_ =	shalt  }
0x6e: {  	_ =	shalt  }
0x6f: {  	_ =	shalt  }
0x70: {  	_ =	shalt  }
0x71: {  	_ =	shalt  }
0x72: {  	_ =	shalt  }
0x73: {  	_ =	shalt  }
0x74: {  	_ =	shalt  }
0x75: {  	_ =	shalt  }
0x76: {  	_ =	shalt  }
0x77: {  	_ =	shalt  }
0x78: {  	_ =	shalt  }
0x79: {  	_ =	shalt  }
0x7a: {  	_ =	shalt  }
0x7b: {  	_ =	shalt  }
0x7c: {  	_ =	shalt  }
0x7d: {  	_ =	shalt  }
0x7e: {  	_ =	shalt  }
0x7f: {  	_ =	shalt  }
0x80: {  	_ =	shalt  }
0x81: {  	_ =	shalt  }
0x82: {  	_ =	shalt  }
0x83: {  	_ =	shalt  }
0x84: {  	_ =	shalt  }
0x85: {  	_ =	shalt  }
0x86: {  	_ =	shalt  }
0x87: {  	_ =	shalt  }
.Lfunc_end0:
.L_simem_size_0:
called_computation_lowered:
.L_overlay_start_0:
0x88: {  	s2 =	sld [smem:$0x3FD9]  }
0x89: {  	s3 =	sld [smem:$0x3FFE];
	_ =	sdelay $0x1  }
0x8a: {  	s1 =	srdreg.scid  }
0x8b: {  	s0 =	sand.u32 $0x1, s1  }
0x8c: {  	s17 =	sshll.u32 s0, $0xA;
	s2 =	sadd.s32 s3, s2  }
0x8d: {  	s2 =	sadd.s32 s2, s17  }
0x8e: {  	[smem:$0x3FC4] =	sst s2  }
0x8f: {  	_ = 	snop  }
0x90: {  	s2 =	sld [smem:$0x3FD0];
	(tm) =	ssettm $0x1  }
0x91: {  	s18 =	sld [smem:$0x3FFB];
	_ =	sdelay $0x3  }
0x92: {  	_ =	strace s18  }
0x93: {  	s3 =	sld [smem:$0x3FFC];
	_ =	sdelay $0x3  }
0x94: {  	_ =	strace s3  }
0x95: {  	s3 =	sld [smem:$0x3FFD];
	_ =	sdelay $0x3  }
0x96: {  	_ =	strace s3  }
0x97: {  	_ =	strace $0x8FFFFFFF  }
0x98: {  	s19 =	sld [smem:$0x3FDB];
	_ =	sdelay $0x1  }
0x99: {  	s4 =	simm.s32 $_scs_section_size  }
0x9a: {  	s5 =	simm.s32 $_size__tile_overlayer_lowered;
	s6 =	simm.s32 $_tile_overlayer_lowered  }
0x9b: {  	s22 =	simm.s32 $0x1BFF;
	s21 =	sshll.u32 s6, $0x1;
	s3 =	sadd.s32 s4, s19  }
0x9c: {  	s7 =	simm.s32 $0x0;
	s20 =	sshll.u32 s5, $0x1;
	s5 =	sadd.s32 s21, s3  }
0x9d: {  	[timem:s7], [sflag:s22] =	dma.local [hbm:s5], s20  }
0x9e: {  	_ =	swait.ge [sflag:s22], s20  }
0x9f: {  	s4 =	ssub.s32 $0x0, s20;
	[sflag:s22] =	ssyncset.done $0x0  }
0xa0: {  	[sflag:s22] =	ssyncadd.s32 s4;
	_ =	sdelay $0x1  }
0xa1: {  	s23 =	simm.s32 $0x1B8B  }
0xa2: {  	_ =	swait.ge [sflag:s23], $0x1  }
0xa3: {  	[sflag:s23] =	ssyncset.done $0x0  }
0xa4: {  	s25 =	simm.s32 $0x1B8E;
	s24 =	sld [smem:$0x3FFE];
	[sflag:s23] =	ssyncadd.s32 $0xFFFFFFFF  }
0xa5: {  	s26 =	simm.s32 $execute0_lowered;
	[smem:$0x3FD2] =	sst s25  }
0xa6: {  	s5 =	sshll.u32 s26, $0x1;
	_ =	strace $0x80000046;
	[dreg:$0x1] =	wrdreg $0xFFFFFFFF  }
0xa7: {  	s28 =	simm.s32 $_size_execute0_lowered;
	s3 =	sadd.s32 s3, s5;
	[dreg:$0x0] =	wrdreg $0x0  }
0xa8: {  	s5 =	sshll.u32 s28, $0x1;
	[dreg:$0x2] =	wrdreg s3  }
0xa9: {  	[dreg:$0x3] =	wrdreg s5  }
0xaa: {  	[dreg:$0x4] =	wrdreg $0xC0  }
0xab: {  	_ =	task [dreg:s7], $0x5FFFF  }
0xac: {  	[dreg:$0x1] =	wrdreg $0xFFFFFFFF  }
0xad: {  	[dreg:$0x0] =	wrdreg $0x60  }
0xae: {  	[dreg:$0x2] =	wrdreg s24  }
0xaf: {  	[dreg:$0x3] =	wrdreg s2  }
0xb0: {  	[dreg:$0x4] =	wrdreg $0x9  }
0xb1: {  	_ =	task.clear_ibuf [dreg:s7], $0x5FFFF;
	_ =	strace $0x90000046  }
0xb2: {  	s29 =	simm.s32 $0x9;
	_ =	strace $0x80000048  }
0xb3: {  	_ =	swait.ge [sflag:s29], $0x1  }
0xb4: {  	[sflag:s29] =	ssyncadd.s32 $0xFFFFFFFF  }
0xb5: {  	_ =	strace $0x90000048  }
0xb6: {  	_ =	sfence  }
0xb7: {  	s30 =	sld [smem:$0x0];
	_ =	sdelay $0x2  }
0xb8: {  	s31 =	sshll.u32 s1, $0xD;
	s1 =	sshrl.u32 s1, $0x2  }
0xb9: {  	s3 =	sand.u32 $0x4000, s31;
	s1 =	sadd.s32 s1, s30  }
0xba: {  	s0 =	sor.u32 s3, s0;
	s1 =	sshll.u32 s1, $0x11  }
0xbb: {  	s0 =	sor.u32 s1, s0  }
0xbc: {  	s0 =	sadd.s32 $0x8F2B, s0  }
0xbd: {  	[sflag:s0] =	ssyncadd.remote.s32 $0x1  }
0xbe: {  	_ =	sfence.sel $0xFFFF  }
0xbf: {  	[dreg:$0x0] =	wrdreg $0xFFFFFFFF;
	(pc) =	sbr.abs _section_cstart, $3  }
0xc0: {  	[dreg:$0x1] =	wrdreg $0xFFFFFFFF  }
0xc1: {  	_ =	task.clear_ibuf [dreg:s7], $0x2FFFF;
	_ =	strace $0x9FFFFFFF  }
0xc2: {  	(tm) =	ssettm $0x7FFFFFFF  }
0xc3: {  	_ =	shalt  }
tec
execute0_lowered:
.L_overlay_start_1:
0x0: {  	(tag) =	ssettag $0x1  }
0x1: {  	s0 =	srdreg.scid  }
0x2: {  	s1 =	sand.u32 $0x1, s0  }
0x3: {  	s3 =	stileid.u32;
	s0 =	sshll.u32 s1, $0x4  }
0x4: {  	s2 =	sor.u32 s3, s0;
	s3 =	sand.u32 $0x1, s3  }
0x5: {  	s31 =	smul.u32 $0x240, s3  }
0x6: {  	v39 =	vlaneseq.u32;
	vm0 =	vmmov $0xffff  }
0x7: {  	v36 =	vmul.u32 $0x10, v39;
	v38 =	vshrl.u32 v39, $0x3;
	v0 =	vmov s31;
	s5 =	sor.u32 $0x10, s31  }
0x8: {  	v38 =	vmul.u32 $0x8, v38;
	s6 =	sor.u32 $0x30, s31;
	s7 =	sadd.s32 $0x40, s31;
	s8 =	sadd.s32 $0x50, s31;
	v1 =	vshll.u32 v0, $0x4;
	v2 =	vmov s5  }
0x9: {  	s9 =	sadd.s32 $0x60, s31;
	s10 =	sadd.s32 $0x70, s31;
	s11 =	sadd.s32 $0x80, s31;
	v4 =	vmov s6;
	v5 =	vmov s7;
	v6 =	vmov s8  }
0xa: {  	s12 =	sadd.s32 $0x90, s31;
	s13 =	sadd.s32 $0xA0, s31;
	s15 =	sadd.s32 $0xB0, s31;
	v7 =	vmov s9;
	v8 =	vmov s10;
	v9 =	vmov s11  }
0xb: {  	s16 =	sadd.s32 $0xC0, s31;
	s17 =	sadd.s32 $0xD0, s31;
	s18 =	sadd.s32 $0xE0, s31;
	v10 =	vmov s12;
	v11 =	vmov s13;
	v12 =	vmov s15  }
0xc: {  	s19 =	sadd.s32 $0xF0, s31;
	s20 =	sadd.s32 $0x100, s31;
	s22 =	sadd.s32 $0x110, s31;
	v13 =	vmov s16;
	v14 =	vmov s17;
	v15 =	vmov s18  }
0xd: {  	s23 =	sadd.s32 $0x120, s31;
	s24 =	sadd.s32 $0x130, s31;
	s25 =	sadd.s32 $0x140, s31;
	v16 =	vmov s19;
	v17 =	vmov s20;
	v18 =	vmov s22  }
0xe: {  	s26 =	sadd.s32 $0x160, s31;
	s28 =	sadd.s32 $0x170, s31;
	s0 =	sadd.s32 $0x1F0, s31;
	v19 =	vmov s23;
	v20 =	vmov s24;
	v21 =	vmov s25  }
0xf: {  	s5 =	sor.u32 $0x20, s31;
	v23 =	vmov s26;
	v24 =	vmov s28;
	v32 =	vmov s0  }
0x10: {  	v1 =	vor.u32 v36, v1;
	v2 =	vshll.u32 v2, $0x4;
	v3 =	vmov s5  }
0x11: {  	v4 =	vshll.u32 v4, $0x4;
	v5 =	vshll.u32 v5, $0x4;
	v6 =	vshll.u32 v6, $0x4  }
0x12: {  	v7 =	vshll.u32 v7, $0x4;
	v8 =	vshll.u32 v8, $0x4;
	v9 =	vshll.u32 v9, $0x4  }
0x13: {  	v10 =	vshll.u32 v10, $0x4;
	v11 =	vshll.u32 v11, $0x4;
	v12 =	vshll.u32 v12, $0x4  }
0x14: {  	p0 =	seq.s32 s2, $0x0;
	p1 =	seq.s32 s3, $0x1;
	v13 =	vshll.u32 v13, $0x4;
	v14 =	vshll.u32 v14, $0x4;
	v15 =	vshll.u32 v15, $0x4  }
0x15: {  	s4 =	simm.s32 $0x1;
	s2 =	sshrl.u32 s2, $0x1;
	p0 =	por !p0, !p1;
	v16 =	vshll.u32 v16, $0x4;
	v17 =	vshll.u32 v17, $0x4;
	v18 =	vshll.u32 v18, $0x4  }
0x16: {  	p0 =	por !p0, !p0;
	s29 =	smin.u32 s31, $0x226;
	s10 =	sadd.s32 $0x150, s31;
	v19 =	vshll.u32 v19, $0x4;
	v20 =	vshll.u32 v20, $0x4;
	v21 =	vshll.u32 v21, $0x4  }
0x17: {  	s11 =	sadd.s32 $0x180, s31;
	s12 =	sadd.s32 $0x190, s31;
	s13 =	sadd.s32 $0x1A0, s31;
	v22 =	vmov s10;
	v23 =	vshll.u32 v23, $0x4;
	v24 =	vshll.u32 v24, $0x4  }
0x18: {  	s15 =	sadd.s32 $0x1B0, s31;
	s17 =	sadd.s32 $0x1C0, s31;
	s18 =	sadd.s32 $0x1D0, s31;
	v25 =	vmov s11;
	v26 =	vmov s12;
	v27 =	vmov s13  }
0x19: {  	s19 =	sadd.s32 $0x1E0, s31;
	s30 =	sadd.s32 $0x200, s29;
	s20 =	sadd.s32 $0x210, s29;
	v28 =	vmov s15;
	v29 =	vmov s17;
	v30 =	vmov s18  }
0x1a: {  	s4 =	simm.s32 @!p0 $0x0;
	s31 =	sadd.s32 $0x220, s29;
	s23 =	sadd.s32 $0x230, s29;
	v31 =	vmov s19;
	v33 =	vmov s30;
	v34 =	vmov s20  }
0x1b: {  	s14 =	ssub.s32 s2, s4;
	v35 =	vmov s31;
	v37 =	vmov s23;
	v32 =	vshll.u32 v32, $0x4  }
0x1c: {  	v0 =	vmov s14;
	v1 =	vadd.s32 s14, v1;
	v2 =	vor.u32 v36, v2  }
0x1d: {  	v3 =	vshll.u32 v3, $0x4;
	v4 =	vor.u32 v36, v4;
	v5 =	vor.u32 v36, v5  }
0x1e: {  	v6 =	vor.u32 v36, v6;
	v7 =	vor.u32 v36, v7;
	v8 =	vor.u32 v36, v8  }
0x1f: {  	v9 =	vor.u32 v36, v9;
	v10 =	vor.u32 v36, v10;
	v11 =	vor.u32 v36, v11  }
0x20: {  	v12 =	vor.u32 v36, v12;
	v13 =	vor.u32 v36, v13;
	v14 =	vor.u32 v36, v14  }
0x21: {  	v15 =	vor.u32 v36, v15;
	v16 =	vor.u32 v36, v16;
	v17 =	vor.u32 v36, v17  }
0x22: {  	v18 =	vor.u32 v36, v18;
	v19 =	vor.u32 v36, v19;
	v20 =	vor.u32 v36, v20  }
0x23: {  	v21 =	vor.u32 v36, v21;
	v22 =	vshll.u32 v22, $0x4;
	v23 =	vor.u32 v36, v23  }
0x24: {  	v24 =	vor.u32 v36, v24;
	v25 =	vshll.u32 v25, $0x4;
	v26 =	vshll.u32 v26, $0x4  }
0x25: {  	v27 =	vshll.u32 v27, $0x4;
	v28 =	vshll.u32 v28, $0x4;
	v29 =	vshll.u32 v29, $0x4  }
0x26: {  	v30 =	vshll.u32 v30, $0x4;
	v31 =	vshll.u32 v31, $0x4;
	v32 =	vor.u32 v36, v32  }
0x27: {  	v33 =	vshll.u32 v33, $0x4;
	v34 =	vshll.u32 v34, $0x4;
	v35 =	vshll.u32 v35, $0x4  }
0x28: {  	v37 =	vshll.u32 v37, $0x4;
	v2 =	vadd.s32 s14, v2;
	v3 =	vor.u32 v36, v3  }
0x29: {  	v4 =	vadd.s32 s14, v4;
	v5 =	vadd.s32 s14, v5;
	v6 =	vadd.s32 s14, v6  }
0x2a: {  	v7 =	vadd.s32 s14, v7;
	v8 =	vadd.s32 s14, v8;
	v9 =	vadd.s32 s14, v9  }
0x2b: {  	v10 =	vadd.s32 s14, v10;
	v11 =	vadd.s32 s14, v11;
	v12 =	vadd.s32 s14, v12  }
0x2c: {  	v13 =	vadd.s32 s14, v13;
	v14 =	vadd.s32 s14, v14;
	v15 =	vadd.s32 s14, v15  }
0x2d: {  	v16 =	vadd.s32 s14, v16;
	v17 =	vadd.s32 s14, v17;
	v18 =	vadd.s32 s14, v18  }
0x2e: {  	v19 =	vadd.s32 s14, v19;
	v20 =	vadd.s32 s14, v20;
	v21 =	vadd.s32 s14, v21  }
0x2f: {  	v22 =	vor.u32 v36, v22;
	v23 =	vadd.s32 s14, v23;
	v24 =	vadd.s32 s14, v24  }
0x30: {  	s6 =	smul.u32 $0x9, s3;
	v25 =	vor.u32 v36, v25;
	v26 =	vor.u32 v36, v26;
	v27 =	vor.u32 v36, v27  }
0x31: {  	s4 =	smul.u32 $0x12, s14;
	v28 =	vor.u32 v36, v28;
	v29 =	vor.u32 v36, v29;
	v30 =	vor.u32 v36, v30  }
0x32: {  	s1 =	ssub.s32 $0x2, s1;
	s7 =	rddreg [dreg:$0x0];
	v31 =	vor.u32 v36, v31;
	v32 =	vadd.s32 s14, v32;
	v33 =	vadd.s32 v36, v33  }
0x33: {  	s3 =	simm.s32 $0x0;
	s2 =	rddreg [dreg:$0x1];
	v34 =	vadd.s32 v36, v34;
	v35 =	vadd.s32 v36, v35;
	v36 =	vadd.s32 v36, v37;
	s4 =	sadd.s32 s6, s4  }
0x34: {  	s9 =	sshrl.u32 s1, $0x1;
	[smem:$0x7FF] =	sst s3;
	v37 =	vand.u32 $0x7, v39;
	v39 =	vor.u32 $0x8, v39;
	v3 =	vadd.s32 s14, v3;
	s21 =	sshll.u32 s4, $0x4  }
0x35: {  	s1 =	ssub.s32 s1, s9;
	_ =	strace $0x80000047;
	v22 =	vadd.s32 s14, v22;
	v25 =	vadd.s32 s14, v25;
	v26 =	vadd.s32 s14, v26;
	s5 =	sand.u32 $0x1FFFFFF0, s21  }
0x36: {  	s9 =	sadd.s32 $0x200, s2;
	s1 =	smax.u32 s1, $0x1;
	v27 =	vadd.s32 s14, v27;
	v28 =	vadd.s32 s14, v28;
	v29 =	vadd.s32 s14, v29;
	s8 =	sadd.s32 s5, s7  }
0x37: {  	s6 =	sadd.s32 $0x1900, s7;
	v30 =	vadd.s32 s14, v30;
	v31 =	vadd.s32 s14, v31;
	v33 =	vadd.s32 s14, v33;
	s4 =	sadd.s32 $0x1800, s7;
	s8 =	sadd.s32 $0x600, s8  }
0x38: {  	v34 =	vadd.s32 s14, v34;
	v35 =	vadd.s32 s14, v35;
	v36 =	vadd.s32 s14, v36;
	s7 =	sadd.s32 $0x1A00, s7;
	[dreg:$0x3] =	wrdreg s8;
	s8 =	sadd.s32 $0x100, s2  }
.LBB2_1:
0x39: {  	[dreg:$0x4] =	wrdreg s1  }
0x3a: {  	s16 =	rddreg [dreg:$0x3];
	s10 =	simm.s32 $0x4  }
0x3b: {  	[tilespmem:s3], [sflag:$0x4] =	stream.linear.gather [hbm4b:s16+s3], $0x480, $0x38;
	[tilespmem:$0x18600] =	vst v63  }
0x3c: {  	_ =	swait.ge [sflag:s10], $0x480  }
0x3d: {  	[sflag:s10] =	ssyncset.done $0x0  }
0x3e: {  	[sflag:s10] =	ssyncadd.s32 $0xFFFFFB80  }
0x3f: {  	v40 =	vld [tilespmem:$0x0];
	_ =	sdelay $0x4  }
0x40: {  	vm1 =	vgt.s32 v40, $0x0  }
0x41: {  	v40 =	vnsel vm1, $0x0, v40  }
0x42: {  	v40 =	vmin.u32 v40, $0xA5  }
0x43: {  	v40 =	vshll.u32 v40, $0x4  }
0x44: {  	v40 =	vadd.s32 v0, v40  }
0x45: {  	[tilespmem:$0x480] =	vst v40  }
0x46: {  	v41 =	vld [tilespmem:$0x480];
	_ =	sdelay $0x1  }
0x47: {  	v46 =	vld [tilespmem:$0x10];
	_ =	sdelay $0x1  }
0x48: {  	v42 =	vld [tilespmem:$0x20]  }
0x49: {  	v43 =	vld [tilespmem:$0x30];
	v44 =	vshrl.u32 v41, $0x3  }
0x4a: {  	v44 =	vmul.u32 $0x30, v44  }
0x4b: {  	vm1 =	vgt.s32 v46, $0x0;
	v41 =	vand.u32 $0x7, v41  }
0x4c: {  	v40 =	vnsel vm1, $0x0, v46;
	v41 =	vor.u32 v41, v44  }
0x4d: {  	[tilespmem:$0x500] =	vst v1;
	vm1 =	vgt.s32 v42, $0x0;
	v40 =	vmin.u32 v40, $0xA5;
	v44 =	vperm.xlane v41, v37  }
0x4e: {  	[tilespmem:$0x510] =	vst v2;
	v42 =	vnsel vm1, $0x0, v42;
	vm1 =	vgt.s32 v43, $0x0;
	v40 =	vshll.u32 v40, $0x4  }
0x4f: {  	[tilespmem:$0x520] =	vst v3;
	v42 =	vmin.u32 v42, $0xA5;
	v48 =	vnsel vm1, $0x0, v43;
	v49 =	vadd.s32 v38, v44  }
0x50: {  	[tilespmem:$0x530] =	vst v4;
	v40 =	vadd.s32 v0, v40;
	v47 =	vshll.u32 v42, $0x4;
	v42 =	vmin.u32 v48, $0xA5  }
0x51: {  	[tilespmem:$0x490] =	vst v40;
	v40 =	vadd.s32 v0, v47;
	v50 =	vshll.u32 v42, $0x4  }
0x52: {  	[tilespmem:$0x4A0] =	vst v40;
	v40 =	vadd.s32 v0, v50  }
0x53: {  	s0 =	simm.s32 $0x600;
	[tilespmem:$0x4B0] =	vst v40;
	v51 =	vperm.xlane v41, v39  }
0x54: {  	[tilespmem:s0], [sflag:$0x1] =	stream.indirect_vreg.gather [hbm4b:s4+s3], $0x80, v49, vm0, $0xb8;
	[tilespmem:$0x18600] =	vst v63  }
0x55: {  	s11 =	simm.s32 $0xE00;
	v40 =	vadd.s32 v38, v51  }
0x56: {  	[tilespmem:s11], [sflag:$0x1] =	stream.indirect_vreg.gather [hbm4b:s6+s3], $0x80, v49, vm0, $0xb8;
	[tilespmem:$0x18600] =	vst v63  }
0x57: {  	s12 =	simm.s32 $0x1600  }
0x58: {  	[tilespmem:s12], [sflag:$0x1] =	stream.indirect_vreg.gather [hbm4b:s7+s3], $0x80, v49, vm0, $0xb8;
	[tilespmem:$0x18600] =	vst v63  }
0x59: {  	s13 =	simm.s32 $0x1E00  }
0x5a: {  	[tilespmem:s13], [sflag:$0x1] =	stream.indirect_vreg.gather [hbm4b:s4+s3], $0x80, v40, vm0, $0xb8;
	[tilespmem:$0x18600] =	vst v63  }
0x5b: {  	s14 =	simm.s32 $0x2600  }
0x5c: {  	[tilespmem:s14], [sflag:$0x1] =	stream.indirect_vreg.gather [hbm4b:s6+s3], $0x80, v40, vm0, $0xb8;
	[tilespmem:$0x18600] =	vst v63  }
0x5d: {  	s15 =	simm.s32 $0x2E00  }
0x5e: {  	[tilespmem:s15], [sflag:$0x1] =	stream.indirect_vreg.gather [hbm4b:s7+s3], $0x80, v40, vm0, $0xb8;
	[tilespmem:$0x18600] =	vst v63  }
0x5f: {  	v40 =	vld [tilespmem:$0x490];
	_ =	sdelay $0x4  }
0x60: {  	v52 =	vshrl.u32 v40, $0x3  }
0x61: {  	v41 =	vmul.u32 $0x30, v52  }
0x62: {  	v40 =	vand.u32 $0x7, v40  }
0x63: {  	v40 =	vor.u32 v40, v41  }
0x64: {  	v41 =	vperm.xlane v40, v37;
	_ =	sdelay $0x1  }
0x65: {  	v41 =	vadd.s32 v38, v41;
	_ =	sdelay $0x3  }
0x66: {  	s16 =	simm.s32 $0x3600;
	v40 =	vperm.xlane v40, v39  }
0x67: {  	[tilespmem:s16], [sflag:$0x1] =	stream.indirect_vreg.gather [hbm4b:s4+s3], $0x80, v41, vm0, $0xb8;
	[tilespmem:$0x18600] =	vst v63  }
0x68: {  	s17 =	simm.s32 $0x3E00;
	v40 =	vadd.s32 v38, v40  }
0x69: {  	[tilespmem:s17], [sflag:$0x1] =	stream.indirect_vreg.gather [hbm4b:s6+s3], $0x80, v41, vm0, $0xb8;
	[tilespmem:$0x18600] =	vst v63  }
0x6a: {  	s18 =	simm.s32 $0x4600  }
0x6b: {  	[tilespmem:s18], [sflag:$0x1] =	stream.indirect_vreg.gather [hbm4b:s7+s3], $0x80, v41, vm0, $0xb8;
	[tilespmem:$0x18600] =	vst v63  }
0x6c: {  	s19 =	simm.s32 $0x4E00  }
0x6d: {  	[tilespmem:s19], [sflag:$0x1] =	stream.indirect_vreg.gather [hbm4b:s4+s3], $0x80, v40, vm0, $0xb8;
	[tilespmem:$0x18600] =	vst v63  }
0x6e: {  	s20 =	simm.s32 $0x5600  }
0x6f: {  	[tilespmem:s20], [sflag:$0x1] =	stream.indirect_vreg.gather [hbm4b:s6+s3], $0x80, v40, vm0, $0xb8;
	[tilespmem:$0x18600] =	vst v63  }
0x70: {  	s21 =	simm.s32 $0x5E00  }
0x71: {  	[tilespmem:s21], [sflag:$0x1] =	stream.indirect_vreg.gather [hbm4b:s7+s3], $0x80, v40, vm0, $0xb8;
	[tilespmem:$0x18600] =	vst v63  }
0x72: {  	v40 =	vld [tilespmem:$0x4A0];
	_ =	sdelay $0x4  }
0x73: {  	v53 =	vshrl.u32 v40, $0x3  }
0x74: {  	v41 =	vmul.u32 $0x30, v53  }
0x75: {  	v40 =	vand.u32 $0x7, v40  }
0x76: {  	v40 =	vor.u32 v40, v41  }
0x77: {  	v41 =	vperm.xlane v40, v37;
	_ =	sdelay $0x1  }
0x78: {  	v41 =	vadd.s32 v38, v41;
	_ =	sdelay $0x3  }
0x79: {  	s22 =	simm.s32 $0x6600;
	v40 =	vperm.xlane v40, v39  }
0x7a: {  	[tilespmem:s22], [sflag:$0x1] =	stream.indirect_vreg.gather [hbm4b:s4+s3], $0x80, v41, vm0, $0xb8;
	[tilespmem:$0x18600] =	vst v63  }
0x7b: {  	s23 =	simm.s32 $0x6E00;
	v40 =	vadd.s32 v38, v40  }
0x7c: {  	[tilespmem:s23], [sflag:$0x1] =	stream.indirect_vreg.gather [hbm4b:s6+s3], $0x80, v41, vm0, $0xb8;
	[tilespmem:$0x18600] =	vst v63  }
0x7d: {  	s24 =	simm.s32 $0x7600  }
0x7e: {  	[tilespmem:s24], [sflag:$0x1] =	stream.indirect_vreg.gather [hbm4b:s7+s3], $0x80, v41, vm0, $0xb8;
	[tilespmem:$0x18600] =	vst v63  }
0x7f: {  	s25 =	simm.s32 $0x7E00  }
0x80: {  	[tilespmem:s25], [sflag:$0x1] =	stream.indirect_vreg.gather [hbm4b:s4+s3], $0x80, v40, vm0, $0xb8;
	[tilespmem:$0x18600] =	vst v63  }
0x81: {  	s26 =	simm.s32 $0x8600  }
0x82: {  	[tilespmem:s26], [sflag:$0x1] =	stream.indirect_vreg.gather [hbm4b:s6+s3], $0x80, v40, vm0, $0xb8;
	[tilespmem:$0x18600] =	vst v63  }
0x83: {  	s1 =	simm.s32 $0x8E00  }
0x84: {  	[tilespmem:s1], [sflag:$0x1] =	stream.indirect_vreg.gather [hbm4b:s7+s3], $0x80, v40, vm0, $0xb8;
	[tilespmem:$0x18600] =	vst v63  }
0x85: {  	v40 =	vld [tilespmem:$0x4B0];
	_ =	sdelay $0x4  }
0x86: {  	v54 =	vshrl.u32 v40, $0x3  }
0x87: {  	v41 =	vmul.u32 $0x30, v54  }
0x88: {  	v40 =	vand.u32 $0x7, v40  }
0x89: {  	v40 =	vor.u32 v40, v41  }
0x8a: {  	v41 =	vperm.xlane v40, v37;
	_ =	sdelay $0x1  }
0x8b: {  	v41 =	vadd.s32 v38, v41;
	_ =	sdelay $0x3  }
0x8c: {  	s5 =	simm.s32 $0x9600;
	v40 =	vperm.xlane v40, v39  }
0x8d: {  	[tilespmem:s5], [sflag:$0x1] =	stream.indirect_vreg.gather [hbm4b:s4+s3], $0x80, v41, vm0, $0xb8;
	[tilespmem:$0x18600] =	vst v63  }
0x8e: {  	s23 =	simm.s32 $0x9E00;
	v40 =	vadd.s32 v38, v40  }
0x8f: {  	[tilespmem:s23], [sflag:$0x1] =	stream.indirect_vreg.gather [hbm4b:s6+s3], $0x80, v41, vm0, $0xb8;
	[tilespmem:$0x18600] =	vst v63  }
0x90: {  	s24 =	simm.s32 $0xA600  }
0x91: {  	[tilespmem:s24], [sflag:$0x1] =	stream.indirect_vreg.gather [hbm4b:s7+s3], $0x80, v41, vm0, $0xb8;
	[tilespmem:$0x18600] =	vst v63  }
0x92: {  	s25 =	simm.s32 $0xAE00  }
0x93: {  	[tilespmem:s25], [sflag:$0x1] =	stream.indirect_vreg.gather [hbm4b:s4+s3], $0x80, v40, vm0, $0xb8;
	[tilespmem:$0x18600] =	vst v63  }
0x94: {  	s26 =	simm.s32 $0xB600  }
0x95: {  	[tilespmem:s26], [sflag:$0x1] =	stream.indirect_vreg.gather [hbm4b:s6+s3], $0x80, v40, vm0, $0xb8;
	[tilespmem:$0x18600] =	vst v63  }
0x96: {  	s0 =	simm.s32 $0x1;
	s1 =	simm.s32 $0xBE00  }
0x97: {  	[tilespmem:s1], [sflag:$0x1] =	stream.indirect_vreg.gather [hbm4b:s7+s3], $0x80, v40, vm0, $0xb8;
	[tilespmem:$0x18600] =	vst v63  }
0x98: {  	_ =	swait.ge [sflag:s0], $0xC000  }
0x99: {  	[sflag:s0] =	ssyncset.done $0x0  }
0x9a: {  	[sflag:s0] =	ssyncadd.s32 $0xFFFF4000  }
0x9b: {  	v55 =	vld [tilespmem:$0x500];
	_ =	sdelay $0x4  }
0x9c: {  	v56 =	vshrl.u32 v55, $0x3  }
0x9d: {  	v41 =	vmul.u32 $0x30, v56  }
0x9e: {  	v40 =	vand.u32 $0x7, v55  }
0x9f: {  	v40 =	vor.u32 v40, v41  }
0xa0: {  	v41 =	vperm.xlane v40, v37;
	_ =	sdelay $0x1  }
0xa1: {  	v41 =	vadd.s32 v38, v41;
	_ =	sdelay $0x3  }
0xa2: {  	s28 =	simm.s32 $0x600;
	v40 =	vperm.xlane v40, v39  }
0xa3: {  	[hbm4b:s2+s3] =	stream.indirect_vreg.scatter [tilespmem:s28], [sflag:$0x2], $0x80, v41, vm0, $0xb8;
	[tilespmem:$0x18600] =	vst v63  }
0xa4: {  	v40 =	vadd.s32 v38, v40;
	s28 =	simm.s32 $0xE00  }
0xa5: {  	[hbm4b:s8+s3] =	stream.indirect_vreg.scatter [tilespmem:s28], [sflag:$0x2], $0x80, v41, vm0, $0xb8;
	[tilespmem:$0x18600] =	vst v63  }
0xa6: {  	s11 =	simm.s32 $0x1600  }
0xa7: {  	[hbm4b:s9+s3] =	stream.indirect_vreg.scatter [tilespmem:s11], [sflag:$0x2], $0x80, v41, vm0, $0xb8;
	[tilespmem:$0x18600] =	vst v63  }
0xa8: {  	s12 =	simm.s32 $0x1E00  }
0xa9: {  	[hbm4b:s2+s3] =	stream.indirect_vreg.scatter [tilespmem:s12], [sflag:$0x2], $0x80, v40, vm0, $0xb8;
	[tilespmem:$0x18600] =	vst v63  }
0xaa: {  	s13 =	simm.s32 $0x2600  }
0xab: {  	[hbm4b:s8+s3] =	stream.indirect_vreg.scatter [tilespmem:s13], [sflag:$0x2], $0x80, v40, vm0, $0xb8;
	[tilespmem:$0x18600] =	vst v63  }
0xac: {  	s29 =	simm.s32 $0x2E00  }
0xad: {  	[hbm4b:s9+s3] =	stream.indirect_vreg.scatter [tilespmem:s29], [sflag:$0x2], $0x80, v40, vm0, $0xb8;
	[tilespmem:$0x18600] =	vst v63  }
0xae: {  	v40 =	vld [tilespmem:$0x510];
	_ =	sdelay $0x4  }
0xaf: {  	v57 =	vshrl.u32 v40, $0x3  }
0xb0: {  	v41 =	vmul.u32 $0x30, v57  }
0xb1: {  	v40 =	vand.u32 $0x7, v40  }
0xb2: {  	v40 =	vor.u32 v40, v41  }
0xb3: {  	v41 =	vperm.xlane v40, v37;
	_ =	sdelay $0x1  }
0xb4: {  	v41 =	vadd.s32 v38, v41;
	_ =	sdelay $0x3  }
0xb5: {  	s30 =	simm.s32 $0x3600;
	v40 =	vperm.xlane v40, v39  }
0xb6: {  	[hbm4b:s2+s3] =	stream.indirect_vreg.scatter [tilespmem:s30], [sflag:$0x2], $0x80, v41, vm0, $0xb8;
	[tilespmem:$0x18600] =	vst v63  }
0xb7: {  	s15 =	simm.s32 $0x3E00;
	v40 =	vadd.s32 v38, v40  }
0xb8: {  	[hbm4b:s8+s3] =	stream.indirect_vreg.scatter [tilespmem:s15], [sflag:$0x2], $0x80, v41, vm0, $0xb8;
	[tilespmem:$0x18600] =	vst v63  }
0xb9: {  	s16 =	simm.s32 $0x4600  }
0xba: {  	[hbm4b:s9+s3] =	stream.indirect_vreg.scatter [tilespmem:s16], [sflag:$0x2], $0x80, v41, vm0, $0xb8;
	[tilespmem:$0x18600] =	vst v63  }
0xbb: {  	s17 =	simm.s32 $0x4E00  }
0xbc: {  	[hbm4b:s2+s3] =	stream.indirect_vreg.scatter [tilespmem:s17], [sflag:$0x2], $0x80, v40, vm0, $0xb8;
	[tilespmem:$0x18600] =	vst v63  }
0xbd: {  	s18 =	simm.s32 $0x5600  }
0xbe: {  	[hbm4b:s8+s3] =	stream.indirect_vreg.scatter [tilespmem:s18], [sflag:$0x2], $0x80, v40, vm0, $0xb8;
	[tilespmem:$0x18600] =	vst v63  }
0xbf: {  	s31 =	simm.s32 $0x5E00  }
0xc0: {  	[hbm4b:s9+s3] =	stream.indirect_vreg.scatter [tilespmem:s31], [sflag:$0x2], $0x80, v40, vm0, $0xb8;
	[tilespmem:$0x18600] =	vst v63  }
0xc1: {  	v40 =	vld [tilespmem:$0x520];
	_ =	sdelay $0x4  }
0xc2: {  	v58 =	vshrl.u32 v40, $0x3  }
0xc3: {  	v41 =	vmul.u32 $0x30, v58  }
0xc4: {  	v40 =	vand.u32 $0x7, v40  }
0xc5: {  	v40 =	vor.u32 v40, v41  }
0xc6: {  	v41 =	vperm.xlane v40, v37;
	_ =	sdelay $0x1  }
0xc7: {  	v41 =	vadd.s32 v38, v41;
	_ =	sdelay $0x3  }
0xc8: {  	s10 =	simm.s32 $0x6600;
	v40 =	vperm.xlane v40, v39  }
0xc9: {  	[hbm4b:s2+s3] =	stream.indirect_vreg.scatter [tilespmem:s10], [sflag:$0x2], $0x80, v41, vm0, $0xb8;
	[tilespmem:$0x18600] =	vst v63  }
0xca: {  	s19 =	simm.s32 $0x6E00;
	v40 =	vadd.s32 v38, v40  }
0xcb: {  	[hbm4b:s8+s3] =	stream.indirect_vreg.scatter [tilespmem:s19], [sflag:$0x2], $0x80, v41, vm0, $0xb8;
	[tilespmem:$0x18600] =	vst v63  }
0xcc: {  	s20 =	simm.s32 $0x7600  }
0xcd: {  	[hbm4b:s9+s3] =	stream.indirect_vreg.scatter [tilespmem:s20], [sflag:$0x2], $0x80, v41, vm0, $0xb8;
	[tilespmem:$0x18600] =	vst v63  }
0xce: {  	s21 =	simm.s32 $0x7E00  }
0xcf: {  	[hbm4b:s2+s3] =	stream.indirect_vreg.scatter [tilespmem:s21], [sflag:$0x2], $0x80, v40, vm0, $0xb8;
	[tilespmem:$0x18600] =	vst v63  }
0xd0: {  	s22 =	simm.s32 $0x8600  }
0xd1: {  	[hbm4b:s8+s3] =	stream.indirect_vreg.scatter [tilespmem:s22], [sflag:$0x2], $0x80, v40, vm0, $0xb8;
	[tilespmem:$0x18600] =	vst v63  }
0xd2: {  	s14 =	simm.s32 $0x8E00  }
0xd3: {  	[hbm4b:s9+s3] =	stream.indirect_vreg.scatter [tilespmem:s14], [sflag:$0x2], $0x80, v40, vm0, $0xb8;
	[tilespmem:$0x18600] =	vst v63  }
0xd4: {  	v40 =	vld [tilespmem:$0x530];
	_ =	sdelay $0x4  }
0xd5: {  	v59 =	vshrl.u32 v40, $0x3  }
0xd6: {  	v41 =	vmul.u32 $0x30, v59  }
0xd7: {  	v40 =	vand.u32 $0x7, v40  }
0xd8: {  	v40 =	vor.u32 v40, v41  }
0xd9: {  	v41 =	vperm.xlane v40, v37;
	_ =	sdelay $0x1  }
0xda: {  	v41 =	vadd.s32 v38, v41;
	_ =	sdelay $0x3  }
0xdb: {  	s5 =	simm.s32 $0x9600;
	v40 =	vperm.xlane v40, v39  }
0xdc: {  	[hbm4b:s2+s3] =	stream.indirect_vreg.scatter [tilespmem:s5], [sflag:$0x2], $0x80, v41, vm0, $0xb8;
	[tilespmem:$0x18600] =	vst v63  }
0xdd: {  	s23 =	simm.s32 $0x9E00;
	v40 =	vadd.s32 v38, v40  }
0xde: {  	[hbm4b:s8+s3] =	stream.indirect_vreg.scatter [tilespmem:s23], [sflag:$0x2], $0x80, v41, vm0, $0xb8;
	[tilespmem:$0x18600] =	vst v63  }
0xdf: {  	s24 =	simm.s32 $0xA600  }
0xe0: {  	[hbm4b:s9+s3] =	stream.indirect_vreg.scatter [tilespmem:s24], [sflag:$0x2], $0x80, v41, vm0, $0xb8;
	[tilespmem:$0x18600] =	vst v63  }
0xe1: {  	s25 =	simm.s32 $0xAE00  }
0xe2: {  	[hbm4b:s2+s3] =	stream.indirect_vreg.scatter [tilespmem:s25], [sflag:$0x2], $0x80, v40, vm0, $0xb8;
	[tilespmem:$0x18600] =	vst v63  }
0xe3: {  	s26 =	simm.s32 $0xB600  }
0xe4: {  	[hbm4b:s8+s3] =	stream.indirect_vreg.scatter [tilespmem:s26], [sflag:$0x2], $0x80, v40, vm0, $0xb8;
	[tilespmem:$0x18600] =	vst v63  }
0xe5: {  	s1 =	simm.s32 $0xBE00  }
0xe6: {  	[hbm4b:s9+s3] =	stream.indirect_vreg.scatter [tilespmem:s1], [sflag:$0x2], $0x80, v40, vm0, $0xb8;
	[tilespmem:$0x18600] =	vst v63  }
0xe7: {  	v40 =	vld [tilespmem:$0x80];
	_ =	sdelay $0x4  }
0xe8: {  	vm1 =	vgt.s32 v40, $0x0  }
0xe9: {  	v40 =	vnsel vm1, $0x0, v40  }
0xea: {  	v40 =	vmin.u32 v40, $0xA5  }
0xeb: {  	v40 =	vshll.u32 v40, $0x4  }
0xec: {  	v40 =	vadd.s32 v0, v40  }
0xed: {  	[tilespmem:$0x480] =	vst v40  }
0xee: {  	v41 =	vld [tilespmem:$0x480];
	_ =	sdelay $0x1  }
0xef: {  	v60 =	vld [tilespmem:$0x90];
	_ =	sdelay $0x1  }
0xf0: {  	v61 =	vld [tilespmem:$0xA0]  }
0xf1: {  	v62 =	vld [tilespmem:$0xB0];
	v63 =	vshrl.u32 v41, $0x3  }
0xf2: {  	v44 =	vmul.u32 $0x30, v63  }
0xf3: {  	vm1 =	vgt.s32 v60, $0x0;
	v41 =	vand.u32 $0x7, v41  }
0xf4: {  	v40 =	vnsel vm1, $0x0, v60;
	v41 =	vor.u32 v41, v44  }
0xf5: {  	[tilespmem:$0x580] =	vst v5;
	vm1 =	vgt.s32 v61, $0x0;
	v40 =	vmin.u32 v40, $0xA5;
	v44 =	vperm.xlane v41, v37  }
0xf6: {  	[tilespmem:$0x590] =	vst v6;
	v42 =	vnsel vm1, $0x0, v61;
	vm1 =	vgt.s32 v62, $0x0;
	v40 =	vshll.u32 v40, $0x4  }
0xf7: {  	[tilespmem:$0x5A0] =	vst v7;
	v42 =	vmin.u32 v42, $0xA5;
	v48 =	vnsel vm1, $0x0, v62;
	v49 =	vadd.s32 v38, v44  }
0xf8: {  	[tilespmem:$0x5B0] =	vst v8;
	v40 =	vadd.s32 v0, v40;
	v47 =	vshll.u32 v42, $0x4;
	v42 =	vmin.u32 v48, $0xA5  }
0xf9: {  	[tilespmem:$0x490] =	vst v40;
	v40 =	vadd.s32 v0, v47;
	v50 =	vshll.u32 v42, $0x4  }
0xfa: {  	[tilespmem:$0x4A0] =	vst v40;
	v40 =	vadd.s32 v0, v50  }
0xfb: {  	s1 =	simm.s32 $0xC600;
	[tilespmem:$0x4B0] =	vst v40;
	v51 =	vperm.xlane v41, v39  }
0xfc: {  	[tilespmem:s1], [sflag:$0x1] =	stream.indirect_vreg.gather [hbm4b:s4+s3], $0x80, v49, vm0, $0xb8;
	[tilespmem:$0x18600] =	vst v63  }
0xfd: {  	s5 =	simm.s32 $0xCE00;
	v40 =	vadd.s32 v38, v51  }
0xfe: {  	[tilespmem:s5], [sflag:$0x1] =	stream.indirect_vreg.gather [hbm4b:s6+s3], $0x80, v49, vm0, $0xb8;
	[tilespmem:$0x18600] =	vst v63  }
0xff: {  	s10 =	simm.s32 $0xD600  }
0x100: {  	[tilespmem:s10], [sflag:$0x1] =	stream.indirect_vreg.gather [hbm4b:s7+s3], $0x80, v49, vm0, $0xb8;
	[tilespmem:$0x18600] =	vst v63  }
0x101: {  	s11 =	simm.s32 $0xDE00  }
0x102: {  	[tilespmem:s11], [sflag:$0x1] =	stream.indirect_vreg.gather [hbm4b:s4+s3], $0x80, v40, vm0, $0xb8;
	[tilespmem:$0x18600] =	vst v63  }
0x103: {  	s12 =	simm.s32 $0xE600  }
0x104: {  	[tilespmem:s12], [sflag:$0x1] =	stream.indirect_vreg.gather [hbm4b:s6+s3], $0x80, v40, vm0, $0xb8;
	[tilespmem:$0x18600] =	vst v63  }
0x105: {  	s13 =	simm.s32 $0xEE00  }
0x106: {  	[tilespmem:s13], [sflag:$0x1] =	stream.indirect_vreg.gather [hbm4b:s7+s3], $0x80, v40, vm0, $0xb8;
	[tilespmem:$0x18600] =	vst v63  }
0x107: {  	v40 =	vld [tilespmem:$0x490];
	_ =	sdelay $0x4  }
0x108: {  	v52 =	vshrl.u32 v40, $0x3  }
0x109: {  	v41 =	vmul.u32 $0x30, v52  }
0x10a: {  	v40 =	vand.u32 $0x7, v40  }
0x10b: {  	v40 =	vor.u32 v40, v41  }
0x10c: {  	v41 =	vperm.xlane v40, v37;
	_ =	sdelay $0x1  }
0x10d: {  	v41 =	vadd.s32 v38, v41;
	_ =	sdelay $0x3  }
0x10e: {  	s14 =	simm.s32 $0xF600;
	v40 =	vperm.xlane v40, v39  }
0x10f: {  	[tilespmem:s14], [sflag:$0x1] =	stream.indirect_vreg.gather [hbm4b:s4+s3], $0x80, v41, vm0, $0xb8;
	[tilespmem:$0x18600] =	vst v63  }
0x110: {  	s15 =	simm.s32 $0xFE00;
	v40 =	vadd.s32 v38, v40  }
0x111: {  	[tilespmem:s15], [sflag:$0x1] =	stream.indirect_vreg.gather [hbm4b:s6+s3], $0x80, v41, vm0, $0xb8;
	[tilespmem:$0x18600] =	vst v63  }
0x112: {  	s16 =	simm.s32 $0x10600  }
0x113: {  	[tilespmem:s16], [sflag:$0x1] =	stream.indirect_vreg.gather [hbm4b:s7+s3], $0x80, v41, vm0, $0xb8;
	[tilespmem:$0x18600] =	vst v63  }
0x114: {  	s17 =	simm.s32 $0x10E00  }
0x115: {  	[tilespmem:s17], [sflag:$0x1] =	stream.indirect_vreg.gather [hbm4b:s4+s3], $0x80, v40, vm0, $0xb8;
	[tilespmem:$0x18600] =	vst v63  }
0x116: {  	s18 =	simm.s32 $0x11600  }
0x117: {  	[tilespmem:s18], [sflag:$0x1] =	stream.indirect_vreg.gather [hbm4b:s6+s3], $0x80, v40, vm0, $0xb8;
	[tilespmem:$0x18600] =	vst v63  }
0x118: {  	s19 =	simm.s32 $0x11E00  }
0x119: {  	[tilespmem:s19], [sflag:$0x1] =	stream.indirect_vreg.gather [hbm4b:s7+s3], $0x80, v40, vm0, $0xb8;
	[tilespmem:$0x18600] =	vst v63  }
0x11a: {  	v40 =	vld [tilespmem:$0x4A0];
	_ =	sdelay $0x4  }
0x11b: {  	v53 =	vshrl.u32 v40, $0x3  }
0x11c: {  	v41 =	vmul.u32 $0x30, v53  }
0x11d: {  	v40 =	vand.u32 $0x7, v40  }
0x11e: {  	v40 =	vor.u32 v40, v41  }
0x11f: {  	v41 =	vperm.xlane v40, v37;
	_ =	sdelay $0x1  }
0x120: {  	v41 =	vadd.s32 v38, v41;
	_ =	sdelay $0x3  }
0x121: {  	s20 =	simm.s32 $0x12600;
	v40 =	vperm.xlane v40, v39  }
0x122: {  	[tilespmem:s20], [sflag:$0x1] =	stream.indirect_vreg.gather [hbm4b:s4+s3], $0x80, v41, vm0, $0xb8;
	[tilespmem:$0x18600] =	vst v63  }
0x123: {  	s21 =	simm.s32 $0x12E00;
	v40 =	vadd.s32 v38, v40  }
0x124: {  	[tilespmem:s21], [sflag:$0x1] =	stream.indirect_vreg.gather [hbm4b:s6+s3], $0x80, v41, vm0, $0xb8;
	[tilespmem:$0x18600] =	vst v63  }
0x125: {  	s22 =	simm.s32 $0x13600  }
0x126: {  	[tilespmem:s22], [sflag:$0x1] =	stream.indirect_vreg.gather [hbm4b:s7+s3], $0x80, v41, vm0, $0xb8;
	[tilespmem:$0x18600] =	vst v63  }
0x127: {  	s23 =	simm.s32 $0x13E00  }
0x128: {  	[tilespmem:s23], [sflag:$0x1] =	stream.indirect_vreg.gather [hbm4b:s4+s3], $0x80, v40, vm0, $0xb8;
	[tilespmem:$0x18600] =	vst v63  }
0x129: {  	s28 =	simm.s32 $0x14600  }
0x12a: {  	[tilespmem:s28], [sflag:$0x1] =	stream.indirect_vreg.gather [hbm4b:s6+s3], $0x80, v40, vm0, $0xb8;
	[tilespmem:$0x18600] =	vst v63  }
0x12b: {  	s1 =	simm.s32 $0x14E00  }
0x12c: {  	[tilespmem:s1], [sflag:$0x1] =	stream.indirect_vreg.gather [hbm4b:s7+s3], $0x80, v40, vm0, $0xb8;
	[tilespmem:$0x18600] =	vst v63  }
0x12d: {  	v40 =	vld [tilespmem:$0x4B0];
	_ =	sdelay $0x4  }
0x12e: {  	v54 =	vshrl.u32 v40, $0x3  }
0x12f: {  	v41 =	vmul.u32 $0x30, v54  }
0x130: {  	v40 =	vand.u32 $0x7, v40  }
0x131: {  	v40 =	vor.u32 v40, v41  }
0x132: {  	v41 =	vperm.xlane v40, v37;
	_ =	sdelay $0x1  }
0x133: {  	v41 =	vadd.s32 v38, v41;
	_ =	sdelay $0x3  }
0x134: {  	s5 =	simm.s32 $0x15600;
	v40 =	vperm.xlane v40, v39  }
0x135: {  	[tilespmem:s5], [sflag:$0x1] =	stream.indirect_vreg.gather [hbm4b:s4+s3], $0x80, v41, vm0, $0xb8;
	[tilespmem:$0x18600] =	vst v63  }
0x136: {  	s20 =	simm.s32 $0x15E00;
	v40 =	vadd.s32 v38, v40  }
0x137: {  	[tilespmem:s20], [sflag:$0x1] =	stream.indirect_vreg.gather [hbm4b:s6+s3], $0x80, v41, vm0, $0xb8;
	[tilespmem:$0x18600] =	vst v63  }
0x138: {  	s21 =	simm.s32 $0x16600  }
0x139: {  	[tilespmem:s21], [sflag:$0x1] =	stream.indirect_vreg.gather [hbm4b:s7+s3], $0x80, v41, vm0, $0xb8;
	[tilespmem:$0x18600] =	vst v63  }
0x13a: {  	s22 =	simm.s32 $0x16E00  }
0x13b: {  	[tilespmem:s22], [sflag:$0x1] =	stream.indirect_vreg.gather [hbm4b:s4+s3], $0x80, v40, vm0, $0xb8;
	[tilespmem:$0x18600] =	vst v63  }
0x13c: {  	s23 =	simm.s32 $0x17600  }
0x13d: {  	[tilespmem:s23], [sflag:$0x1] =	stream.indirect_vreg.gather [hbm4b:s6+s3], $0x80, v40, vm0, $0xb8;
	[tilespmem:$0x18600] =	vst v63  }
0x13e: {  	s0 =	simm.s32 $0x1;
	s28 =	simm.s32 $0x17E00  }
0x13f: {  	[tilespmem:s28], [sflag:$0x1] =	stream.indirect_vreg.gather [hbm4b:s7+s3], $0x80, v40, vm0, $0xb8;
	[tilespmem:$0x18600] =	vst v63  }
0x140: {  	_ =	swait.ge [sflag:s0], $0xC000  }
0x141: {  	[sflag:s0] =	ssyncset.done $0x0  }
0x142: {  	[sflag:s0] =	ssyncadd.s32 $0xFFFF4000  }
0x143: {  	v55 =	vld [tilespmem:$0x580];
	_ =	sdelay $0x4  }
0x144: {  	v56 =	vshrl.u32 v55, $0x3  }
0x145: {  	v41 =	vmul.u32 $0x30, v56  }
0x146: {  	v40 =	vand.u32 $0x7, v55  }
0x147: {  	v40 =	vor.u32 v40, v41  }
0x148: {  	v41 =	vperm.xlane v40, v37;
	_ =	sdelay $0x1  }
0x149: {  	v41 =	vadd.s32 v38, v41;
	_ =	sdelay $0x3  }
0x14a: {  	s24 =	simm.s32 $0xC600;
	v40 =	vperm.xlane v40, v39  }
0x14b: {  	[hbm4b:s2+s3] =	stream.indirect_vreg.scatter [tilespmem:s24], [sflag:$0x3], $0x80, v41, vm0, $0xb8;
	[tilespmem:$0x18600] =	vst v63  }
0x14c: {  	s26 =	simm.s32 $0xCE00;
	v40 =	vadd.s32 v38, v40  }
0x14d: {  	[hbm4b:s8+s3] =	stream.indirect_vreg.scatter [tilespmem:s26], [sflag:$0x3], $0x80, v41, vm0, $0xb8;
	[tilespmem:$0x18600] =	vst v63  }
0x14e: {  	s29 =	simm.s32 $0xD600  }
0x14f: {  	[hbm4b:s9+s3] =	stream.indirect_vreg.scatter [tilespmem:s29], [sflag:$0x3], $0x80, v41, vm0, $0xb8;
	[tilespmem:$0x18600] =	vst v63  }
0x150: {  	s30 =	simm.s32 $0xDE00  }
0x151: {  	[hbm4b:s2+s3] =	stream.indirect_vreg.scatter [tilespmem:s30], [sflag:$0x3], $0x80, v40, vm0, $0xb8;
	[tilespmem:$0x18600] =	vst v63  }
0x152: {  	s31 =	simm.s32 $0xE600  }
0x153: {  	[hbm4b:s8+s3] =	stream.indirect_vreg.scatter [tilespmem:s31], [sflag:$0x3], $0x80, v40, vm0, $0xb8;
	[tilespmem:$0x18600] =	vst v63  }
0x154: {  	s25 =	simm.s32 $0xEE00  }
0x155: {  	[hbm4b:s9+s3] =	stream.indirect_vreg.scatter [tilespmem:s25], [sflag:$0x3], $0x80, v40, vm0, $0xb8;
	[tilespmem:$0x18600] =	vst v63  }
0x156: {  	v40 =	vld [tilespmem:$0x590];
	_ =	sdelay $0x4  }
0x157: {  	v57 =	vshrl.u32 v40, $0x3  }
0x158: {  	v41 =	vmul.u32 $0x30, v57  }
0x159: {  	v40 =	vand.u32 $0x7, v40  }
0x15a: {  	v40 =	vor.u32 v40, v41  }
0x15b: {  	v41 =	vperm.xlane v40, v37;
	_ =	sdelay $0x1  }
0x15c: {  	v41 =	vadd.s32 v38, v41;
	_ =	sdelay $0x3  }
0x15d: {  	s10 =	simm.s32 $0xF600;
	v40 =	vperm.xlane v40, v39  }
0x15e: {  	[hbm4b:s2+s3] =	stream.indirect_vreg.scatter [tilespmem:s10], [sflag:$0x3], $0x80, v41, vm0, $0xb8;
	[tilespmem:$0x18600] =	vst v63  }
0x15f: {  	s24 =	simm.s32 $0xFE00;
	v40 =	vadd.s32 v38, v40  }
0x160: {  	[hbm4b:s8+s3] =	stream.indirect_vreg.scatter [tilespmem:s24], [sflag:$0x3], $0x80, v41, vm0, $0xb8;
	[tilespmem:$0x18600] =	vst v63  }
0x161: {  	s13 =	simm.s32 $0x10600  }
0x162: {  	[hbm4b:s9+s3] =	stream.indirect_vreg.scatter [tilespmem:s13], [sflag:$0x3], $0x80, v41, vm0, $0xb8;
	[tilespmem:$0x18600] =	vst v63  }
0x163: {  	s14 =	simm.s32 $0x10E00  }
0x164: {  	[hbm4b:s2+s3] =	stream.indirect_vreg.scatter [tilespmem:s14], [sflag:$0x3], $0x80, v40, vm0, $0xb8;
	[tilespmem:$0x18600] =	vst v63  }
0x165: {  	s15 =	simm.s32 $0x11600  }
0x166: {  	[hbm4b:s8+s3] =	stream.indirect_vreg.scatter [tilespmem:s15], [sflag:$0x3], $0x80, v40, vm0, $0xb8;
	[tilespmem:$0x18600] =	vst v63  }
0x167: {  	s11 =	simm.s32 $0x11E00  }
0x168: {  	[hbm4b:s9+s3] =	stream.indirect_vreg.scatter [tilespmem:s11], [sflag:$0x3], $0x80, v40, vm0, $0xb8;
	[tilespmem:$0x18600] =	vst v63  }
0x169: {  	v40 =	vld [tilespmem:$0x5A0];
	_ =	sdelay $0x4  }
0x16a: {  	v58 =	vshrl.u32 v40, $0x3  }
0x16b: {  	v41 =	vmul.u32 $0x30, v58  }
0x16c: {  	v40 =	vand.u32 $0x7, v40  }
0x16d: {  	v40 =	vor.u32 v40, v41  }
0x16e: {  	v41 =	vperm.xlane v40, v37;
	_ =	sdelay $0x1  }
0x16f: {  	v41 =	vadd.s32 v38, v41;
	_ =	sdelay $0x3  }
0x170: {  	s12 =	simm.s32 $0x12600;
	v40 =	vperm.xlane v40, v39  }
0x171: {  	[hbm4b:s2+s3] =	stream.indirect_vreg.scatter [tilespmem:s12], [sflag:$0x3], $0x80, v41, vm0, $0xb8;
	[tilespmem:$0x18600] =	vst v63  }
0x172: {  	s16 =	simm.s32 $0x12E00;
	v40 =	vadd.s32 v38, v40  }
0x173: {  	[hbm4b:s8+s3] =	stream.indirect_vreg.scatter [tilespmem:s16], [sflag:$0x3], $0x80, v41, vm0, $0xb8;
	[tilespmem:$0x18600] =	vst v63  }
0x174: {  	s17 =	simm.s32 $0x13600  }
0x175: {  	[hbm4b:s9+s3] =	stream.indirect_vreg.scatter [tilespmem:s17], [sflag:$0x3], $0x80, v41, vm0, $0xb8;
	[tilespmem:$0x18600] =	vst v63  }
0x176: {  	s18 =	simm.s32 $0x13E00  }
0x177: {  	[hbm4b:s2+s3] =	stream.indirect_vreg.scatter [tilespmem:s18], [sflag:$0x3], $0x80, v40, vm0, $0xb8;
	[tilespmem:$0x18600] =	vst v63  }
0x178: {  	s19 =	simm.s32 $0x14600  }
0x179: {  	[hbm4b:s8+s3] =	stream.indirect_vreg.scatter [tilespmem:s19], [sflag:$0x3], $0x80, v40, vm0, $0xb8;
	[tilespmem:$0x18600] =	vst v63  }
0x17a: {  	s1 =	simm.s32 $0x14E00  }
0x17b: {  	[hbm4b:s9+s3] =	stream.indirect_vreg.scatter [tilespmem:s1], [sflag:$0x3], $0x80, v40, vm0, $0xb8;
	[tilespmem:$0x18600] =	vst v63  }
0x17c: {  	v40 =	vld [tilespmem:$0x5B0];
	_ =	sdelay $0x4  }
0x17d: {  	v59 =	vshrl.u32 v40, $0x3  }
0x17e: {  	v41 =	vmul.u32 $0x30, v59  }
0x17f: {  	v40 =	vand.u32 $0x7, v40  }
0x180: {  	v40 =	vor.u32 v40, v41  }
0x181: {  	v41 =	vperm.xlane v40, v37;
	_ =	sdelay $0x1  }
0x182: {  	v41 =	vadd.s32 v38, v41;
	_ =	sdelay $0x3  }
0x183: {  	s5 =	simm.s32 $0x15600;
	v40 =	vperm.xlane v40, v39  }
0x184: {  	[hbm4b:s2+s3] =	stream.indirect_vreg.scatter [tilespmem:s5], [sflag:$0x3], $0x80, v41, vm0, $0xb8;
	[tilespmem:$0x18600] =	vst v63  }
0x185: {  	s20 =	simm.s32 $0x15E00;
	v40 =	vadd.s32 v38, v40  }
0x186: {  	[hbm4b:s8+s3] =	stream.indirect_vreg.scatter [tilespmem:s20], [sflag:$0x3], $0x80, v41, vm0, $0xb8;
	[tilespmem:$0x18600] =	vst v63  }
0x187: {  	s21 =	simm.s32 $0x16600  }
0x188: {  	[hbm4b:s9+s3] =	stream.indirect_vreg.scatter [tilespmem:s21], [sflag:$0x3], $0x80, v41, vm0, $0xb8;
	[tilespmem:$0x18600] =	vst v63  }
0x189: {  	s22 =	simm.s32 $0x16E00  }
0x18a: {  	[hbm4b:s2+s3] =	stream.indirect_vreg.scatter [tilespmem:s22], [sflag:$0x3], $0x80, v40, vm0, $0xb8;
	[tilespmem:$0x18600] =	vst v63  }
0x18b: {  	s23 =	simm.s32 $0x17600  }
0x18c: {  	[hbm4b:s8+s3] =	stream.indirect_vreg.scatter [tilespmem:s23], [sflag:$0x3], $0x80, v40, vm0, $0xb8;
	[tilespmem:$0x18600] =	vst v63  }
0x18d: {  	s28 =	simm.s32 $0x17E00;
	s25 =	simm.s32 $0x2  }
0x18e: {  	[hbm4b:s9+s3] =	stream.indirect_vreg.scatter [tilespmem:s28], [sflag:$0x3], $0x80, v40, vm0, $0xb8;
	[tilespmem:$0x18600] =	vst v63  }
0x18f: {  	_ =	swait.ge [sflag:s25], $0xC000  }
0x190: {  	[sflag:s25] =	ssyncset.done $0x0  }
0x191: {  	[sflag:s25] =	ssyncadd.s32 $0xFFFF4000  }
0x192: {  	v60 =	vld [tilespmem:$0x100]  }
0x193: {  	v61 =	vld [tilespmem:$0x110];
	_ =	sdelay $0x3  }
0x194: {  	vm1 =	vgt.s32 v60, $0x0  }
0x195: {  	v40 =	vnsel vm1, $0x0, v60;
	vm1 =	vgt.s32 v61, $0x0  }
0x196: {  	v40 =	vmin.u32 v40, $0xA5;
	v41 =	vnsel vm1, $0x0, v61  }
0x197: {  	[tilespmem:$0x500] =	vst v9;
	v40 =	vshll.u32 v40, $0x4;
	v41 =	vmin.u32 v41, $0xA5  }
0x198: {  	[tilespmem:$0x510] =	vst v10;
	v40 =	vadd.s32 v0, v40;
	v62 =	vshll.u32 v41, $0x4  }
0x199: {  	[tilespmem:$0x480] =	vst v40;
	v40 =	vadd.s32 v0, v62  }
0x19a: {  	v63 =	vld [tilespmem:$0x120];
	[tilespmem:$0x490] =	vst v40  }
0x19b: {  	v45 =	vld [tilespmem:$0x480];
	_ =	sdelay $0x4  }
0x19c: {  	v46 =	vld [tilespmem:$0x130];
	v47 =	vshrl.u32 v45, $0x3  }
0x19d: {  	v43 =	vmul.u32 $0x30, v47  }
0x19e: {  	v41 =	vand.u32 $0x7, v45  }
0x19f: {  	v41 =	vor.u32 v41, v43  }
0x1a0: {  	vm1 =	vgt.s32 v63, $0x0;
	v43 =	vperm.xlane v41, v37  }
0x1a1: {  	v40 =	vnsel vm1, $0x0, v63;
	vm1 =	vgt.s32 v46, $0x0  }
0x1a2: {  	v40 =	vmin.u32 v40, $0xA5;
	v42 =	vnsel vm1, $0x0, v46;
	v43 =	vadd.s32 v38, v43  }
0x1a3: {  	[tilespmem:$0x520] =	vst v11;
	v40 =	vshll.u32 v40, $0x4;
	v42 =	vmin.u32 v42, $0xA5  }
0x1a4: {  	[tilespmem:$0x530] =	vst v12;
	v40 =	vadd.s32 v0, v40;
	v48 =	vshll.u32 v42, $0x4  }
0x1a5: {  	[tilespmem:$0x4A0] =	vst v40;
	v40 =	vadd.s32 v0, v48  }
0x1a6: {  	s28 =	simm.s32 $0x600;
	v49 =	vperm.xlane v41, v39;
	[tilespmem:$0x4B0] =	vst v40  }
0x1a7: {  	[tilespmem:s28], [sflag:$0x1] =	stream.indirect_vreg.gather [hbm4b:s4+s3], $0x80, v43, vm0, $0xb8;
	[tilespmem:$0x18600] =	vst v63  }
0x1a8: {  	s5 =	simm.s32 $0xE00;
	v40 =	vadd.s32 v38, v49  }
0x1a9: {  	[tilespmem:s5], [sflag:$0x1] =	stream.indirect_vreg.gather [hbm4b:s6+s3], $0x80, v43, vm0, $0xb8;
	[tilespmem:$0x18600] =	vst v63  }
0x1aa: {  	s0 =	simm.s32 $0x1600  }
0x1ab: {  	[tilespmem:s0], [sflag:$0x1] =	stream.indirect_vreg.gather [hbm4b:s7+s3], $0x80, v43, vm0, $0xb8;
	[tilespmem:$0x18600] =	vst v63  }
0x1ac: {  	s1 =	simm.s32 $0x1E00  }
0x1ad: {  	[tilespmem:s1], [sflag:$0x1] =	stream.indirect_vreg.gather [hbm4b:s4+s3], $0x80, v40, vm0, $0xb8;
	[tilespmem:$0x18600] =	vst v63  }
0x1ae: {  	s10 =	simm.s32 $0x2600  }
0x1af: {  	[tilespmem:s10], [sflag:$0x1] =	stream.indirect_vreg.gather [hbm4b:s6+s3], $0x80, v40, vm0, $0xb8;
	[tilespmem:$0x18600] =	vst v63  }
0x1b0: {  	s23 =	simm.s32 $0x2E00  }
0x1b1: {  	[tilespmem:s23], [sflag:$0x1] =	stream.indirect_vreg.gather [hbm4b:s7+s3], $0x80, v40, vm0, $0xb8;
	[tilespmem:$0x18600] =	vst v63  }
0x1b2: {  	v40 =	vld [tilespmem:$0x490];
	_ =	sdelay $0x4  }
0x1b3: {  	v50 =	vshrl.u32 v40, $0x3  }
0x1b4: {  	v41 =	vmul.u32 $0x30, v50  }
0x1b5: {  	v40 =	vand.u32 $0x7, v40  }
0x1b6: {  	v40 =	vor.u32 v40, v41  }
0x1b7: {  	v41 =	vperm.xlane v40, v37;
	_ =	sdelay $0x1  }
0x1b8: {  	v41 =	vadd.s32 v38, v41;
	_ =	sdelay $0x3  }
0x1b9: {  	s24 =	simm.s32 $0x3600;
	v40 =	vperm.xlane v40, v39  }
0x1ba: {  	[tilespmem:s24], [sflag:$0x1] =	stream.indirect_vreg.gather [hbm4b:s4+s3], $0x80, v41, vm0, $0xb8;
	[tilespmem:$0x18600] =	vst v63  }
0x1bb: {  	s11 =	simm.s32 $0x3E00;
	v40 =	vadd.s32 v38, v40  }
0x1bc: {  	[tilespmem:s11], [sflag:$0x1] =	stream.indirect_vreg.gather [hbm4b:s6+s3], $0x80, v41, vm0, $0xb8;
	[tilespmem:$0x18600] =	vst v63  }
0x1bd: {  	s12 =	simm.s32 $0x4600  }
0x1be: {  	[tilespmem:s12], [sflag:$0x1] =	stream.indirect_vreg.gather [hbm4b:s7+s3], $0x80, v41, vm0, $0xb8;
	[tilespmem:$0x18600] =	vst v63  }
0x1bf: {  	s13 =	simm.s32 $0x4E00  }
0x1c0: {  	[tilespmem:s13], [sflag:$0x1] =	stream.indirect_vreg.gather [hbm4b:s4+s3], $0x80, v40, vm0, $0xb8;
	[tilespmem:$0x18600] =	vst v63  }
0x1c1: {  	s14 =	simm.s32 $0x5600  }
0x1c2: {  	[tilespmem:s14], [sflag:$0x1] =	stream.indirect_vreg.gather [hbm4b:s6+s3], $0x80, v40, vm0, $0xb8;
	[tilespmem:$0x18600] =	vst v63  }
0x1c3: {  	s25 =	simm.s32 $0x5E00  }
0x1c4: {  	[tilespmem:s25], [sflag:$0x1] =	stream.indirect_vreg.gather [hbm4b:s7+s3], $0x80, v40, vm0, $0xb8;
	[tilespmem:$0x18600] =	vst v63  }
0x1c5: {  	v40 =	vld [tilespmem:$0x4A0];
	_ =	sdelay $0x4  }
0x1c6: {  	v51 =	vshrl.u32 v40, $0x3  }
0x1c7: {  	v41 =	vmul.u32 $0x30, v51  }
0x1c8: {  	v40 =	vand.u32 $0x7, v40  }
0x1c9: {  	v40 =	vor.u32 v40, v41  }
0x1ca: {  	v41 =	vperm.xlane v40, v37;
	_ =	sdelay $0x1  }
0x1cb: {  	v41 =	vadd.s32 v38, v41;
	_ =	sdelay $0x3  }
0x1cc: {  	s29 =	simm.s32 $0x6600;
	v40 =	vperm.xlane v40, v39  }
0x1cd: {  	[tilespmem:s29], [sflag:$0x1] =	stream.indirect_vreg.gather [hbm4b:s4+s3], $0x80, v41, vm0, $0xb8;
	[tilespmem:$0x18600] =	vst v63  }
0x1ce: {  	s15 =	simm.s32 $0x6E00;
	v40 =	vadd.s32 v38, v40  }
0x1cf: {  	[tilespmem:s15], [sflag:$0x1] =	stream.indirect_vreg.gather [hbm4b:s6+s3], $0x80, v41, vm0, $0xb8;
	[tilespmem:$0x18600] =	vst v63  }
0x1d0: {  	s16 =	simm.s32 $0x7600  }
0x1d1: {  	[tilespmem:s16], [sflag:$0x1] =	stream.indirect_vreg.gather [hbm4b:s7+s3], $0x80, v41, vm0, $0xb8;
	[tilespmem:$0x18600] =	vst v63  }
0x1d2: {  	s17 =	simm.s32 $0x7E00  }
0x1d3: {  	[tilespmem:s17], [sflag:$0x1] =	stream.indirect_vreg.gather [hbm4b:s4+s3], $0x80, v40, vm0, $0xb8;
	[tilespmem:$0x18600] =	vst v63  }
0x1d4: {  	s18 =	simm.s32 $0x8600  }
0x1d5: {  	[tilespmem:s18], [sflag:$0x1] =	stream.indirect_vreg.gather [hbm4b:s6+s3], $0x80, v40, vm0, $0xb8;
	[tilespmem:$0x18600] =	vst v63  }
0x1d6: {  	s30 =	simm.s32 $0x8E00  }
0x1d7: {  	[tilespmem:s30], [sflag:$0x1] =	stream.indirect_vreg.gather [hbm4b:s7+s3], $0x80, v40, vm0, $0xb8;
	[tilespmem:$0x18600] =	vst v63  }
0x1d8: {  	v40 =	vld [tilespmem:$0x4B0];
	_ =	sdelay $0x4  }
0x1d9: {  	v52 =	vshrl.u32 v40, $0x3  }
0x1da: {  	v41 =	vmul.u32 $0x30, v52  }
0x1db: {  	v40 =	vand.u32 $0x7, v40  }
0x1dc: {  	v40 =	vor.u32 v40, v41  }
0x1dd: {  	v41 =	vperm.xlane v40, v37;
	_ =	sdelay $0x1  }
0x1de: {  	v41 =	vadd.s32 v38, v41;
	_ =	sdelay $0x3  }
0x1df: {  	s31 =	simm.s32 $0x9600;
	v40 =	vperm.xlane v40, v39  }
0x1e0: {  	[tilespmem:s31], [sflag:$0x1] =	stream.indirect_vreg.gather [hbm4b:s4+s3], $0x80, v41, vm0, $0xb8;
	[tilespmem:$0x18600] =	vst v63  }
0x1e1: {  	s19 =	simm.s32 $0x9E00;
	v40 =	vadd.s32 v38, v40  }
0x1e2: {  	[tilespmem:s19], [sflag:$0x1] =	stream.indirect_vreg.gather [hbm4b:s6+s3], $0x80, v41, vm0, $0xb8;
	[tilespmem:$0x18600] =	vst v63  }
0x1e3: {  	s20 =	simm.s32 $0xA600  }
0x1e4: {  	[tilespmem:s20], [sflag:$0x1] =	stream.indirect_vreg.gather [hbm4b:s7+s3], $0x80, v41, vm0, $0xb8;
	[tilespmem:$0x18600] =	vst v63  }
0x1e5: {  	s21 =	simm.s32 $0xAE00  }
0x1e6: {  	[tilespmem:s21], [sflag:$0x1] =	stream.indirect_vreg.gather [hbm4b:s4+s3], $0x80, v40, vm0, $0xb8;
	[tilespmem:$0x18600] =	vst v63  }
0x1e7: {  	s22 =	simm.s32 $0xB600  }
0x1e8: {  	[tilespmem:s22], [sflag:$0x1] =	stream.indirect_vreg.gather [hbm4b:s6+s3], $0x80, v40, vm0, $0xb8;
	[tilespmem:$0x18600] =	vst v63  }
0x1e9: {  	s26 =	simm.s32 $0xBE00  }
0x1ea: {  	[tilespmem:s26], [sflag:$0x1] =	stream.indirect_vreg.gather [hbm4b:s7+s3], $0x80, v40, vm0, $0xb8;
	[tilespmem:$0x18600] =	vst v63  }
0x1eb: {  	s26 =	simm.s32 $0x1  }
0x1ec: {  	_ =	swait.ge [sflag:s26], $0xC000  }
0x1ed: {  	[sflag:s26] =	ssyncset.done $0x0  }
0x1ee: {  	[sflag:s26] =	ssyncadd.s32 $0xFFFF4000  }
0x1ef: {  	v53 =	vld [tilespmem:$0x500];
	_ =	sdelay $0x4  }
0x1f0: {  	v54 =	vshrl.u32 v53, $0x3  }
0x1f1: {  	v41 =	vmul.u32 $0x30, v54  }
0x1f2: {  	v40 =	vand.u32 $0x7, v53  }
0x1f3: {  	v40 =	vor.u32 v40, v41  }
0x1f4: {  	v41 =	vperm.xlane v40, v37;
	_ =	sdelay $0x1  }
0x1f5: {  	v41 =	vadd.s32 v38, v41;
	_ =	sdelay $0x3  }
0x1f6: {  	v40 =	vperm.xlane v40, v39  }
0x1f7: {  	[hbm4b:s2+s3] =	stream.indirect_vreg.scatter [tilespmem:s28], [sflag:$0x2], $0x80, v41, vm0, $0xb8;
	[tilespmem:$0x18600] =	vst v63  }
0x1f8: {  	v40 =	vadd.s32 v38, v40  }
0x1f9: {  	[hbm4b:s8+s3] =	stream.indirect_vreg.scatter [tilespmem:s5], [sflag:$0x2], $0x80, v41, vm0, $0xb8;
	[tilespmem:$0x18600] =	vst v63  }
0x1fa: {  	_ = 	snop  }
0x1fb: {  	[hbm4b:s9+s3] =	stream.indirect_vreg.scatter [tilespmem:s0], [sflag:$0x2], $0x80, v41, vm0, $0xb8;
	[tilespmem:$0x18600] =	vst v63  }
0x1fc: {  	_ = 	snop  }
0x1fd: {  	[hbm4b:s2+s3] =	stream.indirect_vreg.scatter [tilespmem:s1], [sflag:$0x2], $0x80, v40, vm0, $0xb8;
	[tilespmem:$0x18600] =	vst v63  }
0x1fe: {  	_ = 	snop  }
0x1ff: {  	[hbm4b:s8+s3] =	stream.indirect_vreg.scatter [tilespmem:s10], [sflag:$0x2], $0x80, v40, vm0, $0xb8;
	[tilespmem:$0x18600] =	vst v63  }
0x200: {  	_ = 	snop  }
0x201: {  	[hbm4b:s9+s3] =	stream.indirect_vreg.scatter [tilespmem:s23], [sflag:$0x2], $0x80, v40, vm0, $0xb8;
	[tilespmem:$0x18600] =	vst v63  }
0x202: {  	v40 =	vld [tilespmem:$0x510];
	_ =	sdelay $0x4  }
0x203: {  	v55 =	vshrl.u32 v40, $0x3  }
0x204: {  	v41 =	vmul.u32 $0x30, v55  }
0x205: {  	v40 =	vand.u32 $0x7, v40  }
0x206: {  	v40 =	vor.u32 v40, v41  }
0x207: {  	v41 =	vperm.xlane v40, v37;
	_ =	sdelay $0x1  }
0x208: {  	v41 =	vadd.s32 v38, v41;
	_ =	sdelay $0x3  }
0x209: {  	v40 =	vperm.xlane v40, v39  }
0x20a: {  	[hbm4b:s2+s3] =	stream.indirect_vreg.scatter [tilespmem:s24], [sflag:$0x2], $0x80, v41, vm0, $0xb8;
	[tilespmem:$0x18600] =	vst v63  }
0x20b: {  	v40 =	vadd.s32 v38, v40  }
0x20c: {  	[hbm4b:s8+s3] =	stream.indirect_vreg.scatter [tilespmem:s11], [sflag:$0x2], $0x80, v41, vm0, $0xb8;
	[tilespmem:$0x18600] =	vst v63  }
0x20d: {  	_ = 	snop  }
0x20e: {  	[hbm4b:s9+s3] =	stream.indirect_vreg.scatter [tilespmem:s12], [sflag:$0x2], $0x80, v41, vm0, $0xb8;
	[tilespmem:$0x18600] =	vst v63  }
0x20f: {  	_ = 	snop  }
0x210: {  	[hbm4b:s2+s3] =	stream.indirect_vreg.scatter [tilespmem:s13], [sflag:$0x2], $0x80, v40, vm0, $0xb8;
	[tilespmem:$0x18600] =	vst v63  }
0x211: {  	_ = 	snop  }
0x212: {  	[hbm4b:s8+s3] =	stream.indirect_vreg.scatter [tilespmem:s14], [sflag:$0x2], $0x80, v40, vm0, $0xb8;
	[tilespmem:$0x18600] =	vst v63  }
0x213: {  	_ = 	snop  }
0x214: {  	[hbm4b:s9+s3] =	stream.indirect_vreg.scatter [tilespmem:s25], [sflag:$0x2], $0x80, v40, vm0, $0xb8;
	[tilespmem:$0x18600] =	vst v63  }
0x215: {  	v40 =	vld [tilespmem:$0x520];
	_ =	sdelay $0x4  }
0x216: {  	v56 =	vshrl.u32 v40, $0x3  }
0x217: {  	v41 =	vmul.u32 $0x30, v56  }
0x218: {  	v40 =	vand.u32 $0x7, v40  }
0x219: {  	v40 =	vor.u32 v40, v41  }
0x21a: {  	v41 =	vperm.xlane v40, v37;
	_ =	sdelay $0x1  }
0x21b: {  	v41 =	vadd.s32 v38, v41;
	_ =	sdelay $0x3  }
0x21c: {  	v40 =	vperm.xlane v40, v39  }
0x21d: {  	[hbm4b:s2+s3] =	stream.indirect_vreg.scatter [tilespmem:s29], [sflag:$0x2], $0x80, v41, vm0, $0xb8;
	[tilespmem:$0x18600] =	vst v63  }
0x21e: {  	v40 =	vadd.s32 v38, v40  }
0x21f: {  	[hbm4b:s8+s3] =	stream.indirect_vreg.scatter [tilespmem:s15], [sflag:$0x2], $0x80, v41, vm0, $0xb8;
	[tilespmem:$0x18600] =	vst v63  }
0x220: {  	_ = 	snop  }
0x221: {  	[hbm4b:s9+s3] =	stream.indirect_vreg.scatter [tilespmem:s16], [sflag:$0x2], $0x80, v41, vm0, $0xb8;
	[tilespmem:$0x18600] =	vst v63  }
0x222: {  	_ = 	snop  }
0x223: {  	[hbm4b:s2+s3] =	stream.indirect_vreg.scatter [tilespmem:s17], [sflag:$0x2], $0x80, v40, vm0, $0xb8;
	[tilespmem:$0x18600] =	vst v63  }
0x224: {  	_ = 	snop  }
0x225: {  	[hbm4b:s8+s3] =	stream.indirect_vreg.scatter [tilespmem:s18], [sflag:$0x2], $0x80, v40, vm0, $0xb8;
	[tilespmem:$0x18600] =	vst v63  }
0x226: {  	_ = 	snop  }
0x227: {  	[hbm4b:s9+s3] =	stream.indirect_vreg.scatter [tilespmem:s30], [sflag:$0x2], $0x80, v40, vm0, $0xb8;
	[tilespmem:$0x18600] =	vst v63  }
0x228: {  	v40 =	vld [tilespmem:$0x530];
	_ =	sdelay $0x4  }
0x229: {  	v57 =	vshrl.u32 v40, $0x3  }
0x22a: {  	v41 =	vmul.u32 $0x30, v57  }
0x22b: {  	v40 =	vand.u32 $0x7, v40  }
0x22c: {  	v40 =	vor.u32 v40, v41  }
0x22d: {  	v41 =	vperm.xlane v40, v37;
	_ =	sdelay $0x1  }
0x22e: {  	v41 =	vadd.s32 v38, v41;
	_ =	sdelay $0x3  }
0x22f: {  	v40 =	vperm.xlane v40, v39  }
0x230: {  	[hbm4b:s2+s3] =	stream.indirect_vreg.scatter [tilespmem:s31], [sflag:$0x2], $0x80, v41, vm0, $0xb8;
	[tilespmem:$0x18600] =	vst v63  }
0x231: {  	v40 =	vadd.s32 v38, v40  }
0x232: {  	[hbm4b:s8+s3] =	stream.indirect_vreg.scatter [tilespmem:s19], [sflag:$0x2], $0x80, v41, vm0, $0xb8;
	[tilespmem:$0x18600] =	vst v63  }
0x233: {  	_ = 	snop  }
0x234: {  	[hbm4b:s9+s3] =	stream.indirect_vreg.scatter [tilespmem:s20], [sflag:$0x2], $0x80, v41, vm0, $0xb8;
	[tilespmem:$0x18600] =	vst v63  }
0x235: {  	_ = 	snop  }
0x236: {  	[hbm4b:s2+s3] =	stream.indirect_vreg.scatter [tilespmem:s21], [sflag:$0x2], $0x80, v40, vm0, $0xb8;
	[tilespmem:$0x18600] =	vst v63  }
0x237: {  	_ = 	snop  }
0x238: {  	[hbm4b:s8+s3] =	stream.indirect_vreg.scatter [tilespmem:s22], [sflag:$0x2], $0x80, v40, vm0, $0xb8;
	[tilespmem:$0x18600] =	vst v63  }
0x239: {  	s26 =	simm.s32 $0xBE00;
	s28 =	simm.s32 $0x3  }
0x23a: {  	[hbm4b:s9+s3] =	stream.indirect_vreg.scatter [tilespmem:s26], [sflag:$0x2], $0x80, v40, vm0, $0xb8;
	[tilespmem:$0x18600] =	vst v63  }
0x23b: {  	_ =	swait.ge [sflag:s28], $0xC000  }
0x23c: {  	[sflag:s28] =	ssyncset.done $0x0  }
0x23d: {  	[sflag:s28] =	ssyncadd.s32 $0xFFFF4000  }
0x23e: {  	v58 =	vld [tilespmem:$0x180];
	_ =	sdelay $0x4  }
0x23f: {  	vm1 =	vgt.s32 v58, $0x0  }
0x240: {  	v40 =	vnsel vm1, $0x0, v58  }
0x241: {  	v40 =	vmin.u32 v40, $0xA5  }
0x242: {  	v40 =	vshll.u32 v40, $0x4  }
0x243: {  	v40 =	vadd.s32 v0, v40  }
0x244: {  	[tilespmem:$0x480] =	vst v40  }
0x245: {  	v60 =	vld [tilespmem:$0x480];
	_ =	sdelay $0x1  }
0x246: {  	v59 =	vld [tilespmem:$0x190];
	_ =	sdelay $0x1  }
0x247: {  	v61 =	vld [tilespmem:$0x1A0]  }
0x248: {  	v62 =	vld [tilespmem:$0x1B0];
	v63 =	vshrl.u32 v60, $0x3  }
0x249: {  	v44 =	vmul.u32 $0x30, v63  }
0x24a: {  	vm1 =	vgt.s32 v59, $0x0;
	v41 =	vand.u32 $0x7, v60  }
0x24b: {  	v40 =	vnsel vm1, $0x0, v59;
	v41 =	vor.u32 v41, v44  }
0x24c: {  	[tilespmem:$0x580] =	vst v13;
	vm1 =	vgt.s32 v61, $0x0;
	v40 =	vmin.u32 v40, $0xA5;
	v44 =	vperm.xlane v41, v37  }
0x24d: {  	[tilespmem:$0x590] =	vst v14;
	v42 =	vnsel vm1, $0x0, v61;
	vm1 =	vgt.s32 v62, $0x0;
	v40 =	vshll.u32 v40, $0x4  }
0x24e: {  	[tilespmem:$0x5A0] =	vst v15;
	v42 =	vmin.u32 v42, $0xA5;
	v46 =	vnsel vm1, $0x0, v62;
	v47 =	vadd.s32 v38, v44  }
0x24f: {  	[tilespmem:$0x5B0] =	vst v16;
	v40 =	vadd.s32 v0, v40;
	v45 =	vshll.u32 v42, $0x4;
	v42 =	vmin.u32 v46, $0xA5  }
0x250: {  	[tilespmem:$0x490] =	vst v40;
	v40 =	vadd.s32 v0, v45;
	v48 =	vshll.u32 v42, $0x4  }
0x251: {  	[tilespmem:$0x4A0] =	vst v40;
	v40 =	vadd.s32 v0, v48  }
0x252: {  	s10 =	simm.s32 $0xC600;
	[tilespmem:$0x4B0] =	vst v40;
	v49 =	vperm.xlane v41, v39  }
0x253: {  	[tilespmem:s10], [sflag:$0x1] =	stream.indirect_vreg.gather [hbm4b:s4+s3], $0x80, v47, vm0, $0xb8;
	[tilespmem:$0x18600] =	vst v63  }
0x254: {  	s0 =	simm.s32 $0xCE00;
	v40 =	vadd.s32 v38, v49  }
0x255: {  	[tilespmem:s0], [sflag:$0x1] =	stream.indirect_vreg.gather [hbm4b:s6+s3], $0x80, v47, vm0, $0xb8;
	[tilespmem:$0x18600] =	vst v63  }
0x256: {  	s1 =	simm.s32 $0xD600  }
0x257: {  	[tilespmem:s1], [sflag:$0x1] =	stream.indirect_vreg.gather [hbm4b:s7+s3], $0x80, v47, vm0, $0xb8;
	[tilespmem:$0x18600] =	vst v63  }
0x258: {  	s11 =	simm.s32 $0xDE00  }
0x259: {  	[tilespmem:s11], [sflag:$0x1] =	stream.indirect_vreg.gather [hbm4b:s4+s3], $0x80, v40, vm0, $0xb8;
	[tilespmem:$0x18600] =	vst v63  }
0x25a: {  	s12 =	simm.s32 $0xE600  }
0x25b: {  	[tilespmem:s12], [sflag:$0x1] =	stream.indirect_vreg.gather [hbm4b:s6+s3], $0x80, v40, vm0, $0xb8;
	[tilespmem:$0x18600] =	vst v63  }
0x25c: {  	s23 =	simm.s32 $0xEE00  }
0x25d: {  	[tilespmem:s23], [sflag:$0x1] =	stream.indirect_vreg.gather [hbm4b:s7+s3], $0x80, v40, vm0, $0xb8;
	[tilespmem:$0x18600] =	vst v63  }
0x25e: {  	v40 =	vld [tilespmem:$0x490];
	_ =	sdelay $0x4  }
0x25f: {  	v50 =	vshrl.u32 v40, $0x3  }
0x260: {  	v41 =	vmul.u32 $0x30, v50  }
0x261: {  	v40 =	vand.u32 $0x7, v40  }
0x262: {  	v40 =	vor.u32 v40, v41  }
0x263: {  	v41 =	vperm.xlane v40, v37;
	_ =	sdelay $0x1  }
0x264: {  	v41 =	vadd.s32 v38, v41;
	_ =	sdelay $0x3  }
0x265: {  	s30 =	simm.s32 $0xF600;
	v40 =	vperm.xlane v40, v39  }
0x266: {  	[tilespmem:s30], [sflag:$0x1] =	stream.indirect_vreg.gather [hbm4b:s4+s3], $0x80, v41, vm0, $0xb8;
	[tilespmem:$0x18600] =	vst v63  }
0x267: {  	s13 =	simm.s32 $0xFE00;
	v40 =	vadd.s32 v38, v40  }
0x268: {  	[tilespmem:s13], [sflag:$0x1] =	stream.indirect_vreg.gather [hbm4b:s6+s3], $0x80, v41, vm0, $0xb8;
	[tilespmem:$0x18600] =	vst v63  }
0x269: {  	s14 =	simm.s32 $0x10600  }
0x26a: {  	[tilespmem:s14], [sflag:$0x1] =	stream.indirect_vreg.gather [hbm4b:s7+s3], $0x80, v41, vm0, $0xb8;
	[tilespmem:$0x18600] =	vst v63  }
0x26b: {  	s15 =	simm.s32 $0x10E00  }
0x26c: {  	[tilespmem:s15], [sflag:$0x1] =	stream.indirect_vreg.gather [hbm4b:s4+s3], $0x80, v40, vm0, $0xb8;
	[tilespmem:$0x18600] =	vst v63  }
0x26d: {  	s16 =	simm.s32 $0x11600  }
0x26e: {  	[tilespmem:s16], [sflag:$0x1] =	stream.indirect_vreg.gather [hbm4b:s6+s3], $0x80, v40, vm0, $0xb8;
	[tilespmem:$0x18600] =	vst v63  }
0x26f: {  	s29 =	simm.s32 $0x11E00  }
0x270: {  	[tilespmem:s29], [sflag:$0x1] =	stream.indirect_vreg.gather [hbm4b:s7+s3], $0x80, v40, vm0, $0xb8;
	[tilespmem:$0x18600] =	vst v63  }
0x271: {  	v40 =	vld [tilespmem:$0x4A0];
	_ =	sdelay $0x4  }
0x272: {  	v51 =	vshrl.u32 v40, $0x3  }
0x273: {  	v41 =	vmul.u32 $0x30, v51  }
0x274: {  	v40 =	vand.u32 $0x7, v40  }
0x275: {  	v40 =	vor.u32 v40, v41  }
0x276: {  	v41 =	vperm.xlane v40, v37;
	_ =	sdelay $0x1  }
0x277: {  	v41 =	vadd.s32 v38, v41;
	_ =	sdelay $0x3  }
0x278: {  	s31 =	simm.s32 $0x12600;
	v40 =	vperm.xlane v40, v39  }
0x279: {  	[tilespmem:s31], [sflag:$0x1] =	stream.indirect_vreg.gather [hbm4b:s4+s3], $0x80, v41, vm0, $0xb8;
	[tilespmem:$0x18600] =	vst v63  }
0x27a: {  	s17 =	simm.s32 $0x12E00;
	v40 =	vadd.s32 v38, v40  }
0x27b: {  	[tilespmem:s17], [sflag:$0x1] =	stream.indirect_vreg.gather [hbm4b:s6+s3], $0x80, v41, vm0, $0xb8;
	[tilespmem:$0x18600] =	vst v63  }
0x27c: {  	s18 =	simm.s32 $0x13600  }
0x27d: {  	[tilespmem:s18], [sflag:$0x1] =	stream.indirect_vreg.gather [hbm4b:s7+s3], $0x80, v41, vm0, $0xb8;
	[tilespmem:$0x18600] =	vst v63  }
0x27e: {  	s19 =	simm.s32 $0x13E00  }
0x27f: {  	[tilespmem:s19], [sflag:$0x1] =	stream.indirect_vreg.gather [hbm4b:s4+s3], $0x80, v40, vm0, $0xb8;
	[tilespmem:$0x18600] =	vst v63  }
0x280: {  	s20 =	simm.s32 $0x14600  }
0x281: {  	[tilespmem:s20], [sflag:$0x1] =	stream.indirect_vreg.gather [hbm4b:s6+s3], $0x80, v40, vm0, $0xb8;
	[tilespmem:$0x18600] =	vst v63  }
0x282: {  	s5 =	simm.s32 $0x14E00  }
0x283: {  	[tilespmem:s5], [sflag:$0x1] =	stream.indirect_vreg.gather [hbm4b:s7+s3], $0x80, v40, vm0, $0xb8;
	[tilespmem:$0x18600] =	vst v63  }
0x284: {  	v40 =	vld [tilespmem:$0x4B0];
	_ =	sdelay $0x4  }
0x285: {  	v52 =	vshrl.u32 v40, $0x3  }
0x286: {  	v41 =	vmul.u32 $0x30, v52  }
0x287: {  	v40 =	vand.u32 $0x7, v40  }
0x288: {  	v40 =	vor.u32 v40, v41  }
0x289: {  	v41 =	vperm.xlane v40, v37;
	_ =	sdelay $0x1  }
0x28a: {  	v41 =	vadd.s32 v38, v41;
	_ =	sdelay $0x3  }
0x28b: {  	s29 =	simm.s32 $0x15600;
	v40 =	vperm.xlane v40, v39  }
0x28c: {  	[tilespmem:s29], [sflag:$0x1] =	stream.indirect_vreg.gather [hbm4b:s4+s3], $0x80, v41, vm0, $0xb8;
	[tilespmem:$0x18600] =	vst v63  }
0x28d: {  	s21 =	simm.s32 $0x15E00;
	v40 =	vadd.s32 v38, v40  }
0x28e: {  	[tilespmem:s21], [sflag:$0x1] =	stream.indirect_vreg.gather [hbm4b:s6+s3], $0x80, v41, vm0, $0xb8;
	[tilespmem:$0x18600] =	vst v63  }
0x28f: {  	s22 =	simm.s32 $0x16600  }
0x290: {  	[tilespmem:s22], [sflag:$0x1] =	stream.indirect_vreg.gather [hbm4b:s7+s3], $0x80, v41, vm0, $0xb8;
	[tilespmem:$0x18600] =	vst v63  }
0x291: {  	s24 =	simm.s32 $0x16E00  }
0x292: {  	[tilespmem:s24], [sflag:$0x1] =	stream.indirect_vreg.gather [hbm4b:s4+s3], $0x80, v40, vm0, $0xb8;
	[tilespmem:$0x18600] =	vst v63  }
0x293: {  	s25 =	simm.s32 $0x17600  }
0x294: {  	[tilespmem:s25], [sflag:$0x1] =	stream.indirect_vreg.gather [hbm4b:s6+s3], $0x80, v40, vm0, $0xb8;
	[tilespmem:$0x18600] =	vst v63  }
0x295: {  	s26 =	simm.s32 $0x17E00;
	s28 =	simm.s32 $0x1  }
0x296: {  	[tilespmem:s26], [sflag:$0x1] =	stream.indirect_vreg.gather [hbm4b:s7+s3], $0x80, v40, vm0, $0xb8;
	[tilespmem:$0x18600] =	vst v63  }
0x297: {  	_ =	swait.ge [sflag:s28], $0xC000  }
0x298: {  	[sflag:s28] =	ssyncset.done $0x0  }
0x299: {  	[sflag:s28] =	ssyncadd.s32 $0xFFFF4000  }
0x29a: {  	v53 =	vld [tilespmem:$0x580];
	_ =	sdelay $0x4  }
0x29b: {  	v54 =	vshrl.u32 v53, $0x3  }
0x29c: {  	v41 =	vmul.u32 $0x30, v54  }
0x29d: {  	v40 =	vand.u32 $0x7, v53  }
0x29e: {  	v40 =	vor.u32 v40, v41  }
0x29f: {  	v41 =	vperm.xlane v40, v37;
	_ =	sdelay $0x1  }
0x2a0: {  	v41 =	vadd.s32 v38, v41;
	_ =	sdelay $0x3  }
0x2a1: {  	v40 =	vperm.xlane v40, v39  }
0x2a2: {  	[hbm4b:s2+s3] =	stream.indirect_vreg.scatter [tilespmem:s10], [sflag:$0x3], $0x80, v41, vm0, $0xb8;
	[tilespmem:$0x18600] =	vst v63  }
0x2a3: {  	v40 =	vadd.s32 v38, v40  }
0x2a4: {  	[hbm4b:s8+s3] =	stream.indirect_vreg.scatter [tilespmem:s0], [sflag:$0x3], $0x80, v41, vm0, $0xb8;
	[tilespmem:$0x18600] =	vst v63  }
0x2a5: {  	_ = 	snop  }
0x2a6: {  	[hbm4b:s9+s3] =	stream.indirect_vreg.scatter [tilespmem:s1], [sflag:$0x3], $0x80, v41, vm0, $0xb8;
	[tilespmem:$0x18600] =	vst v63  }
0x2a7: {  	_ = 	snop  }
0x2a8: {  	[hbm4b:s2+s3] =	stream.indirect_vreg.scatter [tilespmem:s11], [sflag:$0x3], $0x80, v40, vm0, $0xb8;
	[tilespmem:$0x18600] =	vst v63  }
0x2a9: {  	_ = 	snop  }
0x2aa: {  	[hbm4b:s8+s3] =	stream.indirect_vreg.scatter [tilespmem:s12], [sflag:$0x3], $0x80, v40, vm0, $0xb8;
	[tilespmem:$0x18600] =	vst v63  }
0x2ab: {  	_ = 	snop  }
0x2ac: {  	[hbm4b:s9+s3] =	stream.indirect_vreg.scatter [tilespmem:s23], [sflag:$0x3], $0x80, v40, vm0, $0xb8;
	[tilespmem:$0x18600] =	vst v63  }
0x2ad: {  	v40 =	vld [tilespmem:$0x590];
	_ =	sdelay $0x4  }
0x2ae: {  	v55 =	vshrl.u32 v40, $0x3  }
0x2af: {  	v41 =	vmul.u32 $0x30, v55  }
0x2b0: {  	v40 =	vand.u32 $0x7, v40  }
0x2b1: {  	v40 =	vor.u32 v40, v41  }
0x2b2: {  	v41 =	vperm.xlane v40, v37;
	_ =	sdelay $0x1  }
0x2b3: {  	v41 =	vadd.s32 v38, v41;
	_ =	sdelay $0x3  }
0x2b4: {  	v40 =	vperm.xlane v40, v39  }
0x2b5: {  	[hbm4b:s2+s3] =	stream.indirect_vreg.scatter [tilespmem:s30], [sflag:$0x3], $0x80, v41, vm0, $0xb8;
	[tilespmem:$0x18600] =	vst v63  }
0x2b6: {  	v40 =	vadd.s32 v38, v40  }
0x2b7: {  	[hbm4b:s8+s3] =	stream.indirect_vreg.scatter [tilespmem:s13], [sflag:$0x3], $0x80, v41, vm0, $0xb8;
	[tilespmem:$0x18600] =	vst v63  }
0x2b8: {  	_ = 	snop  }
0x2b9: {  	[hbm4b:s9+s3] =	stream.indirect_vreg.scatter [tilespmem:s14], [sflag:$0x3], $0x80, v41, vm0, $0xb8;
	[tilespmem:$0x18600] =	vst v63  }
0x2ba: {  	_ = 	snop  }
0x2bb: {  	[hbm4b:s2+s3] =	stream.indirect_vreg.scatter [tilespmem:s15], [sflag:$0x3], $0x80, v40, vm0, $0xb8;
	[tilespmem:$0x18600] =	vst v63  }
0x2bc: {  	_ = 	snop  }
0x2bd: {  	[hbm4b:s8+s3] =	stream.indirect_vreg.scatter [tilespmem:s16], [sflag:$0x3], $0x80, v40, vm0, $0xb8;
	[tilespmem:$0x18600] =	vst v63  }
0x2be: {  	s30 =	simm.s32 $0x11E00  }
0x2bf: {  	[hbm4b:s9+s3] =	stream.indirect_vreg.scatter [tilespmem:s30], [sflag:$0x3], $0x80, v40, vm0, $0xb8;
	[tilespmem:$0x18600] =	vst v63  }
0x2c0: {  	v40 =	vld [tilespmem:$0x5A0];
	_ =	sdelay $0x4  }
0x2c1: {  	v56 =	vshrl.u32 v40, $0x3  }
0x2c2: {  	v41 =	vmul.u32 $0x30, v56  }
0x2c3: {  	v40 =	vand.u32 $0x7, v40  }
0x2c4: {  	v40 =	vor.u32 v40, v41  }
0x2c5: {  	v41 =	vperm.xlane v40, v37;
	_ =	sdelay $0x1  }
0x2c6: {  	v41 =	vadd.s32 v38, v41;
	_ =	sdelay $0x3  }
0x2c7: {  	v40 =	vperm.xlane v40, v39  }
0x2c8: {  	[hbm4b:s2+s3] =	stream.indirect_vreg.scatter [tilespmem:s31], [sflag:$0x3], $0x80, v41, vm0, $0xb8;
	[tilespmem:$0x18600] =	vst v63  }
0x2c9: {  	v40 =	vadd.s32 v38, v40  }
0x2ca: {  	[hbm4b:s8+s3] =	stream.indirect_vreg.scatter [tilespmem:s17], [sflag:$0x3], $0x80, v41, vm0, $0xb8;
	[tilespmem:$0x18600] =	vst v63  }
0x2cb: {  	_ = 	snop  }
0x2cc: {  	[hbm4b:s9+s3] =	stream.indirect_vreg.scatter [tilespmem:s18], [sflag:$0x3], $0x80, v41, vm0, $0xb8;
	[tilespmem:$0x18600] =	vst v63  }
0x2cd: {  	_ = 	snop  }
0x2ce: {  	[hbm4b:s2+s3] =	stream.indirect_vreg.scatter [tilespmem:s19], [sflag:$0x3], $0x80, v40, vm0, $0xb8;
	[tilespmem:$0x18600] =	vst v63  }
0x2cf: {  	_ = 	snop  }
0x2d0: {  	[hbm4b:s8+s3] =	stream.indirect_vreg.scatter [tilespmem:s20], [sflag:$0x3], $0x80, v40, vm0, $0xb8;
	[tilespmem:$0x18600] =	vst v63  }
0x2d1: {  	_ = 	snop  }
0x2d2: {  	[hbm4b:s9+s3] =	stream.indirect_vreg.scatter [tilespmem:s5], [sflag:$0x3], $0x80, v40, vm0, $0xb8;
	[tilespmem:$0x18600] =	vst v63  }
0x2d3: {  	v40 =	vld [tilespmem:$0x5B0];
	_ =	sdelay $0x4  }
0x2d4: {  	v57 =	vshrl.u32 v40, $0x3  }
0x2d5: {  	v41 =	vmul.u32 $0x30, v57  }
0x2d6: {  	v40 =	vand.u32 $0x7, v40  }
0x2d7: {  	v40 =	vor.u32 v40, v41  }
0x2d8: {  	v41 =	vperm.xlane v40, v37;
	_ =	sdelay $0x1  }
0x2d9: {  	v41 =	vadd.s32 v38, v41;
	_ =	sdelay $0x3  }
0x2da: {  	v40 =	vperm.xlane v40, v39  }
0x2db: {  	[hbm4b:s2+s3] =	stream.indirect_vreg.scatter [tilespmem:s29], [sflag:$0x3], $0x80, v41, vm0, $0xb8;
	[tilespmem:$0x18600] =	vst v63  }
0x2dc: {  	v40 =	vadd.s32 v38, v40  }
0x2dd: {  	[hbm4b:s8+s3] =	stream.indirect_vreg.scatter [tilespmem:s21], [sflag:$0x3], $0x80, v41, vm0, $0xb8;
	[tilespmem:$0x18600] =	vst v63  }
0x2de: {  	_ = 	snop  }
0x2df: {  	[hbm4b:s9+s3] =	stream.indirect_vreg.scatter [tilespmem:s22], [sflag:$0x3], $0x80, v41, vm0, $0xb8;
	[tilespmem:$0x18600] =	vst v63  }
0x2e0: {  	_ = 	snop  }
0x2e1: {  	[hbm4b:s2+s3] =	stream.indirect_vreg.scatter [tilespmem:s24], [sflag:$0x3], $0x80, v40, vm0, $0xb8;
	[tilespmem:$0x18600] =	vst v63  }
0x2e2: {  	_ = 	snop  }
0x2e3: {  	[hbm4b:s8+s3] =	stream.indirect_vreg.scatter [tilespmem:s25], [sflag:$0x3], $0x80, v40, vm0, $0xb8;
	[tilespmem:$0x18600] =	vst v63  }
0x2e4: {  	s1 =	simm.s32 $0x2  }
0x2e5: {  	[hbm4b:s9+s3] =	stream.indirect_vreg.scatter [tilespmem:s26], [sflag:$0x3], $0x80, v40, vm0, $0xb8;
	[tilespmem:$0x18600] =	vst v63  }
0x2e6: {  	_ =	swait.ge [sflag:s1], $0xC000  }
0x2e7: {  	[sflag:s1] =	ssyncset.done $0x0  }
0x2e8: {  	[sflag:s1] =	ssyncadd.s32 $0xFFFF4000  }
0x2e9: {  	v58 =	vld [tilespmem:$0x200];
	_ =	sdelay $0x4  }
0x2ea: {  	vm1 =	vgt.s32 v58, $0x0  }
0x2eb: {  	v40 =	vnsel vm1, $0x0, v58  }
0x2ec: {  	v40 =	vmin.u32 v40, $0xA5  }
0x2ed: {  	v40 =	vshll.u32 v40, $0x4  }
0x2ee: {  	v40 =	vadd.s32 v0, v40  }
0x2ef: {  	[tilespmem:$0x480] =	vst v40  }
0x2f0: {  	v60 =	vld [tilespmem:$0x480];
	_ =	sdelay $0x1  }
0x2f1: {  	v59 =	vld [tilespmem:$0x210];
	_ =	sdelay $0x1  }
0x2f2: {  	v61 =	vld [tilespmem:$0x220]  }
0x2f3: {  	v62 =	vld [tilespmem:$0x230];
	v63 =	vshrl.u32 v60, $0x3  }
0x2f4: {  	v44 =	vmul.u32 $0x30, v63  }
0x2f5: {  	vm1 =	vgt.s32 v59, $0x0;
	v41 =	vand.u32 $0x7, v60  }
0x2f6: {  	v40 =	vnsel vm1, $0x0, v59;
	v41 =	vor.u32 v41, v44  }
0x2f7: {  	[tilespmem:$0x500] =	vst v17;
	vm1 =	vgt.s32 v61, $0x0;
	v40 =	vmin.u32 v40, $0xA5;
	v44 =	vperm.xlane v41, v37  }
0x2f8: {  	[tilespmem:$0x510] =	vst v18;
	v42 =	vnsel vm1, $0x0, v61;
	vm1 =	vgt.s32 v62, $0x0;
	v40 =	vshll.u32 v40, $0x4  }
0x2f9: {  	[tilespmem:$0x520] =	vst v19;
	v42 =	vmin.u32 v42, $0xA5;
	v46 =	vnsel vm1, $0x0, v62;
	v47 =	vadd.s32 v38, v44  }
0x2fa: {  	[tilespmem:$0x530] =	vst v20;
	v40 =	vadd.s32 v0, v40;
	v45 =	vshll.u32 v42, $0x4;
	v42 =	vmin.u32 v46, $0xA5  }
0x2fb: {  	[tilespmem:$0x490] =	vst v40;
	v40 =	vadd.s32 v0, v45;
	v48 =	vshll.u32 v42, $0x4  }
0x2fc: {  	[tilespmem:$0x4A0] =	vst v40;
	v40 =	vadd.s32 v0, v48  }
0x2fd: {  	s1 =	simm.s32 $0x600;
	[tilespmem:$0x4B0] =	vst v40;
	v49 =	vperm.xlane v41, v39  }
0x2fe: {  	[tilespmem:s1], [sflag:$0x1] =	stream.indirect_vreg.gather [hbm4b:s4+s3], $0x80, v47, vm0, $0xb8;
	[tilespmem:$0x18600] =	vst v63  }
0x2ff: {  	s10 =	simm.s32 $0xE00;
	v40 =	vadd.s32 v38, v49  }
0x300: {  	[tilespmem:s10], [sflag:$0x1] =	stream.indirect_vreg.gather [hbm4b:s6+s3], $0x80, v47, vm0, $0xb8;
	[tilespmem:$0x18600] =	vst v63  }
0x301: {  	s5 =	simm.s32 $0x1600  }
0x302: {  	[tilespmem:s5], [sflag:$0x1] =	stream.indirect_vreg.gather [hbm4b:s7+s3], $0x80, v47, vm0, $0xb8;
	[tilespmem:$0x18600] =	vst v63  }
0x303: {  	s11 =	simm.s32 $0x1E00  }
0x304: {  	[tilespmem:s11], [sflag:$0x1] =	stream.indirect_vreg.gather [hbm4b:s4+s3], $0x80, v40, vm0, $0xb8;
	[tilespmem:$0x18600] =	vst v63  }
0x305: {  	s12 =	simm.s32 $0x2600  }
0x306: {  	[tilespmem:s12], [sflag:$0x1] =	stream.indirect_vreg.gather [hbm4b:s6+s3], $0x80, v40, vm0, $0xb8;
	[tilespmem:$0x18600] =	vst v63  }
0x307: {  	s26 =	simm.s32 $0x2E00  }
0x308: {  	[tilespmem:s26], [sflag:$0x1] =	stream.indirect_vreg.gather [hbm4b:s7+s3], $0x80, v40, vm0, $0xb8;
	[tilespmem:$0x18600] =	vst v63  }
0x309: {  	v40 =	vld [tilespmem:$0x490];
	_ =	sdelay $0x4  }
0x30a: {  	v50 =	vshrl.u32 v40, $0x3  }
0x30b: {  	v41 =	vmul.u32 $0x30, v50  }
0x30c: {  	v40 =	vand.u32 $0x7, v40  }
0x30d: {  	v40 =	vor.u32 v40, v41  }
0x30e: {  	v41 =	vperm.xlane v40, v37;
	_ =	sdelay $0x1  }
0x30f: {  	v41 =	vadd.s32 v38, v41;
	_ =	sdelay $0x3  }
0x310: {  	s20 =	simm.s32 $0x3600;
	v40 =	vperm.xlane v40, v39  }
0x311: {  	[tilespmem:s20], [sflag:$0x1] =	stream.indirect_vreg.gather [hbm4b:s4+s3], $0x80, v41, vm0, $0xb8;
	[tilespmem:$0x18600] =	vst v63  }
0x312: {  	s13 =	simm.s32 $0x3E00;
	v40 =	vadd.s32 v38, v40  }
0x313: {  	[tilespmem:s13], [sflag:$0x1] =	stream.indirect_vreg.gather [hbm4b:s6+s3], $0x80, v41, vm0, $0xb8;
	[tilespmem:$0x18600] =	vst v63  }
0x314: {  	s14 =	simm.s32 $0x4600  }
0x315: {  	[tilespmem:s14], [sflag:$0x1] =	stream.indirect_vreg.gather [hbm4b:s7+s3], $0x80, v41, vm0, $0xb8;
	[tilespmem:$0x18600] =	vst v63  }
0x316: {  	s5 =	simm.s32 $0x4E00  }
0x317: {  	[tilespmem:s5], [sflag:$0x1] =	stream.indirect_vreg.gather [hbm4b:s4+s3], $0x80, v40, vm0, $0xb8;
	[tilespmem:$0x18600] =	vst v63  }
0x318: {  	s15 =	simm.s32 $0x5600  }
0x319: {  	[tilespmem:s15], [sflag:$0x1] =	stream.indirect_vreg.gather [hbm4b:s6+s3], $0x80, v40, vm0, $0xb8;
	[tilespmem:$0x18600] =	vst v63  }
0x31a: {  	s28 =	simm.s32 $0x5E00  }
0x31b: {  	[tilespmem:s28], [sflag:$0x1] =	stream.indirect_vreg.gather [hbm4b:s7+s3], $0x80, v40, vm0, $0xb8;
	[tilespmem:$0x18600] =	vst v63  }
0x31c: {  	v40 =	vld [tilespmem:$0x4A0];
	_ =	sdelay $0x4  }
0x31d: {  	v51 =	vshrl.u32 v40, $0x3  }
0x31e: {  	v41 =	vmul.u32 $0x30, v51  }
0x31f: {  	v40 =	vand.u32 $0x7, v40  }
0x320: {  	v40 =	vor.u32 v40, v41  }
0x321: {  	v41 =	vperm.xlane v40, v37;
	_ =	sdelay $0x1  }
0x322: {  	v41 =	vadd.s32 v38, v41;
	_ =	sdelay $0x3  }
0x323: {  	s25 =	simm.s32 $0x6600;
	v40 =	vperm.xlane v40, v39  }
0x324: {  	[tilespmem:s25], [sflag:$0x1] =	stream.indirect_vreg.gather [hbm4b:s4+s3], $0x80, v41, vm0, $0xb8;
	[tilespmem:$0x18600] =	vst v63  }
0x325: {  	s21 =	simm.s32 $0x6E00;
	v40 =	vadd.s32 v38, v40  }
0x326: {  	[tilespmem:s21], [sflag:$0x1] =	stream.indirect_vreg.gather [hbm4b:s6+s3], $0x80, v41, vm0, $0xb8;
	[tilespmem:$0x18600] =	vst v63  }
0x327: {  	s16 =	simm.s32 $0x7600  }
0x328: {  	[tilespmem:s16], [sflag:$0x1] =	stream.indirect_vreg.gather [hbm4b:s7+s3], $0x80, v41, vm0, $0xb8;
	[tilespmem:$0x18600] =	vst v63  }
0x329: {  	s22 =	simm.s32 $0x7E00  }
0x32a: {  	[tilespmem:s22], [sflag:$0x1] =	stream.indirect_vreg.gather [hbm4b:s4+s3], $0x80, v40, vm0, $0xb8;
	[tilespmem:$0x18600] =	vst v63  }
0x32b: {  	s17 =	simm.s32 $0x8600  }
0x32c: {  	[tilespmem:s17], [sflag:$0x1] =	stream.indirect_vreg.gather [hbm4b:s6+s3], $0x80, v40, vm0, $0xb8;
	[tilespmem:$0x18600] =	vst v63  }
0x32d: {  	s29 =	simm.s32 $0x8E00  }
0x32e: {  	[tilespmem:s29], [sflag:$0x1] =	stream.indirect_vreg.gather [hbm4b:s7+s3], $0x80, v40, vm0, $0xb8;
	[tilespmem:$0x18600] =	vst v63  }
0x32f: {  	v40 =	vld [tilespmem:$0x4B0];
	_ =	sdelay $0x4  }
0x330: {  	v52 =	vshrl.u32 v40, $0x3  }
0x331: {  	v41 =	vmul.u32 $0x30, v52  }
0x332: {  	v40 =	vand.u32 $0x7, v40  }
0x333: {  	v40 =	vor.u32 v40, v41  }
0x334: {  	v41 =	vperm.xlane v40, v37;
	_ =	sdelay $0x1  }
0x335: {  	v41 =	vadd.s32 v38, v41;
	_ =	sdelay $0x3  }
0x336: {  	s30 =	simm.s32 $0x9600;
	v40 =	vperm.xlane v40, v39  }
0x337: {  	[tilespmem:s30], [sflag:$0x1] =	stream.indirect_vreg.gather [hbm4b:s4+s3], $0x80, v41, vm0, $0xb8;
	[tilespmem:$0x18600] =	vst v63  }
0x338: {  	s23 =	simm.s32 $0x9E00;
	v40 =	vadd.s32 v38, v40  }
0x339: {  	[tilespmem:s23], [sflag:$0x1] =	stream.indirect_vreg.gather [hbm4b:s6+s3], $0x80, v41, vm0, $0xb8;
	[tilespmem:$0x18600] =	vst v63  }
0x33a: {  	s18 =	simm.s32 $0xA600  }
0x33b: {  	[tilespmem:s18], [sflag:$0x1] =	stream.indirect_vreg.gather [hbm4b:s7+s3], $0x80, v41, vm0, $0xb8;
	[tilespmem:$0x18600] =	vst v63  }
0x33c: {  	s24 =	simm.s32 $0xAE00  }
0x33d: {  	[tilespmem:s24], [sflag:$0x1] =	stream.indirect_vreg.gather [hbm4b:s4+s3], $0x80, v40, vm0, $0xb8;
	[tilespmem:$0x18600] =	vst v63  }
0x33e: {  	s19 =	simm.s32 $0xB600  }
0x33f: {  	[tilespmem:s19], [sflag:$0x1] =	stream.indirect_vreg.gather [hbm4b:s6+s3], $0x80, v40, vm0, $0xb8;
	[tilespmem:$0x18600] =	vst v63  }
0x340: {  	s0 =	simm.s32 $0x1;
	s31 =	simm.s32 $0xBE00  }
0x341: {  	[tilespmem:s31], [sflag:$0x1] =	stream.indirect_vreg.gather [hbm4b:s7+s3], $0x80, v40, vm0, $0xb8;
	[tilespmem:$0x18600] =	vst v63  }
0x342: {  	_ =	swait.ge [sflag:s0], $0xC000  }
0x343: {  	[sflag:s0] =	ssyncset.done $0x0  }
0x344: {  	[sflag:s0] =	ssyncadd.s32 $0xFFFF4000  }
0x345: {  	v53 =	vld [tilespmem:$0x500];
	_ =	sdelay $0x4  }
0x346: {  	v54 =	vshrl.u32 v53, $0x3  }
0x347: {  	v41 =	vmul.u32 $0x30, v54  }
0x348: {  	v40 =	vand.u32 $0x7, v53  }
0x349: {  	v40 =	vor.u32 v40, v41  }
0x34a: {  	v41 =	vperm.xlane v40, v37;
	_ =	sdelay $0x1  }
0x34b: {  	v41 =	vadd.s32 v38, v41;
	_ =	sdelay $0x3  }
0x34c: {  	v40 =	vperm.xlane v40, v39  }
0x34d: {  	[hbm4b:s2+s3] =	stream.indirect_vreg.scatter [tilespmem:s1], [sflag:$0x2], $0x80, v41, vm0, $0xb8;
	[tilespmem:$0x18600] =	vst v63  }
0x34e: {  	v40 =	vadd.s32 v38, v40  }
0x34f: {  	[hbm4b:s8+s3] =	stream.indirect_vreg.scatter [tilespmem:s10], [sflag:$0x2], $0x80, v41, vm0, $0xb8;
	[tilespmem:$0x18600] =	vst v63  }
0x350: {  	s10 =	simm.s32 $0x1600  }
0x351: {  	[hbm4b:s9+s3] =	stream.indirect_vreg.scatter [tilespmem:s10], [sflag:$0x2], $0x80, v41, vm0, $0xb8;
	[tilespmem:$0x18600] =	vst v63  }
0x352: {  	_ = 	snop  }
0x353: {  	[hbm4b:s2+s3] =	stream.indirect_vreg.scatter [tilespmem:s11], [sflag:$0x2], $0x80, v40, vm0, $0xb8;
	[tilespmem:$0x18600] =	vst v63  }
0x354: {  	_ = 	snop  }
0x355: {  	[hbm4b:s8+s3] =	stream.indirect_vreg.scatter [tilespmem:s12], [sflag:$0x2], $0x80, v40, vm0, $0xb8;
	[tilespmem:$0x18600] =	vst v63  }
0x356: {  	_ = 	snop  }
0x357: {  	[hbm4b:s9+s3] =	stream.indirect_vreg.scatter [tilespmem:s26], [sflag:$0x2], $0x80, v40, vm0, $0xb8;
	[tilespmem:$0x18600] =	vst v63  }
0x358: {  	v40 =	vld [tilespmem:$0x510];
	_ =	sdelay $0x4  }
0x359: {  	v55 =	vshrl.u32 v40, $0x3  }
0x35a: {  	v41 =	vmul.u32 $0x30, v55  }
0x35b: {  	v40 =	vand.u32 $0x7, v40  }
0x35c: {  	v40 =	vor.u32 v40, v41  }
0x35d: {  	v41 =	vperm.xlane v40, v37;
	_ =	sdelay $0x1  }
0x35e: {  	v41 =	vadd.s32 v38, v41;
	_ =	sdelay $0x3  }
0x35f: {  	v40 =	vperm.xlane v40, v39  }
0x360: {  	[hbm4b:s2+s3] =	stream.indirect_vreg.scatter [tilespmem:s20], [sflag:$0x2], $0x80, v41, vm0, $0xb8;
	[tilespmem:$0x18600] =	vst v63  }
0x361: {  	v40 =	vadd.s32 v38, v40  }
0x362: {  	[hbm4b:s8+s3] =	stream.indirect_vreg.scatter [tilespmem:s13], [sflag:$0x2], $0x80, v41, vm0, $0xb8;
	[tilespmem:$0x18600] =	vst v63  }
0x363: {  	_ = 	snop  }
0x364: {  	[hbm4b:s9+s3] =	stream.indirect_vreg.scatter [tilespmem:s14], [sflag:$0x2], $0x80, v41, vm0, $0xb8;
	[tilespmem:$0x18600] =	vst v63  }
0x365: {  	_ = 	snop  }
0x366: {  	[hbm4b:s2+s3] =	stream.indirect_vreg.scatter [tilespmem:s5], [sflag:$0x2], $0x80, v40, vm0, $0xb8;
	[tilespmem:$0x18600] =	vst v63  }
0x367: {  	_ = 	snop  }
0x368: {  	[hbm4b:s8+s3] =	stream.indirect_vreg.scatter [tilespmem:s15], [sflag:$0x2], $0x80, v40, vm0, $0xb8;
	[tilespmem:$0x18600] =	vst v63  }
0x369: {  	_ = 	snop  }
0x36a: {  	[hbm4b:s9+s3] =	stream.indirect_vreg.scatter [tilespmem:s28], [sflag:$0x2], $0x80, v40, vm0, $0xb8;
	[tilespmem:$0x18600] =	vst v63  }
0x36b: {  	v40 =	vld [tilespmem:$0x520];
	_ =	sdelay $0x4  }
0x36c: {  	v56 =	vshrl.u32 v40, $0x3  }
0x36d: {  	v41 =	vmul.u32 $0x30, v56  }
0x36e: {  	v40 =	vand.u32 $0x7, v40  }
0x36f: {  	v40 =	vor.u32 v40, v41  }
0x370: {  	v41 =	vperm.xlane v40, v37;
	_ =	sdelay $0x1  }
0x371: {  	v41 =	vadd.s32 v38, v41;
	_ =	sdelay $0x3  }
0x372: {  	v40 =	vperm.xlane v40, v39  }
0x373: {  	[hbm4b:s2+s3] =	stream.indirect_vreg.scatter [tilespmem:s25], [sflag:$0x2], $0x80, v41, vm0, $0xb8;
	[tilespmem:$0x18600] =	vst v63  }
0x374: {  	v40 =	vadd.s32 v38, v40  }
0x375: {  	[hbm4b:s8+s3] =	stream.indirect_vreg.scatter [tilespmem:s21], [sflag:$0x2], $0x80, v41, vm0, $0xb8;
	[tilespmem:$0x18600] =	vst v63  }
0x376: {  	_ = 	snop  }
0x377: {  	[hbm4b:s9+s3] =	stream.indirect_vreg.scatter [tilespmem:s16], [sflag:$0x2], $0x80, v41, vm0, $0xb8;
	[tilespmem:$0x18600] =	vst v63  }
0x378: {  	_ = 	snop  }
0x379: {  	[hbm4b:s2+s3] =	stream.indirect_vreg.scatter [tilespmem:s22], [sflag:$0x2], $0x80, v40, vm0, $0xb8;
	[tilespmem:$0x18600] =	vst v63  }
0x37a: {  	_ = 	snop  }
0x37b: {  	[hbm4b:s8+s3] =	stream.indirect_vreg.scatter [tilespmem:s17], [sflag:$0x2], $0x80, v40, vm0, $0xb8;
	[tilespmem:$0x18600] =	vst v63  }
0x37c: {  	_ = 	snop  }
0x37d: {  	[hbm4b:s9+s3] =	stream.indirect_vreg.scatter [tilespmem:s29], [sflag:$0x2], $0x80, v40, vm0, $0xb8;
	[tilespmem:$0x18600] =	vst v63  }
0x37e: {  	v40 =	vld [tilespmem:$0x530];
	_ =	sdelay $0x4  }
0x37f: {  	v57 =	vshrl.u32 v40, $0x3  }
0x380: {  	v41 =	vmul.u32 $0x30, v57  }
0x381: {  	v40 =	vand.u32 $0x7, v40  }
0x382: {  	v40 =	vor.u32 v40, v41  }
0x383: {  	v41 =	vperm.xlane v40, v37;
	_ =	sdelay $0x1  }
0x384: {  	v41 =	vadd.s32 v38, v41;
	_ =	sdelay $0x3  }
0x385: {  	v40 =	vperm.xlane v40, v39  }
0x386: {  	[hbm4b:s2+s3] =	stream.indirect_vreg.scatter [tilespmem:s30], [sflag:$0x2], $0x80, v41, vm0, $0xb8;
	[tilespmem:$0x18600] =	vst v63  }
0x387: {  	v40 =	vadd.s32 v38, v40  }
0x388: {  	[hbm4b:s8+s3] =	stream.indirect_vreg.scatter [tilespmem:s23], [sflag:$0x2], $0x80, v41, vm0, $0xb8;
	[tilespmem:$0x18600] =	vst v63  }
0x389: {  	_ = 	snop  }
0x38a: {  	[hbm4b:s9+s3] =	stream.indirect_vreg.scatter [tilespmem:s18], [sflag:$0x2], $0x80, v41, vm0, $0xb8;
	[tilespmem:$0x18600] =	vst v63  }
0x38b: {  	_ = 	snop  }
0x38c: {  	[hbm4b:s2+s3] =	stream.indirect_vreg.scatter [tilespmem:s24], [sflag:$0x2], $0x80, v40, vm0, $0xb8;
	[tilespmem:$0x18600] =	vst v63  }
0x38d: {  	_ = 	snop  }
0x38e: {  	[hbm4b:s8+s3] =	stream.indirect_vreg.scatter [tilespmem:s19], [sflag:$0x2], $0x80, v40, vm0, $0xb8;
	[tilespmem:$0x18600] =	vst v63  }
0x38f: {  	s25 =	simm.s32 $0x3  }
0x390: {  	[hbm4b:s9+s3] =	stream.indirect_vreg.scatter [tilespmem:s31], [sflag:$0x2], $0x80, v40, vm0, $0xb8;
	[tilespmem:$0x18600] =	vst v63  }
0x391: {  	_ =	swait.ge [sflag:s25], $0xC000  }
0x392: {  	[sflag:s25] =	ssyncset.done $0x0  }
0x393: {  	[sflag:s25] =	ssyncadd.s32 $0xFFFF4000  }
0x394: {  	v58 =	vld [tilespmem:$0x280];
	_ =	sdelay $0x4  }
0x395: {  	vm1 =	vgt.s32 v58, $0x0  }
0x396: {  	v40 =	vnsel vm1, $0x0, v58  }
0x397: {  	v40 =	vmin.u32 v40, $0xA5  }
0x398: {  	v40 =	vshll.u32 v40, $0x4  }
0x399: {  	v40 =	vadd.s32 v0, v40  }
0x39a: {  	[tilespmem:$0x480] =	vst v40  }
0x39b: {  	v60 =	vld [tilespmem:$0x480];
	_ =	sdelay $0x1  }
0x39c: {  	v59 =	vld [tilespmem:$0x290];
	_ =	sdelay $0x1  }
0x39d: {  	v61 =	vld [tilespmem:$0x2A0]  }
0x39e: {  	v62 =	vld [tilespmem:$0x2B0];
	v63 =	vshrl.u32 v60, $0x3  }
0x39f: {  	v44 =	vmul.u32 $0x30, v63  }
0x3a0: {  	vm1 =	vgt.s32 v59, $0x0;
	v41 =	vand.u32 $0x7, v60  }
0x3a1: {  	v40 =	vnsel vm1, $0x0, v59;
	v41 =	vor.u32 v41, v44  }
0x3a2: {  	[tilespmem:$0x580] =	vst v21;
	vm1 =	vgt.s32 v61, $0x0;
	v40 =	vmin.u32 v40, $0xA5;
	v44 =	vperm.xlane v41, v37  }
0x3a3: {  	[tilespmem:$0x590] =	vst v22;
	v42 =	vnsel vm1, $0x0, v61;
	vm1 =	vgt.s32 v62, $0x0;
	v40 =	vshll.u32 v40, $0x4  }
0x3a4: {  	[tilespmem:$0x5A0] =	vst v23;
	v42 =	vmin.u32 v42, $0xA5;
	v46 =	vnsel vm1, $0x0, v62;
	v47 =	vadd.s32 v38, v44  }
0x3a5: {  	[tilespmem:$0x5B0] =	vst v24;
	v40 =	vadd.s32 v0, v40;
	v45 =	vshll.u32 v42, $0x4;
	v42 =	vmin.u32 v46, $0xA5  }
0x3a6: {  	[tilespmem:$0x490] =	vst v40;
	v40 =	vadd.s32 v0, v45;
	v48 =	vshll.u32 v42, $0x4  }
0x3a7: {  	[tilespmem:$0x4A0] =	vst v40;
	v40 =	vadd.s32 v0, v48  }
0x3a8: {  	s28 =	simm.s32 $0xC600;
	[tilespmem:$0x4B0] =	vst v40;
	v49 =	vperm.xlane v41, v39  }
0x3a9: {  	[tilespmem:s28], [sflag:$0x1] =	stream.indirect_vreg.gather [hbm4b:s4+s3], $0x80, v47, vm0, $0xb8;
	[tilespmem:$0x18600] =	vst v63  }
0x3aa: {  	s10 =	simm.s32 $0xCE00;
	v40 =	vadd.s32 v38, v49  }
0x3ab: {  	[tilespmem:s10], [sflag:$0x1] =	stream.indirect_vreg.gather [hbm4b:s6+s3], $0x80, v47, vm0, $0xb8;
	[tilespmem:$0x18600] =	vst v63  }
0x3ac: {  	s15 =	simm.s32 $0xD600  }
0x3ad: {  	[tilespmem:s15], [sflag:$0x1] =	stream.indirect_vreg.gather [hbm4b:s7+s3], $0x80, v47, vm0, $0xb8;
	[tilespmem:$0x18600] =	vst v63  }
0x3ae: {  	s16 =	simm.s32 $0xDE00  }
0x3af: {  	[tilespmem:s16], [sflag:$0x1] =	stream.indirect_vreg.gather [hbm4b:s4+s3], $0x80, v40, vm0, $0xb8;
	[tilespmem:$0x18600] =	vst v63  }
0x3b0: {  	s17 =	simm.s32 $0xE600  }
0x3b1: {  	[tilespmem:s17], [sflag:$0x1] =	stream.indirect_vreg.gather [hbm4b:s6+s3], $0x80, v40, vm0, $0xb8;
	[tilespmem:$0x18600] =	vst v63  }
0x3b2: {  	s26 =	simm.s32 $0xEE00  }
0x3b3: {  	[tilespmem:s26], [sflag:$0x1] =	stream.indirect_vreg.gather [hbm4b:s7+s3], $0x80, v40, vm0, $0xb8;
	[tilespmem:$0x18600] =	vst v63  }
0x3b4: {  	v40 =	vld [tilespmem:$0x490];
	_ =	sdelay $0x4  }
0x3b5: {  	v50 =	vshrl.u32 v40, $0x3  }
0x3b6: {  	v41 =	vmul.u32 $0x30, v50  }
0x3b7: {  	v40 =	vand.u32 $0x7, v40  }
0x3b8: {  	v40 =	vor.u32 v40, v41  }
0x3b9: {  	v41 =	vperm.xlane v40, v37;
	_ =	sdelay $0x1  }
0x3ba: {  	v41 =	vadd.s32 v38, v41;
	_ =	sdelay $0x3  }
0x3bb: {  	s1 =	simm.s32 $0xF600;
	v40 =	vperm.xlane v40, v39  }
0x3bc: {  	[tilespmem:s1], [sflag:$0x1] =	stream.indirect_vreg.gather [hbm4b:s4+s3], $0x80, v41, vm0, $0xb8;
	[tilespmem:$0x18600] =	vst v63  }
0x3bd: {  	s18 =	simm.s32 $0xFE00;
	v40 =	vadd.s32 v38, v40  }
0x3be: {  	[tilespmem:s18], [sflag:$0x1] =	stream.indirect_vreg.gather [hbm4b:s6+s3], $0x80, v41, vm0, $0xb8;
	[tilespmem:$0x18600] =	vst v63  }
0x3bf: {  	s19 =	simm.s32 $0x10600  }
0x3c0: {  	[tilespmem:s19], [sflag:$0x1] =	stream.indirect_vreg.gather [hbm4b:s7+s3], $0x80, v41, vm0, $0xb8;
	[tilespmem:$0x18600] =	vst v63  }
0x3c1: {  	s20 =	simm.s32 $0x10E00  }
0x3c2: {  	[tilespmem:s20], [sflag:$0x1] =	stream.indirect_vreg.gather [hbm4b:s4+s3], $0x80, v40, vm0, $0xb8;
	[tilespmem:$0x18600] =	vst v63  }
0x3c3: {  	s21 =	simm.s32 $0x11600  }
0x3c4: {  	[tilespmem:s21], [sflag:$0x1] =	stream.indirect_vreg.gather [hbm4b:s6+s3], $0x80, v40, vm0, $0xb8;
	[tilespmem:$0x18600] =	vst v63  }
0x3c5: {  	s11 =	simm.s32 $0x11E00  }
0x3c6: {  	[tilespmem:s11], [sflag:$0x1] =	stream.indirect_vreg.gather [hbm4b:s7+s3], $0x80, v40, vm0, $0xb8;
	[tilespmem:$0x18600] =	vst v63  }
0x3c7: {  	v40 =	vld [tilespmem:$0x4A0];
	_ =	sdelay $0x4  }
0x3c8: {  	v51 =	vshrl.u32 v40, $0x3  }
0x3c9: {  	v41 =	vmul.u32 $0x30, v51  }
0x3ca: {  	v40 =	vand.u32 $0x7, v40  }
0x3cb: {  	v40 =	vor.u32 v40, v41  }
0x3cc: {  	v41 =	vperm.xlane v40, v37;
	_ =	sdelay $0x1  }
0x3cd: {  	v41 =	vadd.s32 v38, v41;
	_ =	sdelay $0x3  }
0x3ce: {  	s12 =	simm.s32 $0x12600;
	v40 =	vperm.xlane v40, v39  }
0x3cf: {  	[tilespmem:s12], [sflag:$0x1] =	stream.indirect_vreg.gather [hbm4b:s4+s3], $0x80, v41, vm0, $0xb8;
	[tilespmem:$0x18600] =	vst v63  }
0x3d0: {  	s23 =	simm.s32 $0x12E00;
	v40 =	vadd.s32 v38, v40  }
0x3d1: {  	[tilespmem:s23], [sflag:$0x1] =	stream.indirect_vreg.gather [hbm4b:s6+s3], $0x80, v41, vm0, $0xb8;
	[tilespmem:$0x18600] =	vst v63  }
0x3d2: {  	s29 =	simm.s32 $0x13600  }
0x3d3: {  	[tilespmem:s29], [sflag:$0x1] =	stream.indirect_vreg.gather [hbm4b:s7+s3], $0x80, v41, vm0, $0xb8;
	[tilespmem:$0x18600] =	vst v63  }
0x3d4: {  	s30 =	simm.s32 $0x13E00  }
0x3d5: {  	[tilespmem:s30], [sflag:$0x1] =	stream.indirect_vreg.gather [hbm4b:s4+s3], $0x80, v40, vm0, $0xb8;
	[tilespmem:$0x18600] =	vst v63  }
0x3d6: {  	s31 =	simm.s32 $0x14600  }
0x3d7: {  	[tilespmem:s31], [sflag:$0x1] =	stream.indirect_vreg.gather [hbm4b:s6+s3], $0x80, v40, vm0, $0xb8;
	[tilespmem:$0x18600] =	vst v63  }
0x3d8: {  	s13 =	simm.s32 $0x14E00  }
0x3d9: {  	[tilespmem:s13], [sflag:$0x1] =	stream.indirect_vreg.gather [hbm4b:s7+s3], $0x80, v40, vm0, $0xb8;
	[tilespmem:$0x18600] =	vst v63  }
0x3da: {  	v40 =	vld [tilespmem:$0x4B0];
	_ =	sdelay $0x4  }
0x3db: {  	v52 =	vshrl.u32 v40, $0x3  }
0x3dc: {  	v41 =	vmul.u32 $0x30, v52  }
0x3dd: {  	v40 =	vand.u32 $0x7, v40  }
0x3de: {  	v40 =	vor.u32 v40, v41  }
0x3df: {  	v41 =	vperm.xlane v40, v37;
	_ =	sdelay $0x1  }
0x3e0: {  	v41 =	vadd.s32 v38, v41;
	_ =	sdelay $0x3  }
0x3e1: {  	s14 =	simm.s32 $0x15600;
	v40 =	vperm.xlane v40, v39  }
0x3e2: {  	[tilespmem:s14], [sflag:$0x1] =	stream.indirect_vreg.gather [hbm4b:s4+s3], $0x80, v41, vm0, $0xb8;
	[tilespmem:$0x18600] =	vst v63  }
0x3e3: {  	s5 =	simm.s32 $0x15E00;
	v40 =	vadd.s32 v38, v40  }
0x3e4: {  	[tilespmem:s5], [sflag:$0x1] =	stream.indirect_vreg.gather [hbm4b:s6+s3], $0x80, v41, vm0, $0xb8;
	[tilespmem:$0x18600] =	vst v63  }
0x3e5: {  	s22 =	simm.s32 $0x16600  }
0x3e6: {  	[tilespmem:s22], [sflag:$0x1] =	stream.indirect_vreg.gather [hbm4b:s7+s3], $0x80, v41, vm0, $0xb8;
	[tilespmem:$0x18600] =	vst v63  }
0x3e7: {  	s24 =	simm.s32 $0x16E00  }
0x3e8: {  	[tilespmem:s24], [sflag:$0x1] =	stream.indirect_vreg.gather [hbm4b:s4+s3], $0x80, v40, vm0, $0xb8;
	[tilespmem:$0x18600] =	vst v63  }
0x3e9: {  	s25 =	simm.s32 $0x17600  }
0x3ea: {  	[tilespmem:s25], [sflag:$0x1] =	stream.indirect_vreg.gather [hbm4b:s6+s3], $0x80, v40, vm0, $0xb8;
	[tilespmem:$0x18600] =	vst v63  }
0x3eb: {  	s0 =	simm.s32 $0x17E00;
	s26 =	simm.s32 $0x1  }
0x3ec: {  	[tilespmem:s0], [sflag:$0x1] =	stream.indirect_vreg.gather [hbm4b:s7+s3], $0x80, v40, vm0, $0xb8;
	[tilespmem:$0x18600] =	vst v63  }
0x3ed: {  	_ =	swait.ge [sflag:s26], $0xC000  }
0x3ee: {  	[sflag:s26] =	ssyncset.done $0x0  }
0x3ef: {  	[sflag:s26] =	ssyncadd.s32 $0xFFFF4000  }
0x3f0: {  	v53 =	vld [tilespmem:$0x580];
	_ =	sdelay $0x4  }
0x3f1: {  	v54 =	vshrl.u32 v53, $0x3  }
0x3f2: {  	v41 =	vmul.u32 $0x30, v54  }
0x3f3: {  	v40 =	vand.u32 $0x7, v53  }
0x3f4: {  	v40 =	vor.u32 v40, v41  }
0x3f5: {  	v41 =	vperm.xlane v40, v37;
	_ =	sdelay $0x1  }
0x3f6: {  	v41 =	vadd.s32 v38, v41;
	_ =	sdelay $0x3  }
0x3f7: {  	v40 =	vperm.xlane v40, v39  }
0x3f8: {  	[hbm4b:s2+s3] =	stream.indirect_vreg.scatter [tilespmem:s28], [sflag:$0x3], $0x80, v41, vm0, $0xb8;
	[tilespmem:$0x18600] =	vst v63  }
0x3f9: {  	v40 =	vadd.s32 v38, v40  }
0x3fa: {  	[hbm4b:s8+s3] =	stream.indirect_vreg.scatter [tilespmem:s10], [sflag:$0x3], $0x80, v41, vm0, $0xb8;
	[tilespmem:$0x18600] =	vst v63  }
0x3fb: {  	_ = 	snop  }
0x3fc: {  	[hbm4b:s9+s3] =	stream.indirect_vreg.scatter [tilespmem:s15], [sflag:$0x3], $0x80, v41, vm0, $0xb8;
	[tilespmem:$0x18600] =	vst v63  }
0x3fd: {  	_ = 	snop  }
0x3fe: {  	[hbm4b:s2+s3] =	stream.indirect_vreg.scatter [tilespmem:s16], [sflag:$0x3], $0x80, v40, vm0, $0xb8;
	[tilespmem:$0x18600] =	vst v63  }
0x3ff: {  	_ = 	snop  }
0x400: {  	[hbm4b:s8+s3] =	stream.indirect_vreg.scatter [tilespmem:s17], [sflag:$0x3], $0x80, v40, vm0, $0xb8;
	[tilespmem:$0x18600] =	vst v63  }
0x401: {  	s28 =	simm.s32 $0xEE00  }
0x402: {  	[hbm4b:s9+s3] =	stream.indirect_vreg.scatter [tilespmem:s28], [sflag:$0x3], $0x80, v40, vm0, $0xb8;
	[tilespmem:$0x18600] =	vst v63  }
0x403: {  	v40 =	vld [tilespmem:$0x590];
	_ =	sdelay $0x4  }
0x404: {  	v55 =	vshrl.u32 v40, $0x3  }
0x405: {  	v41 =	vmul.u32 $0x30, v55  }
0x406: {  	v40 =	vand.u32 $0x7, v40  }
0x407: {  	v40 =	vor.u32 v40, v41  }
0x408: {  	v41 =	vperm.xlane v40, v37;
	_ =	sdelay $0x1  }
0x409: {  	v41 =	vadd.s32 v38, v41;
	_ =	sdelay $0x3  }
0x40a: {  	v40 =	vperm.xlane v40, v39  }
0x40b: {  	[hbm4b:s2+s3] =	stream.indirect_vreg.scatter [tilespmem:s1], [sflag:$0x3], $0x80, v41, vm0, $0xb8;
	[tilespmem:$0x18600] =	vst v63  }
0x40c: {  	v40 =	vadd.s32 v38, v40  }
0x40d: {  	[hbm4b:s8+s3] =	stream.indirect_vreg.scatter [tilespmem:s18], [sflag:$0x3], $0x80, v41, vm0, $0xb8;
	[tilespmem:$0x18600] =	vst v63  }
0x40e: {  	_ = 	snop  }
0x40f: {  	[hbm4b:s9+s3] =	stream.indirect_vreg.scatter [tilespmem:s19], [sflag:$0x3], $0x80, v41, vm0, $0xb8;
	[tilespmem:$0x18600] =	vst v63  }
0x410: {  	_ = 	snop  }
0x411: {  	[hbm4b:s2+s3] =	stream.indirect_vreg.scatter [tilespmem:s20], [sflag:$0x3], $0x80, v40, vm0, $0xb8;
	[tilespmem:$0x18600] =	vst v63  }
0x412: {  	_ = 	snop  }
0x413: {  	[hbm4b:s8+s3] =	stream.indirect_vreg.scatter [tilespmem:s21], [sflag:$0x3], $0x80, v40, vm0, $0xb8;
	[tilespmem:$0x18600] =	vst v63  }
0x414: {  	_ = 	snop  }
0x415: {  	[hbm4b:s9+s3] =	stream.indirect_vreg.scatter [tilespmem:s11], [sflag:$0x3], $0x80, v40, vm0, $0xb8;
	[tilespmem:$0x18600] =	vst v63  }
0x416: {  	v40 =	vld [tilespmem:$0x5A0];
	_ =	sdelay $0x4  }
0x417: {  	v56 =	vshrl.u32 v40, $0x3  }
0x418: {  	v41 =	vmul.u32 $0x30, v56  }
0x419: {  	v40 =	vand.u32 $0x7, v40  }
0x41a: {  	v40 =	vor.u32 v40, v41  }
0x41b: {  	v41 =	vperm.xlane v40, v37;
	_ =	sdelay $0x1  }
0x41c: {  	v41 =	vadd.s32 v38, v41;
	_ =	sdelay $0x3  }
0x41d: {  	v40 =	vperm.xlane v40, v39  }
0x41e: {  	[hbm4b:s2+s3] =	stream.indirect_vreg.scatter [tilespmem:s12], [sflag:$0x3], $0x80, v41, vm0, $0xb8;
	[tilespmem:$0x18600] =	vst v63  }
0x41f: {  	v40 =	vadd.s32 v38, v40  }
0x420: {  	[hbm4b:s8+s3] =	stream.indirect_vreg.scatter [tilespmem:s23], [sflag:$0x3], $0x80, v41, vm0, $0xb8;
	[tilespmem:$0x18600] =	vst v63  }
0x421: {  	_ = 	snop  }
0x422: {  	[hbm4b:s9+s3] =	stream.indirect_vreg.scatter [tilespmem:s29], [sflag:$0x3], $0x80, v41, vm0, $0xb8;
	[tilespmem:$0x18600] =	vst v63  }
0x423: {  	_ = 	snop  }
0x424: {  	[hbm4b:s2+s3] =	stream.indirect_vreg.scatter [tilespmem:s30], [sflag:$0x3], $0x80, v40, vm0, $0xb8;
	[tilespmem:$0x18600] =	vst v63  }
0x425: {  	_ = 	snop  }
0x426: {  	[hbm4b:s8+s3] =	stream.indirect_vreg.scatter [tilespmem:s31], [sflag:$0x3], $0x80, v40, vm0, $0xb8;
	[tilespmem:$0x18600] =	vst v63  }
0x427: {  	_ = 	snop  }
0x428: {  	[hbm4b:s9+s3] =	stream.indirect_vreg.scatter [tilespmem:s13], [sflag:$0x3], $0x80, v40, vm0, $0xb8;
	[tilespmem:$0x18600] =	vst v63  }
0x429: {  	v40 =	vld [tilespmem:$0x5B0];
	_ =	sdelay $0x4  }
0x42a: {  	v57 =	vshrl.u32 v40, $0x3  }
0x42b: {  	v41 =	vmul.u32 $0x30, v57  }
0x42c: {  	v40 =	vand.u32 $0x7, v40  }
0x42d: {  	v40 =	vor.u32 v40, v41  }
0x42e: {  	v41 =	vperm.xlane v40, v37;
	_ =	sdelay $0x1  }
0x42f: {  	v41 =	vadd.s32 v38, v41;
	_ =	sdelay $0x3  }
0x430: {  	v40 =	vperm.xlane v40, v39  }
0x431: {  	[hbm4b:s2+s3] =	stream.indirect_vreg.scatter [tilespmem:s14], [sflag:$0x3], $0x80, v41, vm0, $0xb8;
	[tilespmem:$0x18600] =	vst v63  }
0x432: {  	v40 =	vadd.s32 v38, v40  }
0x433: {  	[hbm4b:s8+s3] =	stream.indirect_vreg.scatter [tilespmem:s5], [sflag:$0x3], $0x80, v41, vm0, $0xb8;
	[tilespmem:$0x18600] =	vst v63  }
0x434: {  	_ = 	snop  }
0x435: {  	[hbm4b:s9+s3] =	stream.indirect_vreg.scatter [tilespmem:s22], [sflag:$0x3], $0x80, v41, vm0, $0xb8;
	[tilespmem:$0x18600] =	vst v63  }
0x436: {  	_ = 	snop  }
0x437: {  	[hbm4b:s2+s3] =	stream.indirect_vreg.scatter [tilespmem:s24], [sflag:$0x3], $0x80, v40, vm0, $0xb8;
	[tilespmem:$0x18600] =	vst v63  }
0x438: {  	_ = 	snop  }
0x439: {  	[hbm4b:s8+s3] =	stream.indirect_vreg.scatter [tilespmem:s25], [sflag:$0x3], $0x80, v40, vm0, $0xb8;
	[tilespmem:$0x18600] =	vst v63  }
0x43a: {  	s31 =	simm.s32 $0x2  }
0x43b: {  	[hbm4b:s9+s3] =	stream.indirect_vreg.scatter [tilespmem:s0], [sflag:$0x3], $0x80, v40, vm0, $0xb8;
	[tilespmem:$0x18600] =	vst v63  }
0x43c: {  	_ =	swait.ge [sflag:s31], $0xC000  }
0x43d: {  	[sflag:s31] =	ssyncset.done $0x0  }
0x43e: {  	[sflag:s31] =	ssyncadd.s32 $0xFFFF4000  }
0x43f: {  	v58 =	vld [tilespmem:$0x300];
	_ =	sdelay $0x4  }
0x440: {  	vm1 =	vgt.s32 v58, $0x0  }
0x441: {  	v40 =	vnsel vm1, $0x0, v58  }
0x442: {  	v40 =	vmin.u32 v40, $0xA5  }
0x443: {  	v40 =	vshll.u32 v40, $0x4  }
0x444: {  	v40 =	vadd.s32 v0, v40  }
0x445: {  	[tilespmem:$0x480] =	vst v40  }
0x446: {  	v60 =	vld [tilespmem:$0x480];
	_ =	sdelay $0x1  }
0x447: {  	v59 =	vld [tilespmem:$0x310];
	_ =	sdelay $0x1  }
0x448: {  	v61 =	vld [tilespmem:$0x320]  }
0x449: {  	v62 =	vld [tilespmem:$0x330];
	v63 =	vshrl.u32 v60, $0x3  }
0x44a: {  	v44 =	vmul.u32 $0x30, v63  }
0x44b: {  	vm1 =	vgt.s32 v59, $0x0;
	v41 =	vand.u32 $0x7, v60  }
0x44c: {  	v40 =	vnsel vm1, $0x0, v59;
	v41 =	vor.u32 v41, v44  }
0x44d: {  	[tilespmem:$0x500] =	vst v25;
	vm1 =	vgt.s32 v61, $0x0;
	v40 =	vmin.u32 v40, $0xA5;
	v44 =	vperm.xlane v41, v37  }
0x44e: {  	[tilespmem:$0x510] =	vst v26;
	v42 =	vnsel vm1, $0x0, v61;
	vm1 =	vgt.s32 v62, $0x0;
	v40 =	vshll.u32 v40, $0x4  }
0x44f: {  	[tilespmem:$0x520] =	vst v27;
	v42 =	vmin.u32 v42, $0xA5;
	v47 =	vnsel vm1, $0x0, v62;
	v48 =	vadd.s32 v38, v44  }
0x450: {  	[tilespmem:$0x530] =	vst v28;
	v40 =	vadd.s32 v0, v40;
	v46 =	vshll.u32 v42, $0x4;
	v42 =	vmin.u32 v47, $0xA5  }
0x451: {  	[tilespmem:$0x490] =	vst v40;
	v40 =	vadd.s32 v0, v46;
	v49 =	vshll.u32 v42, $0x4  }
0x452: {  	[tilespmem:$0x4A0] =	vst v40;
	v40 =	vadd.s32 v0, v49  }
0x453: {  	s20 =	simm.s32 $0x600;
	[tilespmem:$0x4B0] =	vst v40;
	v50 =	vperm.xlane v41, v39  }
0x454: {  	[tilespmem:s20], [sflag:$0x1] =	stream.indirect_vreg.gather [hbm4b:s4+s3], $0x80, v48, vm0, $0xb8;
	[tilespmem:$0x18600] =	vst v63  }
0x455: {  	s5 =	simm.s32 $0xE00;
	v40 =	vadd.s32 v38, v50  }
0x456: {  	[tilespmem:s5], [sflag:$0x1] =	stream.indirect_vreg.gather [hbm4b:s6+s3], $0x80, v48, vm0, $0xb8;
	[tilespmem:$0x18600] =	vst v63  }
0x457: {  	s25 =	simm.s32 $0x1600  }
0x458: {  	[tilespmem:s25], [sflag:$0x1] =	stream.indirect_vreg.gather [hbm4b:s7+s3], $0x80, v48, vm0, $0xb8;
	[tilespmem:$0x18600] =	vst v63  }
0x459: {  	s10 =	simm.s32 $0x1E00  }
0x45a: {  	[tilespmem:s10], [sflag:$0x1] =	stream.indirect_vreg.gather [hbm4b:s4+s3], $0x80, v40, vm0, $0xb8;
	[tilespmem:$0x18600] =	vst v63  }
0x45b: {  	s11 =	simm.s32 $0x2600  }
0x45c: {  	[tilespmem:s11], [sflag:$0x1] =	stream.indirect_vreg.gather [hbm4b:s6+s3], $0x80, v40, vm0, $0xb8;
	[tilespmem:$0x18600] =	vst v63  }
0x45d: {  	s15 =	simm.s32 $0x2E00  }
0x45e: {  	[tilespmem:s15], [sflag:$0x1] =	stream.indirect_vreg.gather [hbm4b:s7+s3], $0x80, v40, vm0, $0xb8;
	[tilespmem:$0x18600] =	vst v63  }
0x45f: {  	v40 =	vld [tilespmem:$0x490];
	_ =	sdelay $0x4  }
0x460: {  	v51 =	vshrl.u32 v40, $0x3  }
0x461: {  	v41 =	vmul.u32 $0x30, v51  }
0x462: {  	v40 =	vand.u32 $0x7, v40  }
0x463: {  	v40 =	vor.u32 v40, v41  }
0x464: {  	v41 =	vperm.xlane v40, v37;
	_ =	sdelay $0x1  }
0x465: {  	v41 =	vadd.s32 v38, v41;
	_ =	sdelay $0x3  }
0x466: {  	s1 =	simm.s32 $0x3600;
	v40 =	vperm.xlane v40, v39  }
0x467: {  	[tilespmem:s1], [sflag:$0x1] =	stream.indirect_vreg.gather [hbm4b:s4+s3], $0x80, v41, vm0, $0xb8;
	[tilespmem:$0x18600] =	vst v63  }
0x468: {  	s12 =	simm.s32 $0x3E00;
	v40 =	vadd.s32 v38, v40  }
0x469: {  	[tilespmem:s12], [sflag:$0x1] =	stream.indirect_vreg.gather [hbm4b:s6+s3], $0x80, v41, vm0, $0xb8;
	[tilespmem:$0x18600] =	vst v63  }
0x46a: {  	s13 =	simm.s32 $0x4600  }
0x46b: {  	[tilespmem:s13], [sflag:$0x1] =	stream.indirect_vreg.gather [hbm4b:s7+s3], $0x80, v41, vm0, $0xb8;
	[tilespmem:$0x18600] =	vst v63  }
0x46c: {  	s1 =	simm.s32 $0x4E00  }
0x46d: {  	[tilespmem:s1], [sflag:$0x1] =	stream.indirect_vreg.gather [hbm4b:s4+s3], $0x80, v40, vm0, $0xb8;
	[tilespmem:$0x18600] =	vst v63  }
0x46e: {  	s14 =	simm.s32 $0x5600  }
0x46f: {  	[tilespmem:s14], [sflag:$0x1] =	stream.indirect_vreg.gather [hbm4b:s6+s3], $0x80, v40, vm0, $0xb8;
	[tilespmem:$0x18600] =	vst v63  }
0x470: {  	s21 =	simm.s32 $0x5E00  }
0x471: {  	[tilespmem:s21], [sflag:$0x1] =	stream.indirect_vreg.gather [hbm4b:s7+s3], $0x80, v40, vm0, $0xb8;
	[tilespmem:$0x18600] =	vst v63  }
0x472: {  	v40 =	vld [tilespmem:$0x4A0];
	_ =	sdelay $0x4  }
0x473: {  	v52 =	vshrl.u32 v40, $0x3  }
0x474: {  	v41 =	vmul.u32 $0x30, v52  }
0x475: {  	v40 =	vand.u32 $0x7, v40  }
0x476: {  	v40 =	vor.u32 v40, v41  }
0x477: {  	v41 =	vperm.xlane v40, v37;
	_ =	sdelay $0x1  }
0x478: {  	v41 =	vadd.s32 v38, v41;
	_ =	sdelay $0x3  }
0x479: {  	s29 =	simm.s32 $0x6600;
	v40 =	vperm.xlane v40, v39  }
0x47a: {  	[tilespmem:s29], [sflag:$0x1] =	stream.indirect_vreg.gather [hbm4b:s4+s3], $0x80, v41, vm0, $0xb8;
	[tilespmem:$0x18600] =	vst v63  }
0x47b: {  	s16 =	simm.s32 $0x6E00;
	v40 =	vadd.s32 v38, v40  }
0x47c: {  	[tilespmem:s16], [sflag:$0x1] =	stream.indirect_vreg.gather [hbm4b:s6+s3], $0x80, v41, vm0, $0xb8;
	[tilespmem:$0x18600] =	vst v63  }
0x47d: {  	s22 =	simm.s32 $0x7600  }
0x47e: {  	[tilespmem:s22], [sflag:$0x1] =	stream.indirect_vreg.gather [hbm4b:s7+s3], $0x80, v41, vm0, $0xb8;
	[tilespmem:$0x18600] =	vst v63  }
0x47f: {  	s17 =	simm.s32 $0x7E00  }
0x480: {  	[tilespmem:s17], [sflag:$0x1] =	stream.indirect_vreg.gather [hbm4b:s4+s3], $0x80, v40, vm0, $0xb8;
	[tilespmem:$0x18600] =	vst v63  }
0x481: {  	s23 =	simm.s32 $0x8600  }
0x482: {  	[tilespmem:s23], [sflag:$0x1] =	stream.indirect_vreg.gather [hbm4b:s6+s3], $0x80, v40, vm0, $0xb8;
	[tilespmem:$0x18600] =	vst v63  }
0x483: {  	s30 =	simm.s32 $0x8E00  }
0x484: {  	[tilespmem:s30], [sflag:$0x1] =	stream.indirect_vreg.gather [hbm4b:s7+s3], $0x80, v40, vm0, $0xb8;
	[tilespmem:$0x18600] =	vst v63  }
0x485: {  	v40 =	vld [tilespmem:$0x4B0];
	_ =	sdelay $0x4  }
0x486: {  	v53 =	vshrl.u32 v40, $0x3  }
0x487: {  	v41 =	vmul.u32 $0x30, v53  }
0x488: {  	v40 =	vand.u32 $0x7, v40  }
0x489: {  	v40 =	vor.u32 v40, v41  }
0x48a: {  	v41 =	vperm.xlane v40, v37;
	_ =	sdelay $0x1  }
0x48b: {  	v41 =	vadd.s32 v38, v41;
	_ =	sdelay $0x3  }
0x48c: {  	s31 =	simm.s32 $0x9600;
	v40 =	vperm.xlane v40, v39  }
0x48d: {  	[tilespmem:s31], [sflag:$0x1] =	stream.indirect_vreg.gather [hbm4b:s4+s3], $0x80, v41, vm0, $0xb8;
	[tilespmem:$0x18600] =	vst v63  }
0x48e: {  	s18 =	simm.s32 $0x9E00;
	v40 =	vadd.s32 v38, v40  }
0x48f: {  	[tilespmem:s18], [sflag:$0x1] =	stream.indirect_vreg.gather [hbm4b:s6+s3], $0x80, v41, vm0, $0xb8;
	[tilespmem:$0x18600] =	vst v63  }
0x490: {  	s24 =	simm.s32 $0xA600  }
0x491: {  	[tilespmem:s24], [sflag:$0x1] =	stream.indirect_vreg.gather [hbm4b:s7+s3], $0x80, v41, vm0, $0xb8;
	[tilespmem:$0x18600] =	vst v63  }
0x492: {  	s19 =	simm.s32 $0xAE00  }
0x493: {  	[tilespmem:s19], [sflag:$0x1] =	stream.indirect_vreg.gather [hbm4b:s4+s3], $0x80, v40, vm0, $0xb8;
	[tilespmem:$0x18600] =	vst v63  }
0x494: {  	s28 =	simm.s32 $0xB600  }
0x495: {  	[tilespmem:s28], [sflag:$0x1] =	stream.indirect_vreg.gather [hbm4b:s6+s3], $0x80, v40, vm0, $0xb8;
	[tilespmem:$0x18600] =	vst v63  }
0x496: {  	s26 =	simm.s32 $0x1;
	s0 =	simm.s32 $0xBE00  }
0x497: {  	[tilespmem:s0], [sflag:$0x1] =	stream.indirect_vreg.gather [hbm4b:s7+s3], $0x80, v40, vm0, $0xb8;
	[tilespmem:$0x18600] =	vst v63  }
0x498: {  	_ =	swait.ge [sflag:s26], $0xC000  }
0x499: {  	[sflag:s26] =	ssyncset.done $0x0  }
0x49a: {  	[sflag:s26] =	ssyncadd.s32 $0xFFFF4000  }
0x49b: {  	v54 =	vld [tilespmem:$0x500];
	_ =	sdelay $0x4  }
0x49c: {  	v55 =	vshrl.u32 v54, $0x3  }
0x49d: {  	v41 =	vmul.u32 $0x30, v55  }
0x49e: {  	v40 =	vand.u32 $0x7, v54  }
0x49f: {  	v40 =	vor.u32 v40, v41  }
0x4a0: {  	v41 =	vperm.xlane v40, v37;
	_ =	sdelay $0x1  }
0x4a1: {  	v41 =	vadd.s32 v38, v41;
	_ =	sdelay $0x3  }
0x4a2: {  	v40 =	vperm.xlane v40, v39  }
0x4a3: {  	[hbm4b:s2+s3] =	stream.indirect_vreg.scatter [tilespmem:s20], [sflag:$0x2], $0x80, v41, vm0, $0xb8;
	[tilespmem:$0x18600] =	vst v63  }
0x4a4: {  	v40 =	vadd.s32 v38, v40  }
0x4a5: {  	[hbm4b:s8+s3] =	stream.indirect_vreg.scatter [tilespmem:s5], [sflag:$0x2], $0x80, v41, vm0, $0xb8;
	[tilespmem:$0x18600] =	vst v63  }
0x4a6: {  	_ = 	snop  }
0x4a7: {  	[hbm4b:s9+s3] =	stream.indirect_vreg.scatter [tilespmem:s25], [sflag:$0x2], $0x80, v41, vm0, $0xb8;
	[tilespmem:$0x18600] =	vst v63  }
0x4a8: {  	_ = 	snop  }
0x4a9: {  	[hbm4b:s2+s3] =	stream.indirect_vreg.scatter [tilespmem:s10], [sflag:$0x2], $0x80, v40, vm0, $0xb8;
	[tilespmem:$0x18600] =	vst v63  }
0x4aa: {  	_ = 	snop  }
0x4ab: {  	[hbm4b:s8+s3] =	stream.indirect_vreg.scatter [tilespmem:s11], [sflag:$0x2], $0x80, v40, vm0, $0xb8;
	[tilespmem:$0x18600] =	vst v63  }
0x4ac: {  	_ = 	snop  }
0x4ad: {  	[hbm4b:s9+s3] =	stream.indirect_vreg.scatter [tilespmem:s15], [sflag:$0x2], $0x80, v40, vm0, $0xb8;
	[tilespmem:$0x18600] =	vst v63  }
0x4ae: {  	v40 =	vld [tilespmem:$0x510];
	_ =	sdelay $0x4  }
0x4af: {  	v56 =	vshrl.u32 v40, $0x3  }
0x4b0: {  	v41 =	vmul.u32 $0x30, v56  }
0x4b1: {  	v40 =	vand.u32 $0x7, v40  }
0x4b2: {  	v40 =	vor.u32 v40, v41  }
0x4b3: {  	v41 =	vperm.xlane v40, v37;
	_ =	sdelay $0x1  }
0x4b4: {  	v41 =	vadd.s32 v38, v41;
	_ =	sdelay $0x3  }
0x4b5: {  	s11 =	simm.s32 $0x3600;
	v40 =	vperm.xlane v40, v39  }
0x4b6: {  	[hbm4b:s2+s3] =	stream.indirect_vreg.scatter [tilespmem:s11], [sflag:$0x2], $0x80, v41, vm0, $0xb8;
	[tilespmem:$0x18600] =	vst v63  }
0x4b7: {  	v40 =	vadd.s32 v38, v40  }
0x4b8: {  	[hbm4b:s8+s3] =	stream.indirect_vreg.scatter [tilespmem:s12], [sflag:$0x2], $0x80, v41, vm0, $0xb8;
	[tilespmem:$0x18600] =	vst v63  }
0x4b9: {  	_ = 	snop  }
0x4ba: {  	[hbm4b:s9+s3] =	stream.indirect_vreg.scatter [tilespmem:s13], [sflag:$0x2], $0x80, v41, vm0, $0xb8;
	[tilespmem:$0x18600] =	vst v63  }
0x4bb: {  	_ = 	snop  }
0x4bc: {  	[hbm4b:s2+s3] =	stream.indirect_vreg.scatter [tilespmem:s1], [sflag:$0x2], $0x80, v40, vm0, $0xb8;
	[tilespmem:$0x18600] =	vst v63  }
0x4bd: {  	_ = 	snop  }
0x4be: {  	[hbm4b:s8+s3] =	stream.indirect_vreg.scatter [tilespmem:s14], [sflag:$0x2], $0x80, v40, vm0, $0xb8;
	[tilespmem:$0x18600] =	vst v63  }
0x4bf: {  	_ = 	snop  }
0x4c0: {  	[hbm4b:s9+s3] =	stream.indirect_vreg.scatter [tilespmem:s21], [sflag:$0x2], $0x80, v40, vm0, $0xb8;
	[tilespmem:$0x18600] =	vst v63  }
0x4c1: {  	v40 =	vld [tilespmem:$0x520];
	_ =	sdelay $0x4  }
0x4c2: {  	v57 =	vshrl.u32 v40, $0x3  }
0x4c3: {  	v41 =	vmul.u32 $0x30, v57  }
0x4c4: {  	v40 =	vand.u32 $0x7, v40  }
0x4c5: {  	v40 =	vor.u32 v40, v41  }
0x4c6: {  	v41 =	vperm.xlane v40, v37;
	_ =	sdelay $0x1  }
0x4c7: {  	v41 =	vadd.s32 v38, v41;
	_ =	sdelay $0x3  }
0x4c8: {  	v40 =	vperm.xlane v40, v39  }
0x4c9: {  	[hbm4b:s2+s3] =	stream.indirect_vreg.scatter [tilespmem:s29], [sflag:$0x2], $0x80, v41, vm0, $0xb8;
	[tilespmem:$0x18600] =	vst v63  }
0x4ca: {  	v40 =	vadd.s32 v38, v40  }
0x4cb: {  	[hbm4b:s8+s3] =	stream.indirect_vreg.scatter [tilespmem:s16], [sflag:$0x2], $0x80, v41, vm0, $0xb8;
	[tilespmem:$0x18600] =	vst v63  }
0x4cc: {  	_ = 	snop  }
0x4cd: {  	[hbm4b:s9+s3] =	stream.indirect_vreg.scatter [tilespmem:s22], [sflag:$0x2], $0x80, v41, vm0, $0xb8;
	[tilespmem:$0x18600] =	vst v63  }
0x4ce: {  	_ = 	snop  }
0x4cf: {  	[hbm4b:s2+s3] =	stream.indirect_vreg.scatter [tilespmem:s17], [sflag:$0x2], $0x80, v40, vm0, $0xb8;
	[tilespmem:$0x18600] =	vst v63  }
0x4d0: {  	_ = 	snop  }
0x4d1: {  	[hbm4b:s8+s3] =	stream.indirect_vreg.scatter [tilespmem:s23], [sflag:$0x2], $0x80, v40, vm0, $0xb8;
	[tilespmem:$0x18600] =	vst v63  }
0x4d2: {  	_ = 	snop  }
0x4d3: {  	[hbm4b:s9+s3] =	stream.indirect_vreg.scatter [tilespmem:s30], [sflag:$0x2], $0x80, v40, vm0, $0xb8;
	[tilespmem:$0x18600] =	vst v63  }
0x4d4: {  	v40 =	vld [tilespmem:$0x530];
	_ =	sdelay $0x4  }
0x4d5: {  	v58 =	vshrl.u32 v40, $0x3  }
0x4d6: {  	v41 =	vmul.u32 $0x30, v58  }
0x4d7: {  	v40 =	vand.u32 $0x7, v40  }
0x4d8: {  	v40 =	vor.u32 v40, v41  }
0x4d9: {  	v41 =	vperm.xlane v40, v37;
	_ =	sdelay $0x1  }
0x4da: {  	v41 =	vadd.s32 v38, v41;
	_ =	sdelay $0x3  }
0x4db: {  	v40 =	vperm.xlane v40, v39  }
0x4dc: {  	[hbm4b:s2+s3] =	stream.indirect_vreg.scatter [tilespmem:s31], [sflag:$0x2], $0x80, v41, vm0, $0xb8;
	[tilespmem:$0x18600] =	vst v63  }
0x4dd: {  	v40 =	vadd.s32 v38, v40  }
0x4de: {  	[hbm4b:s8+s3] =	stream.indirect_vreg.scatter [tilespmem:s18], [sflag:$0x2], $0x80, v41, vm0, $0xb8;
	[tilespmem:$0x18600] =	vst v63  }
0x4df: {  	_ = 	snop  }
0x4e0: {  	[hbm4b:s9+s3] =	stream.indirect_vreg.scatter [tilespmem:s24], [sflag:$0x2], $0x80, v41, vm0, $0xb8;
	[tilespmem:$0x18600] =	vst v63  }
0x4e1: {  	_ = 	snop  }
0x4e2: {  	[hbm4b:s2+s3] =	stream.indirect_vreg.scatter [tilespmem:s19], [sflag:$0x2], $0x80, v40, vm0, $0xb8;
	[tilespmem:$0x18600] =	vst v63  }
0x4e3: {  	_ = 	snop  }
0x4e4: {  	[hbm4b:s8+s3] =	stream.indirect_vreg.scatter [tilespmem:s28], [sflag:$0x2], $0x80, v40, vm0, $0xb8;
	[tilespmem:$0x18600] =	vst v63  }
0x4e5: {  	s12 =	simm.s32 $0x3  }
0x4e6: {  	[hbm4b:s9+s3] =	stream.indirect_vreg.scatter [tilespmem:s0], [sflag:$0x2], $0x80, v40, vm0, $0xb8;
	[tilespmem:$0x18600] =	vst v63  }
0x4e7: {  	_ =	swait.ge [sflag:s12], $0xC000  }
0x4e8: {  	[sflag:s12] =	ssyncset.done $0x0  }
0x4e9: {  	[sflag:s12] =	ssyncadd.s32 $0xFFFF4000  }
0x4ea: {  	v59 =	vld [tilespmem:$0x380];
	_ =	sdelay $0x4  }
0x4eb: {  	vm1 =	vgt.s32 v59, $0x0  }
0x4ec: {  	v40 =	vnsel vm1, $0x0, v59  }
0x4ed: {  	v40 =	vmin.u32 v40, $0xA5  }
0x4ee: {  	v40 =	vshll.u32 v40, $0x4  }
0x4ef: {  	v40 =	vadd.s32 v0, v40  }
0x4f0: {  	[tilespmem:$0x480] =	vst v40  }
0x4f1: {  	v61 =	vld [tilespmem:$0x480];
	_ =	sdelay $0x1  }
0x4f2: {  	v60 =	vld [tilespmem:$0x390];
	_ =	sdelay $0x1  }
0x4f3: {  	v62 =	vld [tilespmem:$0x3A0]  }
0x4f4: {  	v63 =	vld [tilespmem:$0x3B0];
	v48 =	vshrl.u32 v61, $0x3  }
0x4f5: {  	v44 =	vmul.u32 $0x30, v48  }
0x4f6: {  	vm1 =	vgt.s32 v60, $0x0;
	v41 =	vand.u32 $0x7, v61  }
0x4f7: {  	v40 =	vnsel vm1, $0x0, v60;
	v41 =	vor.u32 v41, v44  }
0x4f8: {  	[tilespmem:$0x580] =	vst v29;
	vm1 =	vgt.s32 v62, $0x0;
	v40 =	vmin.u32 v40, $0xA5;
	v44 =	vperm.xlane v41, v37  }
0x4f9: {  	[tilespmem:$0x590] =	vst v30;
	v42 =	vnsel vm1, $0x0, v62;
	vm1 =	vgt.s32 v63, $0x0;
	v40 =	vshll.u32 v40, $0x4  }
0x4fa: {  	[tilespmem:$0x5A0] =	vst v31;
	v42 =	vmin.u32 v42, $0xA5;
	v50 =	vnsel vm1, $0x0, v63;
	v51 =	vadd.s32 v38, v44  }
0x4fb: {  	[tilespmem:$0x5B0] =	vst v32;
	v40 =	vadd.s32 v0, v40;
	v49 =	vshll.u32 v42, $0x4;
	v42 =	vmin.u32 v50, $0xA5  }
0x4fc: {  	[tilespmem:$0x490] =	vst v40;
	v40 =	vadd.s32 v0, v49;
	v52 =	vshll.u32 v42, $0x4  }
0x4fd: {  	[tilespmem:$0x4A0] =	vst v40;
	v40 =	vadd.s32 v0, v52  }
0x4fe: {  	s13 =	simm.s32 $0xC600;
	[tilespmem:$0x4B0] =	vst v40;
	v53 =	vperm.xlane v41, v39  }
0x4ff: {  	[tilespmem:s13], [sflag:$0x1] =	stream.indirect_vreg.gather [hbm4b:s4+s3], $0x80, v51, vm0, $0xb8;
	[tilespmem:$0x18600] =	vst v63  }
0x500: {  	s1 =	simm.s32 $0xCE00;
	v40 =	vadd.s32 v38, v53  }
0x501: {  	[tilespmem:s1], [sflag:$0x1] =	stream.indirect_vreg.gather [hbm4b:s6+s3], $0x80, v51, vm0, $0xb8;
	[tilespmem:$0x18600] =	vst v63  }
0x502: {  	s14 =	simm.s32 $0xD600  }
0x503: {  	[tilespmem:s14], [sflag:$0x1] =	stream.indirect_vreg.gather [hbm4b:s7+s3], $0x80, v51, vm0, $0xb8;
	[tilespmem:$0x18600] =	vst v63  }
0x504: {  	s15 =	simm.s32 $0xDE00  }
0x505: {  	[tilespmem:s15], [sflag:$0x1] =	stream.indirect_vreg.gather [hbm4b:s4+s3], $0x80, v40, vm0, $0xb8;
	[tilespmem:$0x18600] =	vst v63  }
0x506: {  	s16 =	simm.s32 $0xE600  }
0x507: {  	[tilespmem:s16], [sflag:$0x1] =	stream.indirect_vreg.gather [hbm4b:s6+s3], $0x80, v40, vm0, $0xb8;
	[tilespmem:$0x18600] =	vst v63  }
0x508: {  	s25 =	simm.s32 $0xEE00  }
0x509: {  	[tilespmem:s25], [sflag:$0x1] =	stream.indirect_vreg.gather [hbm4b:s7+s3], $0x80, v40, vm0, $0xb8;
	[tilespmem:$0x18600] =	vst v63  }
0x50a: {  	v40 =	vld [tilespmem:$0x490];
	_ =	sdelay $0x4  }
0x50b: {  	v54 =	vshrl.u32 v40, $0x3  }
0x50c: {  	v41 =	vmul.u32 $0x30, v54  }
0x50d: {  	v40 =	vand.u32 $0x7, v40  }
0x50e: {  	v40 =	vor.u32 v40, v41  }
0x50f: {  	v41 =	vperm.xlane v40, v37;
	_ =	sdelay $0x1  }
0x510: {  	v41 =	vadd.s32 v38, v41;
	_ =	sdelay $0x3  }
0x511: {  	s5 =	simm.s32 $0xF600;
	v40 =	vperm.xlane v40, v39  }
0x512: {  	[tilespmem:s5], [sflag:$0x1] =	stream.indirect_vreg.gather [hbm4b:s4+s3], $0x80, v41, vm0, $0xb8;
	[tilespmem:$0x18600] =	vst v63  }
0x513: {  	s17 =	simm.s32 $0xFE00;
	v40 =	vadd.s32 v38, v40  }
0x514: {  	[tilespmem:s17], [sflag:$0x1] =	stream.indirect_vreg.gather [hbm4b:s6+s3], $0x80, v41, vm0, $0xb8;
	[tilespmem:$0x18600] =	vst v63  }
0x515: {  	s18 =	simm.s32 $0x10600  }
0x516: {  	[tilespmem:s18], [sflag:$0x1] =	stream.indirect_vreg.gather [hbm4b:s7+s3], $0x80, v41, vm0, $0xb8;
	[tilespmem:$0x18600] =	vst v63  }
0x517: {  	s19 =	simm.s32 $0x10E00  }
0x518: {  	[tilespmem:s19], [sflag:$0x1] =	stream.indirect_vreg.gather [hbm4b:s4+s3], $0x80, v40, vm0, $0xb8;
	[tilespmem:$0x18600] =	vst v63  }
0x519: {  	s20 =	simm.s32 $0x11600  }
0x51a: {  	[tilespmem:s20], [sflag:$0x1] =	stream.indirect_vreg.gather [hbm4b:s6+s3], $0x80, v40, vm0, $0xb8;
	[tilespmem:$0x18600] =	vst v63  }
0x51b: {  	s10 =	simm.s32 $0x11E00  }
0x51c: {  	[tilespmem:s10], [sflag:$0x1] =	stream.indirect_vreg.gather [hbm4b:s7+s3], $0x80, v40, vm0, $0xb8;
	[tilespmem:$0x18600] =	vst v63  }
0x51d: {  	v40 =	vld [tilespmem:$0x4A0];
	_ =	sdelay $0x4  }
0x51e: {  	v55 =	vshrl.u32 v40, $0x3  }
0x51f: {  	v41 =	vmul.u32 $0x30, v55  }
0x520: {  	v40 =	vand.u32 $0x7, v40  }
0x521: {  	v40 =	vor.u32 v40, v41  }
0x522: {  	v41 =	vperm.xlane v40, v37;
	_ =	sdelay $0x1  }
0x523: {  	v41 =	vadd.s32 v38, v41;
	_ =	sdelay $0x3  }
0x524: {  	s11 =	simm.s32 $0x12600;
	v40 =	vperm.xlane v40, v39  }
0x525: {  	[tilespmem:s11], [sflag:$0x1] =	stream.indirect_vreg.gather [hbm4b:s4+s3], $0x80, v41, vm0, $0xb8;
	[tilespmem:$0x18600] =	vst v63  }
0x526: {  	s21 =	simm.s32 $0x12E00;
	v40 =	vadd.s32 v38, v40  }
0x527: {  	[tilespmem:s21], [sflag:$0x1] =	stream.indirect_vreg.gather [hbm4b:s6+s3], $0x80, v41, vm0, $0xb8;
	[tilespmem:$0x18600] =	vst v63  }
0x528: {  	s22 =	simm.s32 $0x13600  }
0x529: {  	[tilespmem:s22], [sflag:$0x1] =	stream.indirect_vreg.gather [hbm4b:s7+s3], $0x80, v41, vm0, $0xb8;
	[tilespmem:$0x18600] =	vst v63  }
0x52a: {  	s23 =	simm.s32 $0x13E00  }
0x52b: {  	[tilespmem:s23], [sflag:$0x1] =	stream.indirect_vreg.gather [hbm4b:s4+s3], $0x80, v40, vm0, $0xb8;
	[tilespmem:$0x18600] =	vst v63  }
0x52c: {  	s26 =	simm.s32 $0x14600  }
0x52d: {  	[tilespmem:s26], [sflag:$0x1] =	stream.indirect_vreg.gather [hbm4b:s6+s3], $0x80, v40, vm0, $0xb8;
	[tilespmem:$0x18600] =	vst v63  }
0x52e: {  	s12 =	simm.s32 $0x14E00  }
0x52f: {  	[tilespmem:s12], [sflag:$0x1] =	stream.indirect_vreg.gather [hbm4b:s7+s3], $0x80, v40, vm0, $0xb8;
	[tilespmem:$0x18600] =	vst v63  }
0x530: {  	v40 =	vld [tilespmem:$0x4B0];
	_ =	sdelay $0x4  }
0x531: {  	v56 =	vshrl.u32 v40, $0x3  }
0x532: {  	v41 =	vmul.u32 $0x30, v56  }
0x533: {  	v40 =	vand.u32 $0x7, v40  }
0x534: {  	v40 =	vor.u32 v40, v41  }
0x535: {  	v41 =	vperm.xlane v40, v37;
	_ =	sdelay $0x1  }
0x536: {  	v41 =	vadd.s32 v38, v41;
	_ =	sdelay $0x3  }
0x537: {  	s13 =	simm.s32 $0x15600;
	v40 =	vperm.xlane v40, v39  }
0x538: {  	[tilespmem:s13], [sflag:$0x1] =	stream.indirect_vreg.gather [hbm4b:s4+s3], $0x80, v41, vm0, $0xb8;
	[tilespmem:$0x18600] =	vst v63  }
0x539: {  	s28 =	simm.s32 $0x15E00;
	v40 =	vadd.s32 v38, v40  }
0x53a: {  	[tilespmem:s28], [sflag:$0x1] =	stream.indirect_vreg.gather [hbm4b:s6+s3], $0x80, v41, vm0, $0xb8;
	[tilespmem:$0x18600] =	vst v63  }
0x53b: {  	s29 =	simm.s32 $0x16600  }
0x53c: {  	[tilespmem:s29], [sflag:$0x1] =	stream.indirect_vreg.gather [hbm4b:s7+s3], $0x80, v41, vm0, $0xb8;
	[tilespmem:$0x18600] =	vst v63  }
0x53d: {  	s30 =	simm.s32 $0x16E00  }
0x53e: {  	[tilespmem:s30], [sflag:$0x1] =	stream.indirect_vreg.gather [hbm4b:s4+s3], $0x80, v40, vm0, $0xb8;
	[tilespmem:$0x18600] =	vst v63  }
0x53f: {  	s31 =	simm.s32 $0x17600  }
0x540: {  	[tilespmem:s31], [sflag:$0x1] =	stream.indirect_vreg.gather [hbm4b:s6+s3], $0x80, v40, vm0, $0xb8;
	[tilespmem:$0x18600] =	vst v63  }
0x541: {  	s24 =	simm.s32 $0x17E00;
	s0 =	simm.s32 $0x1  }
0x542: {  	[tilespmem:s24], [sflag:$0x1] =	stream.indirect_vreg.gather [hbm4b:s7+s3], $0x80, v40, vm0, $0xb8;
	[tilespmem:$0x18600] =	vst v63  }
0x543: {  	_ =	swait.ge [sflag:s0], $0xC000  }
0x544: {  	[sflag:s0] =	ssyncset.done $0x0  }
0x545: {  	[sflag:s0] =	ssyncadd.s32 $0xFFFF4000  }
0x546: {  	v57 =	vld [tilespmem:$0x580];
	_ =	sdelay $0x4  }
0x547: {  	v58 =	vshrl.u32 v57, $0x3  }
0x548: {  	v41 =	vmul.u32 $0x30, v58  }
0x549: {  	v40 =	vand.u32 $0x7, v57  }
0x54a: {  	v40 =	vor.u32 v40, v41  }
0x54b: {  	v41 =	vperm.xlane v40, v37;
	_ =	sdelay $0x1  }
0x54c: {  	v41 =	vadd.s32 v38, v41;
	_ =	sdelay $0x3  }
0x54d: {  	s0 =	simm.s32 $0xC600;
	v40 =	vperm.xlane v40, v39  }
0x54e: {  	[hbm4b:s2+s3] =	stream.indirect_vreg.scatter [tilespmem:s0], [sflag:$0x3], $0x80, v41, vm0, $0xb8;
	[tilespmem:$0x18600] =	vst v63  }
0x54f: {  	v40 =	vadd.s32 v38, v40  }
0x550: {  	[hbm4b:s8+s3] =	stream.indirect_vreg.scatter [tilespmem:s1], [sflag:$0x3], $0x80, v41, vm0, $0xb8;
	[tilespmem:$0x18600] =	vst v63  }
0x551: {  	_ = 	snop  }
0x552: {  	[hbm4b:s9+s3] =	stream.indirect_vreg.scatter [tilespmem:s14], [sflag:$0x3], $0x80, v41, vm0, $0xb8;
	[tilespmem:$0x18600] =	vst v63  }
0x553: {  	_ = 	snop  }
0x554: {  	[hbm4b:s2+s3] =	stream.indirect_vreg.scatter [tilespmem:s15], [sflag:$0x3], $0x80, v40, vm0, $0xb8;
	[tilespmem:$0x18600] =	vst v63  }
0x555: {  	_ = 	snop  }
0x556: {  	[hbm4b:s8+s3] =	stream.indirect_vreg.scatter [tilespmem:s16], [sflag:$0x3], $0x80, v40, vm0, $0xb8;
	[tilespmem:$0x18600] =	vst v63  }
0x557: {  	_ = 	snop  }
0x558: {  	[hbm4b:s9+s3] =	stream.indirect_vreg.scatter [tilespmem:s25], [sflag:$0x3], $0x80, v40, vm0, $0xb8;
	[tilespmem:$0x18600] =	vst v63  }
0x559: {  	v40 =	vld [tilespmem:$0x590];
	_ =	sdelay $0x4  }
0x55a: {  	v59 =	vshrl.u32 v40, $0x3  }
0x55b: {  	v41 =	vmul.u32 $0x30, v59  }
0x55c: {  	v40 =	vand.u32 $0x7, v40  }
0x55d: {  	v40 =	vor.u32 v40, v41  }
0x55e: {  	v41 =	vperm.xlane v40, v37;
	_ =	sdelay $0x1  }
0x55f: {  	v41 =	vadd.s32 v38, v41;
	_ =	sdelay $0x3  }
0x560: {  	v40 =	vperm.xlane v40, v39  }
0x561: {  	[hbm4b:s2+s3] =	stream.indirect_vreg.scatter [tilespmem:s5], [sflag:$0x3], $0x80, v41, vm0, $0xb8;
	[tilespmem:$0x18600] =	vst v63  }
0x562: {  	v40 =	vadd.s32 v38, v40  }
0x563: {  	[hbm4b:s8+s3] =	stream.indirect_vreg.scatter [tilespmem:s17], [sflag:$0x3], $0x80, v41, vm0, $0xb8;
	[tilespmem:$0x18600] =	vst v63  }
0x564: {  	_ = 	snop  }
0x565: {  	[hbm4b:s9+s3] =	stream.indirect_vreg.scatter [tilespmem:s18], [sflag:$0x3], $0x80, v41, vm0, $0xb8;
	[tilespmem:$0x18600] =	vst v63  }
0x566: {  	_ = 	snop  }
0x567: {  	[hbm4b:s2+s3] =	stream.indirect_vreg.scatter [tilespmem:s19], [sflag:$0x3], $0x80, v40, vm0, $0xb8;
	[tilespmem:$0x18600] =	vst v63  }
0x568: {  	_ = 	snop  }
0x569: {  	[hbm4b:s8+s3] =	stream.indirect_vreg.scatter [tilespmem:s20], [sflag:$0x3], $0x80, v40, vm0, $0xb8;
	[tilespmem:$0x18600] =	vst v63  }
0x56a: {  	_ = 	snop  }
0x56b: {  	[hbm4b:s9+s3] =	stream.indirect_vreg.scatter [tilespmem:s10], [sflag:$0x3], $0x80, v40, vm0, $0xb8;
	[tilespmem:$0x18600] =	vst v63  }
0x56c: {  	v40 =	vld [tilespmem:$0x5A0];
	_ =	sdelay $0x4  }
0x56d: {  	v60 =	vshrl.u32 v40, $0x3  }
0x56e: {  	v41 =	vmul.u32 $0x30, v60  }
0x56f: {  	v40 =	vand.u32 $0x7, v40  }
0x570: {  	v40 =	vor.u32 v40, v41  }
0x571: {  	v41 =	vperm.xlane v40, v37;
	_ =	sdelay $0x1  }
0x572: {  	v41 =	vadd.s32 v38, v41;
	_ =	sdelay $0x3  }
0x573: {  	v40 =	vperm.xlane v40, v39  }
0x574: {  	[hbm4b:s2+s3] =	stream.indirect_vreg.scatter [tilespmem:s11], [sflag:$0x3], $0x80, v41, vm0, $0xb8;
	[tilespmem:$0x18600] =	vst v63  }
0x575: {  	v40 =	vadd.s32 v38, v40  }
0x576: {  	[hbm4b:s8+s3] =	stream.indirect_vreg.scatter [tilespmem:s21], [sflag:$0x3], $0x80, v41, vm0, $0xb8;
	[tilespmem:$0x18600] =	vst v63  }
0x577: {  	_ = 	snop  }
0x578: {  	[hbm4b:s9+s3] =	stream.indirect_vreg.scatter [tilespmem:s22], [sflag:$0x3], $0x80, v41, vm0, $0xb8;
	[tilespmem:$0x18600] =	vst v63  }
0x579: {  	_ = 	snop  }
0x57a: {  	[hbm4b:s2+s3] =	stream.indirect_vreg.scatter [tilespmem:s23], [sflag:$0x3], $0x80, v40, vm0, $0xb8;
	[tilespmem:$0x18600] =	vst v63  }
0x57b: {  	_ = 	snop  }
0x57c: {  	[hbm4b:s8+s3] =	stream.indirect_vreg.scatter [tilespmem:s26], [sflag:$0x3], $0x80, v40, vm0, $0xb8;
	[tilespmem:$0x18600] =	vst v63  }
0x57d: {  	_ = 	snop  }
0x57e: {  	[hbm4b:s9+s3] =	stream.indirect_vreg.scatter [tilespmem:s12], [sflag:$0x3], $0x80, v40, vm0, $0xb8;
	[tilespmem:$0x18600] =	vst v63  }
0x57f: {  	v40 =	vld [tilespmem:$0x5B0];
	_ =	sdelay $0x4  }
0x580: {  	v61 =	vshrl.u32 v40, $0x3  }
0x581: {  	v41 =	vmul.u32 $0x30, v61  }
0x582: {  	v40 =	vand.u32 $0x7, v40  }
0x583: {  	v40 =	vor.u32 v40, v41  }
0x584: {  	v41 =	vperm.xlane v40, v37;
	_ =	sdelay $0x1  }
0x585: {  	v41 =	vadd.s32 v38, v41;
	_ =	sdelay $0x3  }
0x586: {  	v40 =	vperm.xlane v40, v39  }
0x587: {  	[hbm4b:s2+s3] =	stream.indirect_vreg.scatter [tilespmem:s13], [sflag:$0x3], $0x80, v41, vm0, $0xb8;
	[tilespmem:$0x18600] =	vst v63  }
0x588: {  	v40 =	vadd.s32 v38, v40  }
0x589: {  	[hbm4b:s8+s3] =	stream.indirect_vreg.scatter [tilespmem:s28], [sflag:$0x3], $0x80, v41, vm0, $0xb8;
	[tilespmem:$0x18600] =	vst v63  }
0x58a: {  	_ = 	snop  }
0x58b: {  	[hbm4b:s9+s3] =	stream.indirect_vreg.scatter [tilespmem:s29], [sflag:$0x3], $0x80, v41, vm0, $0xb8;
	[tilespmem:$0x18600] =	vst v63  }
0x58c: {  	_ = 	snop  }
0x58d: {  	[hbm4b:s2+s3] =	stream.indirect_vreg.scatter [tilespmem:s30], [sflag:$0x3], $0x80, v40, vm0, $0xb8;
	[tilespmem:$0x18600] =	vst v63  }
0x58e: {  	_ = 	snop  }
0x58f: {  	[hbm4b:s8+s3] =	stream.indirect_vreg.scatter [tilespmem:s31], [sflag:$0x3], $0x80, v40, vm0, $0xb8;
	[tilespmem:$0x18600] =	vst v63  }
0x590: {  	s14 =	simm.s32 $0x2  }
0x591: {  	[hbm4b:s9+s3] =	stream.indirect_vreg.scatter [tilespmem:s24], [sflag:$0x3], $0x80, v40, vm0, $0xb8;
	[tilespmem:$0x18600] =	vst v63  }
0x592: {  	s1 =	rddreg [dreg:$0x4];
	_ =	swait.ge [sflag:s14], $0xC000  }
0x593: {  	[sflag:s14] =	ssyncset.done $0x0  }
0x594: {  	[sflag:s14] =	ssyncadd.s32 $0xFFFF4000  }
0x595: {  	v62 =	vld [tilespmem:$0x400];
	_ =	sdelay $0x4  }
0x596: {  	vm1 =	vgt.s32 v62, $0x0  }
0x597: {  	v40 =	vnsel vm1, $0x0, v62  }
0x598: {  	v40 =	vmin.u32 v40, $0xA5  }
0x599: {  	v40 =	vshll.u32 v40, $0x4  }
0x59a: {  	v40 =	vadd.s32 v0, v40  }
0x59b: {  	[tilespmem:$0x480] =	vst v40  }
0x59c: {  	v40 =	vld [tilespmem:$0x480];
	_ =	sdelay $0x1  }
0x59d: {  	v63 =	vld [tilespmem:$0x410]  }
0x59e: {  	v48 =	vld [tilespmem:$0x420]  }
0x59f: {  	v49 =	vld [tilespmem:$0x430]  }
0x5a0: {  	v50 =	vshrl.u32 v40, $0x3  }
0x5a1: {  	v44 =	vmul.u32 $0x30, v50  }
0x5a2: {  	vm1 =	vgt.s32 v63, $0x0;
	v40 =	vand.u32 $0x7, v40  }
0x5a3: {  	v41 =	vnsel vm1, $0x0, v63;
	vm1 =	vgt.s32 v48, $0x0;
	v40 =	vor.u32 v40, v44  }
0x5a4: {  	[tilespmem:$0x500] =	vst v33;
	v42 =	vnsel vm1, $0x0, v48;
	vm1 =	vgt.s32 v49, $0x0;
	v53 =	vperm.xlane v40, v37  }
0x5a5: {  	[tilespmem:$0x510] =	vst v34;
	v41 =	vmin.u32 v41, $0xA5;
	v43 =	vnsel vm1, $0x0, v49  }
0x5a6: {  	[tilespmem:$0x520] =	vst v35;
	v41 =	vshll.u32 v41, $0x4;
	v42 =	vmin.u32 v42, $0xA5;
	v55 =	vadd.s32 v38, v53  }
0x5a7: {  	[tilespmem:$0x530] =	vst v36;
	v41 =	vadd.s32 v0, v41;
	v42 =	vshll.u32 v42, $0x4;
	v43 =	vmin.u32 v43, $0xA5  }
0x5a8: {  	[tilespmem:$0x490] =	vst v41;
	v51 =	vadd.s32 v0, v42;
	v52 =	vshll.u32 v43, $0x4  }
0x5a9: {  	[tilespmem:$0x4A0] =	vst v51;
	v54 =	vadd.s32 v0, v52  }
0x5aa: {  	s5 =	simm.s32 $0x600;
	[tilespmem:$0x4B0] =	vst v54;
	v40 =	vperm.xlane v40, v39  }
0x5ab: {  	[tilespmem:s5], [sflag:$0x1] =	stream.indirect_vreg.gather [hbm4b:s4+s3], $0x80, v55, vm0, $0xb8;
	[tilespmem:$0x18600] =	vst v63  }
0x5ac: {  	s23 =	simm.s32 $0xE00;
	v40 =	vadd.s32 v38, v40  }
0x5ad: {  	[tilespmem:s23], [sflag:$0x1] =	stream.indirect_vreg.gather [hbm4b:s6+s3], $0x80, v55, vm0, $0xb8;
	[tilespmem:$0x18600] =	vst v63  }
0x5ae: {  	s22 =	simm.s32 $0x1600  }
0x5af: {  	[tilespmem:s22], [sflag:$0x1] =	stream.indirect_vreg.gather [hbm4b:s7+s3], $0x80, v55, vm0, $0xb8;
	[tilespmem:$0x18600] =	vst v63  }
0x5b0: {  	s25 =	simm.s32 $0x1E00  }
0x5b1: {  	[tilespmem:s25], [sflag:$0x1] =	stream.indirect_vreg.gather [hbm4b:s4+s3], $0x80, v40, vm0, $0xb8;
	[tilespmem:$0x18600] =	vst v63  }
0x5b2: {  	s26 =	simm.s32 $0x2600  }
0x5b3: {  	[tilespmem:s26], [sflag:$0x1] =	stream.indirect_vreg.gather [hbm4b:s6+s3], $0x80, v40, vm0, $0xb8;
	[tilespmem:$0x18600] =	vst v63  }
0x5b4: {  	s16 =	simm.s32 $0x2E00  }
0x5b5: {  	[tilespmem:s16], [sflag:$0x1] =	stream.indirect_vreg.gather [hbm4b:s7+s3], $0x80, v40, vm0, $0xb8;
	[tilespmem:$0x18600] =	vst v63  }
0x5b6: {  	v40 =	vld [tilespmem:$0x490];
	_ =	sdelay $0x4  }
0x5b7: {  	v56 =	vshrl.u32 v40, $0x3  }
0x5b8: {  	v41 =	vmul.u32 $0x30, v56  }
0x5b9: {  	v40 =	vand.u32 $0x7, v40  }
0x5ba: {  	v40 =	vor.u32 v40, v41  }
0x5bb: {  	v41 =	vperm.xlane v40, v37;
	_ =	sdelay $0x1  }
0x5bc: {  	v41 =	vadd.s32 v38, v41;
	_ =	sdelay $0x3  }
0x5bd: {  	s24 =	simm.s32 $0x3600;
	v40 =	vperm.xlane v40, v39  }
0x5be: {  	[tilespmem:s24], [sflag:$0x1] =	stream.indirect_vreg.gather [hbm4b:s4+s3], $0x80, v41, vm0, $0xb8;
	[tilespmem:$0x18600] =	vst v63  }
0x5bf: {  	s28 =	simm.s32 $0x3E00;
	v40 =	vadd.s32 v38, v40  }
0x5c0: {  	[tilespmem:s28], [sflag:$0x1] =	stream.indirect_vreg.gather [hbm4b:s6+s3], $0x80, v41, vm0, $0xb8;
	[tilespmem:$0x18600] =	vst v63  }
0x5c1: {  	s29 =	simm.s32 $0x4600  }
0x5c2: {  	[tilespmem:s29], [sflag:$0x1] =	stream.indirect_vreg.gather [hbm4b:s7+s3], $0x80, v41, vm0, $0xb8;
	[tilespmem:$0x18600] =	vst v63  }
0x5c3: {  	s10 =	simm.s32 $0x4E00  }
0x5c4: {  	[tilespmem:s10], [sflag:$0x1] =	stream.indirect_vreg.gather [hbm4b:s4+s3], $0x80, v40, vm0, $0xb8;
	[tilespmem:$0x18600] =	vst v63  }
0x5c5: {  	s30 =	simm.s32 $0x5600  }
0x5c6: {  	[tilespmem:s30], [sflag:$0x1] =	stream.indirect_vreg.gather [hbm4b:s6+s3], $0x80, v40, vm0, $0xb8;
	[tilespmem:$0x18600] =	vst v63  }
0x5c7: {  	s17 =	simm.s32 $0x5E00  }
0x5c8: {  	[tilespmem:s17], [sflag:$0x1] =	stream.indirect_vreg.gather [hbm4b:s7+s3], $0x80, v40, vm0, $0xb8;
	[tilespmem:$0x18600] =	vst v63  }
0x5c9: {  	v40 =	vld [tilespmem:$0x4A0];
	_ =	sdelay $0x4  }
0x5ca: {  	v57 =	vshrl.u32 v40, $0x3  }
0x5cb: {  	v41 =	vmul.u32 $0x30, v57  }
0x5cc: {  	v40 =	vand.u32 $0x7, v40  }
0x5cd: {  	v40 =	vor.u32 v40, v41  }
0x5ce: {  	v41 =	vperm.xlane v40, v37;
	_ =	sdelay $0x1  }
0x5cf: {  	v41 =	vadd.s32 v38, v41;
	_ =	sdelay $0x3  }
0x5d0: {  	s18 =	simm.s32 $0x6600;
	v40 =	vperm.xlane v40, v39  }
0x5d1: {  	[tilespmem:s18], [sflag:$0x1] =	stream.indirect_vreg.gather [hbm4b:s4+s3], $0x80, v41, vm0, $0xb8;
	[tilespmem:$0x18600] =	vst v63  }
0x5d2: {  	s11 =	simm.s32 $0x6E00;
	v40 =	vadd.s32 v38, v40  }
0x5d3: {  	[tilespmem:s11], [sflag:$0x1] =	stream.indirect_vreg.gather [hbm4b:s6+s3], $0x80, v41, vm0, $0xb8;
	[tilespmem:$0x18600] =	vst v63  }
0x5d4: {  	s31 =	simm.s32 $0x7600  }
0x5d5: {  	[tilespmem:s31], [sflag:$0x1] =	stream.indirect_vreg.gather [hbm4b:s7+s3], $0x80, v41, vm0, $0xb8;
	[tilespmem:$0x18600] =	vst v63  }
0x5d6: {  	s13 =	simm.s32 $0x7E00  }
0x5d7: {  	[tilespmem:s13], [sflag:$0x1] =	stream.indirect_vreg.gather [hbm4b:s4+s3], $0x80, v40, vm0, $0xb8;
	[tilespmem:$0x18600] =	vst v63  }
0x5d8: {  	s19 =	simm.s32 $0x8600  }
0x5d9: {  	[tilespmem:s19], [sflag:$0x1] =	stream.indirect_vreg.gather [hbm4b:s6+s3], $0x80, v40, vm0, $0xb8;
	[tilespmem:$0x18600] =	vst v63  }
0x5da: {  	s20 =	simm.s32 $0x8E00  }
0x5db: {  	[tilespmem:s20], [sflag:$0x1] =	stream.indirect_vreg.gather [hbm4b:s7+s3], $0x80, v40, vm0, $0xb8;
	[tilespmem:$0x18600] =	vst v63  }
0x5dc: {  	v40 =	vld [tilespmem:$0x4B0];
	_ =	sdelay $0x4  }
0x5dd: {  	v58 =	vshrl.u32 v40, $0x3  }
0x5de: {  	v41 =	vmul.u32 $0x30, v58  }
0x5df: {  	v40 =	vand.u32 $0x7, v40  }
0x5e0: {  	v40 =	vor.u32 v40, v41  }
0x5e1: {  	v41 =	vperm.xlane v40, v37;
	_ =	sdelay $0x1  }
0x5e2: {  	v41 =	vadd.s32 v38, v41;
	_ =	sdelay $0x3  }
0x5e3: {  	s21 =	simm.s32 $0x9600;
	v40 =	vperm.xlane v40, v39  }
0x5e4: {  	[tilespmem:s21], [sflag:$0x1] =	stream.indirect_vreg.gather [hbm4b:s4+s3], $0x80, v41, vm0, $0xb8;
	[tilespmem:$0x18600] =	vst v63  }
0x5e5: {  	s14 =	simm.s32 $0x9E00;
	v40 =	vadd.s32 v38, v40  }
0x5e6: {  	[tilespmem:s14], [sflag:$0x1] =	stream.indirect_vreg.gather [hbm4b:s6+s3], $0x80, v41, vm0, $0xb8;
	[tilespmem:$0x18600] =	vst v63  }
0x5e7: {  	s15 =	simm.s32 $0xA600  }
0x5e8: {  	[tilespmem:s15], [sflag:$0x1] =	stream.indirect_vreg.gather [hbm4b:s7+s3], $0x80, v41, vm0, $0xb8;
	[tilespmem:$0x18600] =	vst v63  }
0x5e9: {  	s15 =	simm.s32 $0xAE00  }
0x5ea: {  	[tilespmem:s15], [sflag:$0x1] =	stream.indirect_vreg.gather [hbm4b:s4+s3], $0x80, v40, vm0, $0xb8;
	[tilespmem:$0x18600] =	vst v63  }
0x5eb: {  	s12 =	simm.s32 $0xB600  }
0x5ec: {  	[tilespmem:s12], [sflag:$0x1] =	stream.indirect_vreg.gather [hbm4b:s6+s3], $0x80, v40, vm0, $0xb8;
	[tilespmem:$0x18600] =	vst v63  }
0x5ed: {  	s0 =	simm.s32 $0x1;
	s12 =	simm.s32 $0xBE00  }
0x5ee: {  	[tilespmem:s12], [sflag:$0x1] =	stream.indirect_vreg.gather [hbm4b:s7+s3], $0x80, v40, vm0, $0xb8;
	[tilespmem:$0x18600] =	vst v63  }
0x5ef: {  	_ =	swait.ge [sflag:s0], $0xC000  }
0x5f0: {  	[sflag:s0] =	ssyncset.done $0x0  }
0x5f1: {  	[sflag:s0] =	ssyncadd.s32 $0xFFFF4000  }
0x5f2: {  	v59 =	vld [tilespmem:$0x500];
	_ =	sdelay $0x4  }
0x5f3: {  	v60 =	vshrl.u32 v59, $0x3  }
0x5f4: {  	v41 =	vmul.u32 $0x30, v60  }
0x5f5: {  	v40 =	vand.u32 $0x7, v59  }
0x5f6: {  	v40 =	vor.u32 v40, v41  }
0x5f7: {  	v41 =	vperm.xlane v40, v37;
	_ =	sdelay $0x1  }
0x5f8: {  	v41 =	vadd.s32 v38, v41;
	_ =	sdelay $0x3  }
0x5f9: {  	v40 =	vperm.xlane v40, v39  }
0x5fa: {  	[hbm4b:s2+s3] =	stream.indirect_vreg.scatter [tilespmem:s5], [sflag:$0x2], $0x80, v41, vm0, $0xb8;
	[tilespmem:$0x18600] =	vst v63  }
0x5fb: {  	v40 =	vadd.s32 v38, v40  }
0x5fc: {  	[hbm4b:s8+s3] =	stream.indirect_vreg.scatter [tilespmem:s23], [sflag:$0x2], $0x80, v41, vm0, $0xb8;
	[tilespmem:$0x18600] =	vst v63  }
0x5fd: {  	_ = 	snop  }
0x5fe: {  	[hbm4b:s9+s3] =	stream.indirect_vreg.scatter [tilespmem:s22], [sflag:$0x2], $0x80, v41, vm0, $0xb8;
	[tilespmem:$0x18600] =	vst v63  }
0x5ff: {  	_ = 	snop  }
0x600: {  	[hbm4b:s2+s3] =	stream.indirect_vreg.scatter [tilespmem:s25], [sflag:$0x2], $0x80, v40, vm0, $0xb8;
	[tilespmem:$0x18600] =	vst v63  }
0x601: {  	_ = 	snop  }
0x602: {  	[hbm4b:s8+s3] =	stream.indirect_vreg.scatter [tilespmem:s26], [sflag:$0x2], $0x80, v40, vm0, $0xb8;
	[tilespmem:$0x18600] =	vst v63  }
0x603: {  	_ = 	snop  }
0x604: {  	[hbm4b:s9+s3] =	stream.indirect_vreg.scatter [tilespmem:s16], [sflag:$0x2], $0x80, v40, vm0, $0xb8;
	[tilespmem:$0x18600] =	vst v63  }
0x605: {  	v40 =	vld [tilespmem:$0x510];
	_ =	sdelay $0x4  }
0x606: {  	v61 =	vshrl.u32 v40, $0x3  }
0x607: {  	v41 =	vmul.u32 $0x30, v61  }
0x608: {  	v40 =	vand.u32 $0x7, v40  }
0x609: {  	v40 =	vor.u32 v40, v41  }
0x60a: {  	v41 =	vperm.xlane v40, v37;
	_ =	sdelay $0x1  }
0x60b: {  	v41 =	vadd.s32 v38, v41;
	_ =	sdelay $0x3  }
0x60c: {  	v40 =	vperm.xlane v40, v39  }
0x60d: {  	[hbm4b:s2+s3] =	stream.indirect_vreg.scatter [tilespmem:s24], [sflag:$0x2], $0x80, v41, vm0, $0xb8;
	[tilespmem:$0x18600] =	vst v63  }
0x60e: {  	v40 =	vadd.s32 v38, v40  }
0x60f: {  	[hbm4b:s8+s3] =	stream.indirect_vreg.scatter [tilespmem:s28], [sflag:$0x2], $0x80, v41, vm0, $0xb8;
	[tilespmem:$0x18600] =	vst v63  }
0x610: {  	_ = 	snop  }
0x611: {  	[hbm4b:s9+s3] =	stream.indirect_vreg.scatter [tilespmem:s29], [sflag:$0x2], $0x80, v41, vm0, $0xb8;
	[tilespmem:$0x18600] =	vst v63  }
0x612: {  	_ = 	snop  }
0x613: {  	[hbm4b:s2+s3] =	stream.indirect_vreg.scatter [tilespmem:s10], [sflag:$0x2], $0x80, v40, vm0, $0xb8;
	[tilespmem:$0x18600] =	vst v63  }
0x614: {  	_ = 	snop  }
0x615: {  	[hbm4b:s8+s3] =	stream.indirect_vreg.scatter [tilespmem:s30], [sflag:$0x2], $0x80, v40, vm0, $0xb8;
	[tilespmem:$0x18600] =	vst v63  }
0x616: {  	_ = 	snop  }
0x617: {  	[hbm4b:s9+s3] =	stream.indirect_vreg.scatter [tilespmem:s17], [sflag:$0x2], $0x80, v40, vm0, $0xb8;
	[tilespmem:$0x18600] =	vst v63  }
0x618: {  	v40 =	vld [tilespmem:$0x520];
	_ =	sdelay $0x4  }
0x619: {  	v62 =	vshrl.u32 v40, $0x3  }
0x61a: {  	v41 =	vmul.u32 $0x30, v62  }
0x61b: {  	v40 =	vand.u32 $0x7, v40  }
0x61c: {  	v40 =	vor.u32 v40, v41  }
0x61d: {  	v41 =	vperm.xlane v40, v37;
	_ =	sdelay $0x1  }
0x61e: {  	v41 =	vadd.s32 v38, v41;
	_ =	sdelay $0x3  }
0x61f: {  	v40 =	vperm.xlane v40, v39  }
0x620: {  	[hbm4b:s2+s3] =	stream.indirect_vreg.scatter [tilespmem:s18], [sflag:$0x2], $0x80, v41, vm0, $0xb8;
	[tilespmem:$0x18600] =	vst v63  }
0x621: {  	v40 =	vadd.s32 v38, v40  }
0x622: {  	[hbm4b:s8+s3] =	stream.indirect_vreg.scatter [tilespmem:s11], [sflag:$0x2], $0x80, v41, vm0, $0xb8;
	[tilespmem:$0x18600] =	vst v63  }
0x623: {  	_ = 	snop  }
0x624: {  	[hbm4b:s9+s3] =	stream.indirect_vreg.scatter [tilespmem:s31], [sflag:$0x2], $0x80, v41, vm0, $0xb8;
	[tilespmem:$0x18600] =	vst v63  }
0x625: {  	_ = 	snop  }
0x626: {  	[hbm4b:s2+s3] =	stream.indirect_vreg.scatter [tilespmem:s13], [sflag:$0x2], $0x80, v40, vm0, $0xb8;
	[tilespmem:$0x18600] =	vst v63  }
0x627: {  	_ = 	snop  }
0x628: {  	[hbm4b:s8+s3] =	stream.indirect_vreg.scatter [tilespmem:s19], [sflag:$0x2], $0x80, v40, vm0, $0xb8;
	[tilespmem:$0x18600] =	vst v63  }
0x629: {  	_ = 	snop  }
0x62a: {  	[hbm4b:s9+s3] =	stream.indirect_vreg.scatter [tilespmem:s20], [sflag:$0x2], $0x80, v40, vm0, $0xb8;
	[tilespmem:$0x18600] =	vst v63  }
0x62b: {  	v40 =	vld [tilespmem:$0x530];
	_ =	sdelay $0x4  }
0x62c: {  	v63 =	vshrl.u32 v40, $0x3  }
0x62d: {  	v41 =	vmul.u32 $0x30, v63  }
0x62e: {  	v40 =	vand.u32 $0x7, v40  }
0x62f: {  	v40 =	vor.u32 v40, v41  }
0x630: {  	v41 =	vperm.xlane v40, v37;
	_ =	sdelay $0x1  }
0x631: {  	v41 =	vadd.s32 v38, v41;
	_ =	sdelay $0x3  }
0x632: {  	v40 =	vperm.xlane v40, v39  }
0x633: {  	[hbm4b:s2+s3] =	stream.indirect_vreg.scatter [tilespmem:s21], [sflag:$0x2], $0x80, v41, vm0, $0xb8;
	[tilespmem:$0x18600] =	vst v63  }
0x634: {  	v40 =	vadd.s32 v38, v40  }
0x635: {  	[hbm4b:s8+s3] =	stream.indirect_vreg.scatter [tilespmem:s14], [sflag:$0x2], $0x80, v41, vm0, $0xb8;
	[tilespmem:$0x18600] =	vst v63  }
0x636: {  	s26 =	simm.s32 $0xA600  }
0x637: {  	[hbm4b:s9+s3] =	stream.indirect_vreg.scatter [tilespmem:s26], [sflag:$0x2], $0x80, v41, vm0, $0xb8;
	[tilespmem:$0x18600] =	vst v63  }
0x638: {  	_ = 	snop  }
0x639: {  	[hbm4b:s2+s3] =	stream.indirect_vreg.scatter [tilespmem:s15], [sflag:$0x2], $0x80, v40, vm0, $0xb8;
	[tilespmem:$0x18600] =	vst v63  }
0x63a: {  	s28 =	simm.s32 $0xB600  }
0x63b: {  	[hbm4b:s8+s3] =	stream.indirect_vreg.scatter [tilespmem:s28], [sflag:$0x2], $0x80, v40, vm0, $0xb8;
	[tilespmem:$0x18600] =	vst v63  }
0x63c: {  	s29 =	simm.s32 $0x3  }
0x63d: {  	[hbm4b:s9+s3] =	stream.indirect_vreg.scatter [tilespmem:s12], [sflag:$0x2], $0x80, v40, vm0, $0xb8;
	[tilespmem:$0x18600] =	vst v63  }
0x63e: {  	p0 =	sne.s32 s1, $0x1;
	_ =	swait.ge [sflag:s29], $0xC000  }
.Ltmp0:
0x63f: {  	[sflag:s29] =	ssyncset.done $0x0;
	(pc) =	sbr.rel @p0 .LBB2_1-.Ltmp0, $4  }
0x640: {  	s30 =	simm.s32 $0x2;
	[sflag:s29] =	ssyncadd.s32 $0xFFFF4000  }
0x641: {  	_ =	swait.ge [sflag:s30], $0xC000  }
0x642: {  	s31 =	simm.s32 $0x2;
	[sflag:s30] =	ssyncset.done $0x0  }
0x643: {  	s1 =	sadd.s32 $0xFFFFFFFF, s1;
	[sflag:s31] =	ssyncadd.s32 $0xFFFF4000  }
0x644: {  	_ =	sfence.sel $0x180000  }
0x645: {  	[bflag:$0x0] =	sbarrier.arrive $0xFFFF  }
0x646: {  	_ =	strace $0x90000047  }
0x647: {  	s0 =	stileid.u32;
	[bflag:$0x2] =	sbarrier.arrive $0xFFFF  }
0x648: {  	p0 =	sne.s32 s0, $0x0;
	s0 =	rddreg [dreg:$0x2]  }
0x649: {  	s0 =	sadd.s32 @!p0 $0x100000, s0  }
0x64a: {  	[sflag:s0] =	ssyncadd.tile.s32 @!p0 $0x1;
	_ =	shalt  }
.Lfunc_end2:
_tile_overlayer_lowered:
.L_overlay_start_2:
0x64b: {  	(tag) =	ssettag $0x2  }
0x64c: {  	s0 =	rddreg [dreg:$0x0];
	s2 =	stileid.u32  }
0x64d: {  	s1 =	rddreg [dreg:$0x1];
	p0 =	sne.s32 s2, $0x0  }
0x64e: {  	s3 =	rddreg [dreg:$0x2];
	[bflag:$0x3] =	sbarrier.arrive $0xFFFF;
	s2 =	simm.s32 @!p0 $0x1C04  }
0x64f: {  	[timem:s3], [sflag:s2] =	dma.local @!p0 [hbm:s0], s1  }
0x650: {  	s0 =	simm.s32 @!p0 $0x4  }
0x651: {  	_ =	swait.ge @!p0 [sflag:s0], s1  }
0x652: {  	s1 =	ssub.s32 @!p0 $0x0, s1;
	[sflag:s0] =	ssyncset.done @!p0 $0x0  }
0x653: {  	[sflag:s0] =	ssyncadd.s32 @!p0 s1  }
0x654: {  	[bflag:$0x3] =	sbarrier.arrive $0xFFFF  }
0x655: {  	_ =	shalt  }

</sc_bundles>
